<compile_context>
chip_gen: v7x
topology: tpu7x:2x2x1
jax: 0.10.2.dev20260603
libtpu: 0.0.44.dev20260713+nightly
codegen_flags: <defaults>
</compile_context>

<pallas_src>
import functools

import jax
import jax.numpy as jnp
from jax import lax
from jax.experimental import pallas as pl
from jax.experimental.pallas import tpu as pltpu
from jax.experimental.pallas import tpu_sc as plsc

NC = 2
NS = 16
NW = NC * NS
LANES = 16

K_EDGE = 40
NPAD = 10240


def _z():
  return jnp.int32(0)


def _one():
  return jnp.int32(1)


def _sc_mesh():
  return plsc.VectorSubcoreMesh(core_axis_name="c", subcore_axis_name="s")


def _degree_kernel(src2d, dst2d, n_nodes, e_per_tile):

  @functools.partial(
      pl.kernel,
      out_type=jax.ShapeDtypeStruct((NW, 2 * NPAD), jnp.float32),
      mesh=_sc_mesh(),
      compiler_params=pltpu.CompilerParams(needs_layout_passes=False,
                                           use_tc_tiling_on_sc=False),
      scratch_types=[
          pltpu.VMEM((e_per_tile,), jnp.int32),
          pltpu.VMEM((e_per_tile,), jnp.int32),
          pltpu.VMEM((2 * NPAD,), jnp.float32),
      ],
  )
  def deg_k(src_hbm, dst_hbm, out_hbm, sidx, didx, hist):
    c = lax.axis_index("c")
    s = lax.axis_index("s")
    wid = c * jnp.int32(NS) + s
    pltpu.sync_copy(src_hbm.at[wid], sidx)
    pltpu.sync_copy(dst_hbm.at[wid], didx)

    zeros = jnp.zeros((LANES,), jnp.float32)
    L = jnp.int32(LANES)

    def zbody(i, carry):
      hist[pl.ds(i * L, LANES)] = zeros
      return carry

    lax.fori_loop(jnp.int32(0), jnp.int32(2 * NPAD // LANES), zbody,
                  jnp.int32(0))

    ones = jnp.ones((LANES,), jnp.float32)
    noff = jnp.int32(NPAD)

    def body(i, carry):
      si = sidx[pl.ds(i * L, LANES)]
      di = didx[pl.ds(i * L, LANES)]
      plsc.addupdate_scatter(hist, [si], ones)
      plsc.addupdate_scatter(hist, [di + noff], ones)
      return carry

    lax.fori_loop(jnp.int32(0), jnp.int32(e_per_tile // LANES), body,
                  jnp.int32(0))

    pltpu.sync_copy(hist, out_hbm.at[wid])

  return deg_k(src2d, dst2d)


def _norm_kernel(hist):

  def body(hist_ref, inv_ref):
    h = hist_ref[...]
    cs = jnp.sum(h[:, 0:NPAD], axis=0) + 1.0
    cd = jnp.sum(h[:, NPAD:2 * NPAD], axis=0) + 1.0
    inv2 = lax.rsqrt(jnp.stack([cs, cd]))
    inv_ref[...] = inv2.T

  return pl.pallas_call(
      body,
      out_shape=jax.ShapeDtypeStruct((NPAD, 2), jnp.float32),
  )(hist)


def _aggregate_kernel(h, src3d, dst3d, n_nodes, nblk, feat):
  NBUF = 5
  nquad = nblk // NBUF
  assert nquad * NBUF == nblk

  @functools.partial(
      pl.kernel,
      out_type=jax.ShapeDtypeStruct((NC, n_nodes, feat), jnp.float32),
      mesh=_sc_mesh(),
      compiler_params=pltpu.CompilerParams(use_tc_tiling_on_sc=False),
      scratch_types=[
          pltpu.VMEM_SHARED((n_nodes, feat), jnp.float32),
          pltpu.VMEM((nblk, K_EDGE), jnp.int32),
          pltpu.VMEM((nblk, K_EDGE), jnp.int32),
          pltpu.VMEM((NBUF, K_EDGE, feat), jnp.float32),
          pltpu.VMEM((16, feat), jnp.float32),
          [pltpu.SemaphoreType.DMA] * NBUF,
          pltpu.SemaphoreType.DMA,
          pltpu.SemaphoreType.DMA,
      ],
  )
  def agg_k(h_hbm, src_hbm, dst_hbm, out_hbm, acc_sh, sidx, didx, rows,
            zbuf, gsem, si, zsem):
    c = lax.axis_index("c")
    s = lax.axis_index("s")
    wid = c * jnp.int32(NS) + s

    pltpu.async_copy(src_hbm.at[wid], sidx, si)
    pltpu.async_copy(dst_hbm.at[wid], didx, si)

    zeros = jnp.zeros((LANES,), jnp.float32)
    vpr = jnp.int32(feat // LANES)
    nfull = NS - 1
    crows = (n_nodes // NS // 8) * 8
    lrows = n_nodes - nfull * crows
    cbase = pl.multiple_of(s * jnp.int32(crows), 8)

    def zv(i, carry):
      zbuf[i // vpr, pl.ds((i % vpr) * jnp.int32(LANES), LANES)] = zeros
      return carry

    lax.fori_loop(jnp.int32(0), jnp.int32(16 * (feat // LANES)), zv,
                  jnp.int32(0))

    nz = jnp.where(s == jnp.int32(nfull), jnp.int32(lrows // 16),
                   jnp.int32(crows // 16))

    def zc(m, carry):
      pltpu.async_copy(zbuf, acc_sh.at[pl.ds(cbase + m * jnp.int32(16), 16)],
                       zsem)
      return carry

    lax.fori_loop(jnp.int32(0), nz, zc, jnp.int32(0))

    def zw(m, carry):
      pltpu.make_async_copy(zbuf, acc_sh.at[pl.ds(cbase, 16)], zsem).wait()
      return carry

    lax.fori_loop(jnp.int32(0), nz, zw, jnp.int32(0))
    plsc.subcore_barrier()

    pltpu.make_async_copy(src_hbm.at[wid], sidx, si).wait()
    pltpu.make_async_copy(dst_hbm.at[wid], didx, si).wait()

    def gather(j, k):
      pltpu.async_copy(h_hbm.at[sidx.at[j]], rows.at[jnp.int32(k)],
                       gsem[k])

    def wait_gather(j, k):
      pltpu.make_async_copy(h_hbm.at[sidx.at[j]], rows.at[jnp.int32(k)],
                            gsem[k]).wait()

    for k in range(NBUF):
      gather(jnp.int32(k), k)

    nb = jnp.int32(nblk)

    def quad(m, carry):
      j0 = m * jnp.int32(NBUF)
      for k in range(NBUF):
        j = j0 + jnp.int32(k)
        wait_gather(j, k)
        pltpu.sync_copy(rows.at[jnp.int32(k)], acc_sh.at[didx.at[j]],
                        add=True)
        jn = j + jnp.int32(NBUF)

        @pl.when(jn < nb)
        def _():
          gather(jn, k)

      return carry

    lax.fori_loop(jnp.int32(0), jnp.int32(nquad), quad, jnp.int32(0))
    plsc.subcore_barrier()

    @pl.when(s < jnp.int32(nfull))
    def _():
      pltpu.sync_copy(acc_sh.at[pl.ds(cbase, crows)],
                      out_hbm.at[c, pl.ds(cbase, crows)])

    @pl.when(s == jnp.int32(nfull))
    def _():
      lbase = pl.multiple_of(jnp.int32(nfull * crows), 8)
      pltpu.sync_copy(acc_sh.at[pl.ds(lbase, lrows)],
                      out_hbm.at[c, pl.ds(lbase, lrows)])

  return agg_k(h, src3d, dst3d)


def _tc_matmul(x, w1, n_nodes, feat, br):

  def body(x_ref, w_ref, h_ref):
    h_ref[...] = jnp.dot(x_ref[...], w_ref[...],
                         preferred_element_type=jnp.float32)

  grid = n_nodes // br
  return pl.pallas_call(
      body,
      grid=(grid,),
      in_specs=[
          pl.BlockSpec((br, feat), lambda i: (i, _z())),
          pl.BlockSpec((feat, feat), lambda i: (_z(), _z())),
      ],
      out_specs=pl.BlockSpec((br, feat), lambda i: (i, _z())),
      out_shape=jax.ShapeDtypeStruct((n_nodes, feat), jnp.float32),
  )(x, w1)


def _tc_scale(h0, inv, n_nodes, feat, br):

  def body(h_ref, inv_ref, o_ref):
    o_ref[...] = h_ref[...] * inv_ref[...][:, 0:1]

  grid = n_nodes // br
  return pl.pallas_call(
      body,
      grid=(grid,),
      in_specs=[
          pl.BlockSpec((br, feat), lambda i: (i, _z())),
          pl.BlockSpec((br, 2), lambda i: (i, _z())),
      ],
      out_specs=pl.BlockSpec((br, feat), lambda i: (i, _z())),
      out_shape=jax.ShapeDtypeStruct((n_nodes, feat), jnp.float32),
  )(h0, inv)


def _tc_mid(part, hself, inv, w, b, n_nodes, feat, br):

  def body(p_ref, h_ref, inv_ref, w_ref, b_ref, o_ref):
    iv = inv_ref[...]
    agg = p_ref[0] + p_ref[1] + h_ref[...]
    agg = agg * iv[:, 1:2] + b_ref[...]
    hrelu = jnp.maximum(agg, 0.0)
    o = jnp.dot(hrelu, w_ref[...], preferred_element_type=jnp.float32)
    o_ref[...] = o * iv[:, 0:1]

  grid = n_nodes // br
  return pl.pallas_call(
      body,
      grid=(grid,),
      in_specs=[
          pl.BlockSpec((NC, br, feat), lambda i: (_z(), i, _z())),
          pl.BlockSpec((br, feat), lambda i: (i, _z())),
          pl.BlockSpec((br, 2), lambda i: (i, _z())),
          pl.BlockSpec((feat, feat), lambda i: (_z(), _z())),
          pl.BlockSpec((1, feat), lambda i: (_z(), _z())),
      ],
      out_specs=pl.BlockSpec((br, feat), lambda i: (i, _z())),
      out_shape=jax.ShapeDtypeStruct((n_nodes, feat), jnp.float32),
  )(part, hself, inv, w, b)


def _tc_out(part, hself, inv, w3, b2, b3, n_nodes, feat, ncls, br):

  def body(q_ref, h_ref, inv_ref, w_ref, b2_ref, b3_ref, lo_ref, hi_ref):
    agg = q_ref[0] + q_ref[1] + h_ref[...]
    agg = agg * inv_ref[...][:, 1:2] + b2_ref[...]
    hrelu = jnp.maximum(agg, 0.0)
    logits = jnp.dot(hrelu, w_ref[...], preferred_element_type=jnp.float32)
    logits = logits + b3_ref[...]
    m = jnp.max(logits, axis=1, keepdims=True)
    e = jnp.exp(logits - m)
    lse = jnp.log(jnp.sum(e, axis=1, keepdims=True)) + m
    res = logits - lse
    u = lax.bitcast_convert_type(res, jnp.int32)
    sign = u & jnp.int32(-(1 << 31))
    exp = lax.shift_right_logical(u, jnp.int32(23)) & jnp.int32(0xFF)
    mant = u & jnp.int32(0x7FFFFF)
    hi_n = sign | ((exp + jnp.int32(896)) << jnp.int32(20)) | \
        lax.shift_right_logical(mant, jnp.int32(3))
    lo_n = mant << jnp.int32(29)
    iszero = exp == jnp.int32(0)
    lo_ref[...] = jnp.where(iszero, jnp.int32(0), lo_n)
    hi_ref[...] = jnp.where(iszero, sign, hi_n)

  grid = n_nodes // br
  return pl.pallas_call(
      body,
      grid=(grid,),
      in_specs=[
          pl.BlockSpec((NC, br, feat), lambda i: (_z(), i, _z())),
          pl.BlockSpec((br, feat), lambda i: (i, _z())),
          pl.BlockSpec((br, 2), lambda i: (i, _z())),
          pl.BlockSpec((feat, ncls), lambda i: (_z(), _z())),
          pl.BlockSpec((1, feat), lambda i: (_z(), _z())),
          pl.BlockSpec((1, ncls), lambda i: (_z(), _z())),
      ],
      out_specs=[
          pl.BlockSpec((br, ncls), lambda i: (i, _z())),
          pl.BlockSpec((br, ncls), lambda i: (i, _z())),
      ],
      out_shape=[
          jax.ShapeDtypeStruct((n_nodes, ncls), jnp.int32),
          jax.ShapeDtypeStruct((n_nodes, ncls), jnp.int32),
      ],
  )(part, hself, inv, w3, b2, b3)


def kernel(x, edge_index, W1, b1, W2, b2, W3, b3):
  n_nodes, feat = x.shape
  n_edges = edge_index.shape[1]
  ncls = W3.shape[1]
  e_per_tile = n_edges // NW
  nblk = e_per_tile // K_EDGE
  assert e_per_tile * NW == n_edges and nblk * K_EDGE == e_per_tile
  assert n_nodes % NS == 0 and feat % LANES == 0 and n_nodes <= NPAD

  x = x.astype(jnp.float32)
  src = edge_index[0].astype(jnp.int32)
  dst = edge_index[1].astype(jnp.int32)
  src2d = src.reshape(NW, e_per_tile)
  dst2d = dst.reshape(NW, e_per_tile)
  src3d = src.reshape(NW, nblk, K_EDGE)
  dst3d = dst.reshape(NW, nblk, K_EDGE)
  b1r = b1.astype(jnp.float32).reshape(1, feat)
  b2r = b2.astype(jnp.float32).reshape(1, feat)
  b3r = b3.astype(jnp.float32).reshape(1, ncls)

  h0 = _tc_matmul(x, W1.astype(jnp.float32), n_nodes, feat, 1000)
  hist = _degree_kernel(src2d, dst2d, n_nodes, e_per_tile)
  inv = _norm_kernel(hist)
  h1 = _tc_scale(h0, inv, n_nodes, feat, 1000)
  p1 = _aggregate_kernel(h1, src3d, dst3d, n_nodes, nblk, feat)
  t2 = _tc_mid(p1, h1, inv, W2.astype(jnp.float32), b1r, n_nodes, feat, 1000)
  p2 = _aggregate_kernel(t2, src3d, dst3d, n_nodes, nblk, feat)
  lo, hi = _tc_out(p2, t2, inv, W3.astype(jnp.float32), b2r, b3r,
                   n_nodes, feat, ncls, 1000)
  bits = jnp.stack([lo, hi], axis=-1)
  return lax.bitcast_convert_type(bits, jnp.float64)

# --- scband reference (transcript-rebuilt; emitter-appended) ---
"""Pipeline reference for scband-gcn-18459769438249 (READ-ONLY COPY).

The authoritative reference and input builder live on the scoring server;
editing this copy changes nothing except your own understanding.
"""

import jax, jax.numpy as jnp
import numpy as np
jax.config.update("jax_enable_x64", True)

N = 10000
E = 320000
NFEAT = 128
NHID1 = 128
NHID2 = 128
NCLASS = 40


def setup_inputs(seed: int = 0) -> dict:
    key = jax.random.key(seed)
    ks = jax.random.split(key, 9)
    x = jax.random.normal(ks[0], (N, NFEAT), dtype=jnp.float32)
    edge_index = jax.random.randint(ks[1], (2, E), 0, N, dtype=jnp.int64)
    W1 = jax.random.normal(ks[2], (NFEAT, NHID1), dtype=jnp.float32) * (1.0 / np.sqrt(NFEAT))
    b1 = jnp.zeros((NHID1,), dtype=jnp.float32)
    W2 = jax.random.normal(ks[3], (NHID1, NHID2), dtype=jnp.float32) * (1.0 / np.sqrt(NHID1))
    b2 = jnp.zeros((NHID2,), dtype=jnp.float32)
    W3 = jax.random.normal(ks[4], (NHID2, NCLASS), dtype=jnp.float32) * (1.0 / np.sqrt(NHID2))
    b3 = jnp.zeros((NCLASS,), dtype=jnp.float32)
    return {"x": x, "edge_index": edge_index, "W1": W1, "b1": b1, "W2": W2, "b2": b2, "W3": W3, "b3": b3}


def _gcn_layer(x, W, b, src, dst, inv_sqrt_out, inv_sqrt_in):
    # DGL GraphConv norm='both': D_out^{-1/2} applied to src feats, sum-aggregate, D_in^{-1/2} at dst
    h = x @ W
    h = h * inv_sqrt_out[:, None]
    agg = jax.ops.segment_sum(h[src], dst, num_segments=N)
    agg = agg * inv_sqrt_in[:, None]
    return agg + b


def reference(x, edge_index, W1, b1, W2, b2, W3, b3):
    # g = dgl.add_self_loop(g)
    loop = jnp.arange(N, dtype=edge_index.dtype)
    src = jnp.concatenate([edge_index[0], loop])
    dst = jnp.concatenate([edge_index[1], loop])
    ones = jnp.ones(src.shape[0], dtype=x.dtype)
    deg_out = jnp.maximum(jax.ops.segment_sum(ones, src, num_segments=N), 1.0)
    deg_in = jnp.maximum(jax.ops.segment_sum(ones, dst, num_segments=N), 1.0)
    inv_sqrt_out = jax.lax.rsqrt(deg_out)
    inv_sqrt_in = jax.lax.rsqrt(deg_in)
    h = jax.nn.relu(_gcn_layer(x, W1, b1, src, dst, inv_sqrt_out, inv_sqrt_in))
    # dropout is identity in eval mode
    h = jax.nn.relu(_gcn_layer(h, W2, b2, src, dst, inv_sqrt_out, inv_sqrt_in))
    logits = h @ W3 + b3
    return jax.nn.log_softmax(logits, axis=1)

if __name__ == "__main__":
    import jax
    _d = setup_inputs()
    print(jax.jit(kernel)(*tuple(_d.values())))

</pallas_src>

<mosaic_0001>
#map = affine_map<(d0, d1) -> (0, 0)>
#map1 = affine_map<(d0, d1) -> (0, 0, 0)>
module attributes {stable_mosaic.version = 14 : i64} {
  func.func @agg_k(%arg0: i32, %arg1: i32, %arg2: memref<10000x128xf32, #tpu.memory_space<hbm>>, %arg3: memref<32x250x40xi32, #tpu.memory_space<hbm>>, %arg4: memref<32x250x40xi32, #tpu.memory_space<hbm>>, %arg5: memref<2x10000x128xf32, #tpu.memory_space<hbm>>, %arg6: memref<10000x128xf32, #tpu.memory_space<vmem_shared>>, %arg7: memref<250x40xi32, #tpu.memory_space<vmem>>, %arg8: memref<250x40xi32, #tpu.memory_space<vmem>>, %arg9: memref<5x40x128xf32, #tpu.memory_space<vmem>>, %arg10: memref<16x128xf32, #tpu.memory_space<vmem>>, %arg11: memref<!tpu.dma_semaphore, #tpu.memory_space<semaphore_mem>>, %arg12: memref<!tpu.dma_semaphore, #tpu.memory_space<semaphore_mem>>, %arg13: memref<!tpu.dma_semaphore, #tpu.memory_space<semaphore_mem>>, %arg14: memref<!tpu.dma_semaphore, #tpu.memory_space<semaphore_mem>>, %arg15: memref<!tpu.dma_semaphore, #tpu.memory_space<semaphore_mem>>, %arg16: memref<!tpu.dma_semaphore, #tpu.memory_space<semaphore_mem>>, %arg17: memref<!tpu.dma_semaphore, #tpu.memory_space<semaphore_mem>>) attributes {dimension_semantics = [#tpu.dimension_semantics<core_parallel>, #tpu.dimension_semantics<subcore_parallel>], iteration_bounds = array<i64: 2, 16>, scalar_prefetch = 0 : i64, scratch_operands = 12 : i64, tpu.core_type = #tpu.core_type<sc_vector_subcore>, window_params = [{transform_indices = #map}, {transform_indices = #map1}, {transform_indices = #map1}, {transform_indices = #map1}]} {
    %mul3A = arith.constant 16 : i32
    %mul3A_0 = arith.muli %arg0, %mul3A : i32
    %add3A = arith.addi %mul3A_0, %arg1 : i32
    %dma_start3A = arith.constant 0 : i32
    %dma_start3A_1 = arith.constant 0 : i32
    %dma_start3A_2 = tpu.memref_slice %arg3[%add3A, %dma_start3A, %dma_start3A_1] : memref<32x250x40xi32, #tpu.memory_space<hbm>> -> memref<1x250x40xi32, #tpu.memory_space<hbm>>
    %dma_start3A_3 = tpu.memref_squeeze %dma_start3A_2 : memref<1x250x40xi32, #tpu.memory_space<hbm>> -> memref<250x40xi32, #tpu.memory_space<hbm>>
    %dma_start3A_4 = arith.constant 0 : i32
    %dma_start3A_5 = arith.constant 0 : i32
    %dma_start3A_6 = tpu.memref_slice %arg3[%add3A, %dma_start3A_4, %dma_start3A_5] : memref<32x250x40xi32, #tpu.memory_space<hbm>> -> memref<1x250x40xi32, #tpu.memory_space<hbm>>
    %dma_start3A_7 = tpu.memref_squeeze %dma_start3A_6 : memref<1x250x40xi32, #tpu.memory_space<hbm>> -> memref<250x40xi32, #tpu.memory_space<hbm>>
    tpu.enqueue_dma source(%dma_start3A_7 : memref<250x40xi32, #tpu.memory_space<hbm>>) target(%arg7 : memref<250x40xi32, #tpu.memory_space<vmem>>) target_semaphore(%arg16 : memref<!tpu.dma_semaphore, #tpu.memory_space<semaphore_mem>>)
    %dma_start3A_8 = arith.constant 0 : i32
    %dma_start3A_9 = arith.constant 0 : i32
    %dma_start3A_10 = tpu.memref_slice %arg4[%add3A, %dma_start3A_8, %dma_start3A_9] : memref<32x250x40xi32, #tpu.memory_space<hbm>> -> memref<1x250x40xi32, #tpu.memory_space<hbm>>
    %dma_start3A_11 = tpu.memref_squeeze %dma_start3A_10 : memref<1x250x40xi32, #tpu.memory_space<hbm>> -> memref<250x40xi32, #tpu.memory_space<hbm>>
    %dma_start3A_12 = arith.constant 0 : i32
    %dma_start3A_13 = arith.constant 0 : i32
    %dma_start3A_14 = tpu.memref_slice %arg4[%add3A, %dma_start3A_12, %dma_start3A_13] : memref<32x250x40xi32, #tpu.memory_space<hbm>> -> memref<1x250x40xi32, #tpu.memory_space<hbm>>
    %dma_start3A_15 = tpu.memref_squeeze %dma_start3A_14 : memref<1x250x40xi32, #tpu.memory_space<hbm>> -> memref<250x40xi32, #tpu.memory_space<hbm>>
    tpu.enqueue_dma source(%dma_start3A_15 : memref<250x40xi32, #tpu.memory_space<hbm>>) target(%arg8 : memref<250x40xi32, #tpu.memory_space<vmem>>) target_semaphore(%arg16 : memref<!tpu.dma_semaphore, #tpu.memory_space<semaphore_mem>>)
    %broadcast_in_dim3A = arith.constant 0.000000e+00 : f32
    %broadcast_in_dim3A_16 = vector.broadcast %broadcast_in_dim3A : f32 to vector<16xf32>
    %mul3A_17 = arith.constant 624 : i32
    %mul3A_18 = arith.muli %arg1, %mul3A_17 : i32
    %multiple_of3A = tpu.assume_multiple %mul3A_18, 8 : i32
    %while3A = arith.constant 0 : i32
    %while3A_19 = arith.constant 8 : i32
    %while3A_20 = arith.constant 0 : i32
    %while3A_21 = arith.constant 128 : i32
    %while3A_22 = arith.subi %while3A_21, %while3A_20 : i32
    %while3A_23 = arith.addi %while3A_20, %while3A_22 : i32
    %while3A_24 = arith.constant 1 : i32
    %while3A_25 = arith.divsi %while3A_22, %while3A_24 : i32
    %while3A_26 = arith.muli %while3A_25, %while3A_24 : i32
    %while3A_27 = arith.addi %while3A_20, %while3A_26 : i32
    %while3A_28 = arith.constant 1 : i32
    scf.for %while3A_147 = %while3A_20 to %while3A_27 step %while3A_28  : i32 {
      %div3A = arith.divsi %while3A_147, %while3A_19 : i32
      %sign3A = arith.constant 0 : i32
      %sign3A_148 = arith.cmpi sgt, %while3A_147, %sign3A : i32
      %sign3A_149 = arith.extui %sign3A_148 : i1 to i32
      %sign3A_150 = arith.constant 0 : i32
      %sign3A_151 = arith.cmpi slt, %while3A_147, %sign3A_150 : i32
      %sign3A_152 = arith.extui %sign3A_151 : i1 to i32
      %sign3A_153 = arith.subi %sign3A_149, %sign3A_152 : i32
      %sign3A_154 = arith.constant 0 : i32
      %sign3A_155 = arith.cmpi sgt, %while3A_19, %sign3A_154 : i32
      %sign3A_156 = arith.extui %sign3A_155 : i1 to i32
      %sign3A_157 = arith.constant 0 : i32
      %sign3A_158 = arith.cmpi slt, %while3A_19, %sign3A_157 : i32
      %sign3A_159 = arith.extui %sign3A_158 : i1 to i32
      %sign3A_160 = arith.subi %sign3A_156, %sign3A_159 : i32
      %ne3A = arith.cmpi ne, %sign3A_153, %sign3A_160 : i32
      %rem3A = arith.remsi %while3A_147, %while3A_19 : i32
      %ne3A_161 = arith.constant 0 : i32
      %ne3A_162 = arith.cmpi ne, %rem3A, %ne3A_161 : i32
      %and3A = arith.andi %ne3A, %ne3A_162 : i1
      %sub3A = arith.constant 1 : i32
      %sub3A_163 = arith.subi %div3A, %sub3A : i32
      %select_n3A_164 = arith.select %and3A, %sub3A_163, %div3A : i32
      %eq3A_165 = arith.constant 0 : i32
      %eq3A_166 = arith.cmpi eq, %while3A_19, %eq3A_165 : i32
      %jit3A_167 = arith.constant 1 : i32
      %select_n3A_168 = arith.select %eq3A_166, %jit3A_167, %while3A_19 : i32
      %rem3A_169 = arith.remsi %while3A_147, %select_n3A_168 : i32
      %ne3A_170 = arith.constant 0 : i32
      %ne3A_171 = arith.cmpi ne, %rem3A_169, %ne3A_170 : i32
      %lt3A_172 = arith.constant 0 : i32
      %lt3A_173 = arith.cmpi slt, %rem3A_169, %lt3A_172 : i32
      %lt3A_174 = arith.constant 0 : i32
      %lt3A_175 = arith.cmpi slt, %select_n3A_168, %lt3A_174 : i32
      %ne3A_176 = arith.xori %lt3A_173, %lt3A_175 : i1
      %and3A_177 = arith.andi %ne3A_176, %ne3A_171 : i1
      %add3A_178 = arith.addi %rem3A_169, %select_n3A_168 : i32
      %select_n3A_179 = arith.select %and3A_177, %add3A_178, %rem3A_169 : i32
      %mul3A_180 = arith.constant 16 : i32
      %mul3A_181 = arith.muli %select_n3A_179, %mul3A_180 : i32
      %swap3A = arith.index_cast %select_n3A_164 : i32 to index
      %swap3A_182 = arith.index_cast %mul3A_181 : i32 to index
      %swap3A_183 = tpu.vector_load %arg10[%swap3A, %swap3A_182] {strides = array<i32>} : memref<16x128xf32, #tpu.memory_space<vmem>>, vector<1x16xf32>,
      %swap3A_184 = vector.shape_cast %swap3A_183 : vector<1x16xf32> to vector<16xf32>
      %swap3A_185 = vector.shape_cast %broadcast_in_dim3A_16 : vector<16xf32> to vector<1x16xf32>
      tpu.vector_store %arg10[%swap3A, %swap3A_182], %swap3A_185 {strides = array<i32>} : memref<16x128xf32, #tpu.memory_space<vmem>>, vector<1x16xf32>,
    }
    %while3A_29 = arith.constant 1 : i32
    scf.for %while3A_147 = %while3A_27 to %while3A_23 step %while3A_29  : i32 {
      %div3A = arith.divsi %while3A_147, %while3A_19 : i32
      %sign3A = arith.constant 0 : i32
      %sign3A_148 = arith.cmpi sgt, %while3A_147, %sign3A : i32
      %sign3A_149 = arith.extui %sign3A_148 : i1 to i32
      %sign3A_150 = arith.constant 0 : i32
      %sign3A_151 = arith.cmpi slt, %while3A_147, %sign3A_150 : i32
      %sign3A_152 = arith.extui %sign3A_151 : i1 to i32
      %sign3A_153 = arith.subi %sign3A_149, %sign3A_152 : i32
      %sign3A_154 = arith.constant 0 : i32
      %sign3A_155 = arith.cmpi sgt, %while3A_19, %sign3A_154 : i32
      %sign3A_156 = arith.extui %sign3A_155 : i1 to i32
      %sign3A_157 = arith.constant 0 : i32
      %sign3A_158 = arith.cmpi slt, %while3A_19, %sign3A_157 : i32
      %sign3A_159 = arith.extui %sign3A_158 : i1 to i32
      %sign3A_160 = arith.subi %sign3A_156, %sign3A_159 : i32
      %ne3A = arith.cmpi ne, %sign3A_153, %sign3A_160 : i32
      %rem3A = arith.remsi %while3A_147, %while3A_19 : i32
      %ne3A_161 = arith.constant 0 : i32
      %ne3A_162 = arith.cmpi ne, %rem3A, %ne3A_161 : i32
      %and3A = arith.andi %ne3A, %ne3A_162 : i1
      %sub3A = arith.constant 1 : i32
      %sub3A_163 = arith.subi %div3A, %sub3A : i32
      %select_n3A_164 = arith.select %and3A, %sub3A_163, %div3A : i32
      %eq3A_165 = arith.constant 0 : i32
      %eq3A_166 = arith.cmpi eq, %while3A_19, %eq3A_165 : i32
      %jit3A_167 = arith.constant 1 : i32
      %select_n3A_168 = arith.select %eq3A_166, %jit3A_167, %while3A_19 : i32
      %rem3A_169 = arith.remsi %while3A_147, %select_n3A_168 : i32
      %ne3A_170 = arith.constant 0 : i32
      %ne3A_171 = arith.cmpi ne, %rem3A_169, %ne3A_170 : i32
      %lt3A_172 = arith.constant 0 : i32
      %lt3A_173 = arith.cmpi slt, %rem3A_169, %lt3A_172 : i32
      %lt3A_174 = arith.constant 0 : i32
      %lt3A_175 = arith.cmpi slt, %select_n3A_168, %lt3A_174 : i32
      %ne3A_176 = arith.xori %lt3A_173, %lt3A_175 : i1
      %and3A_177 = arith.andi %ne3A_176, %ne3A_171 : i1
      %add3A_178 = arith.addi %rem3A_169, %select_n3A_168 : i32
      %select_n3A_179 = arith.select %and3A_177, %add3A_178, %rem3A_169 : i32
      %mul3A_180 = arith.constant 16 : i32
      %mul3A_181 = arith.muli %select_n3A_179, %mul3A_180 : i32
      %swap3A = arith.index_cast %select_n3A_164 : i32 to index
      %swap3A_182 = arith.index_cast %mul3A_181 : i32 to index
      %swap3A_183 = tpu.vector_load %arg10[%swap3A, %swap3A_182] {strides = array<i32>} : memref<16x128xf32, #tpu.memory_space<vmem>>, vector<1x16xf32>,
      %swap3A_184 = vector.shape_cast %swap3A_183 : vector<1x16xf32> to vector<16xf32>
      %swap3A_185 = vector.shape_cast %broadcast_in_dim3A_16 : vector<16xf32> to vector<1x16xf32>
      tpu.vector_store %arg10[%swap3A, %swap3A_182], %swap3A_185 {strides = array<i32>} : memref<16x128xf32, #tpu.memory_space<vmem>>, vector<1x16xf32>,
    }
    %eq3A = arith.constant 15 : i32
    %eq3A_30 = arith.cmpi eq, %arg1, %eq3A : i32
    %jit3A = arith.constant 40 : i32
    %jit3A_31 = arith.constant 39 : i32
    %select_n3A = arith.select %eq3A_30, %jit3A, %jit3A_31 : i32
    %while3A_32 = arith.constant 0 : i32
    %while3A_33 = arith.constant 0 : i32
    %while3A_34 = arith.subi %select_n3A, %while3A_33 : i32
    %while3A_35 = arith.addi %while3A_33, %while3A_34 : i32
    %while3A_36 = arith.constant 1 : i32
    %while3A_37 = arith.divsi %while3A_34, %while3A_36 : i32
    %while3A_38 = arith.muli %while3A_37, %while3A_36 : i32
    %while3A_39 = arith.addi %while3A_33, %while3A_38 : i32
    %while3A_40 = arith.constant 1 : i32
    scf.for %while3A_147 = %while3A_33 to %while3A_39 step %while3A_40  : i32 {
      %mul3A_148 = arith.constant 16 : i32
      %mul3A_149 = arith.muli %while3A_147, %mul3A_148 : i32
      %add3A_150 = arith.addi %multiple_of3A, %mul3A_149 : i32
      %dma_start3A_151 = arith.constant 0 : i32
      %dma_start3A_152 = tpu.memref_slice %arg6[%add3A_150, %dma_start3A_151] : memref<10000x128xf32, #tpu.memory_space<vmem_shared>> -> memref<16x128xf32, #tpu.memory_space<vmem_shared>>
      %dma_start3A_153 = arith.constant 0 : i32
      %dma_start3A_154 = tpu.memref_slice %arg6[%add3A_150, %dma_start3A_153] : memref<10000x128xf32, #tpu.memory_space<vmem_shared>> -> memref<16x128xf32, #tpu.memory_space<vmem_shared>>
      tpu.enqueue_dma source(%arg10 : memref<16x128xf32, #tpu.memory_space<vmem>>) target(%dma_start3A_154 : memref<16x128xf32, #tpu.memory_space<vmem_shared>>) target_semaphore(%arg17 : memref<!tpu.dma_semaphore, #tpu.memory_space<semaphore_mem>>)
    }
    %while3A_41 = arith.constant 1 : i32
    scf.for %while3A_147 = %while3A_39 to %while3A_35 step %while3A_41  : i32 {
      %mul3A_148 = arith.constant 16 : i32
      %mul3A_149 = arith.muli %while3A_147, %mul3A_148 : i32
      %add3A_150 = arith.addi %multiple_of3A, %mul3A_149 : i32
      %dma_start3A_151 = arith.constant 0 : i32
      %dma_start3A_152 = tpu.memref_slice %arg6[%add3A_150, %dma_start3A_151] : memref<10000x128xf32, #tpu.memory_space<vmem_shared>> -> memref<16x128xf32, #tpu.memory_space<vmem_shared>>
      %dma_start3A_153 = arith.constant 0 : i32
      %dma_start3A_154 = tpu.memref_slice %arg6[%add3A_150, %dma_start3A_153] : memref<10000x128xf32, #tpu.memory_space<vmem_shared>> -> memref<16x128xf32, #tpu.memory_space<vmem_shared>>
      tpu.enqueue_dma source(%arg10 : memref<16x128xf32, #tpu.memory_space<vmem>>) target(%dma_start3A_154 : memref<16x128xf32, #tpu.memory_space<vmem_shared>>) target_semaphore(%arg17 : memref<!tpu.dma_semaphore, #tpu.memory_space<semaphore_mem>>)
    }
    %while3A_42 = arith.constant 0 : i32
    %while3A_43 = arith.constant 0 : i32
    %while3A_44 = arith.subi %select_n3A, %while3A_43 : i32
    %while3A_45 = arith.addi %while3A_43, %while3A_44 : i32
    %while3A_46 = arith.constant 1 : i32
    %while3A_47 = arith.divsi %while3A_44, %while3A_46 : i32
    %while3A_48 = arith.muli %while3A_47, %while3A_46 : i32
    %while3A_49 = arith.addi %while3A_43, %while3A_48 : i32
    %while3A_50 = arith.constant 1 : i32
    scf.for %while3A_147 = %while3A_43 to %while3A_49 step %while3A_50  : i32 {
      %dma_wait3A_148 = arith.constant 0 : i32
      %dma_wait3A_149 = tpu.memref_slice %arg6[%multiple_of3A, %dma_wait3A_148] : memref<10000x128xf32, #tpu.memory_space<vmem_shared>> -> memref<16x128xf32, #tpu.memory_space<vmem_shared>>
      %dma_wait3A_150 = arith.constant 0 : i32
      %dma_wait3A_151 = tpu.memref_slice %arg6[%multiple_of3A, %dma_wait3A_150] : memref<10000x128xf32, #tpu.memory_space<vmem_shared>> -> memref<16x128xf32, #tpu.memory_space<vmem_shared>>
      tpu.wait_dma2 semaphore(%arg17 : memref<!tpu.dma_semaphore, #tpu.memory_space<semaphore_mem>>) src(%arg10 : memref<16x128xf32, #tpu.memory_space<vmem>>) dst(%dma_wait3A_151 : memref<16x128xf32, #tpu.memory_space<vmem_shared>>)
    }
    %while3A_51 = arith.constant 1 : i32
    scf.for %while3A_147 = %while3A_49 to %while3A_45 step %while3A_51  : i32 {
      %dma_wait3A_148 = arith.constant 0 : i32
      %dma_wait3A_149 = tpu.memref_slice %arg6[%multiple_of3A, %dma_wait3A_148] : memref<10000x128xf32, #tpu.memory_space<vmem_shared>> -> memref<16x128xf32, #tpu.memory_space<vmem_shared>>
      %dma_wait3A_150 = arith.constant 0 : i32
      %dma_wait3A_151 = tpu.memref_slice %arg6[%multiple_of3A, %dma_wait3A_150] : memref<10000x128xf32, #tpu.memory_space<vmem_shared>> -> memref<16x128xf32, #tpu.memory_space<vmem_shared>>
      tpu.wait_dma2 semaphore(%arg17 : memref<!tpu.dma_semaphore, #tpu.memory_space<semaphore_mem>>) src(%arg10 : memref<16x128xf32, #tpu.memory_space<vmem>>) dst(%dma_wait3A_151 : memref<16x128xf32, #tpu.memory_space<vmem_shared>>)
    }
    %barrier3A = arith.constant 0 : index
    tpu.barrier barrier_id(%barrier3A)
    %dma_wait3A = arith.constant 0 : i32
    %dma_wait3A_52 = arith.constant 0 : i32
    %dma_wait3A_53 = tpu.memref_slice %arg3[%add3A, %dma_wait3A, %dma_wait3A_52] : memref<32x250x40xi32, #tpu.memory_space<hbm>> -> memref<1x250x40xi32, #tpu.memory_space<hbm>>
    %dma_wait3A_54 = tpu.memref_squeeze %dma_wait3A_53 : memref<1x250x40xi32, #tpu.memory_space<hbm>> -> memref<250x40xi32, #tpu.memory_space<hbm>>
    %dma_wait3A_55 = arith.constant 0 : i32
    %dma_wait3A_56 = arith.constant 0 : i32
    %dma_wait3A_57 = tpu.memref_slice %arg3[%add3A, %dma_wait3A_55, %dma_wait3A_56] : memref<32x250x40xi32, #tpu.memory_space<hbm>> -> memref<1x250x40xi32, #tpu.memory_space<hbm>>
    %dma_wait3A_58 = tpu.memref_squeeze %dma_wait3A_57 : memref<1x250x40xi32, #tpu.memory_space<hbm>> -> memref<250x40xi32, #tpu.memory_space<hbm>>
    tpu.wait_dma2 semaphore(%arg16 : memref<!tpu.dma_semaphore, #tpu.memory_space<semaphore_mem>>) src(%dma_wait3A_58 : memref<250x40xi32, #tpu.memory_space<hbm>>) dst(%arg7 : memref<250x40xi32, #tpu.memory_space<vmem>>)
    %dma_wait3A_59 = arith.constant 0 : i32
    %dma_wait3A_60 = arith.constant 0 : i32
    %dma_wait3A_61 = tpu.memref_slice %arg4[%add3A, %dma_wait3A_59, %dma_wait3A_60] : memref<32x250x40xi32, #tpu.memory_space<hbm>> -> memref<1x250x40xi32, #tpu.memory_space<hbm>>
    %dma_wait3A_62 = tpu.memref_squeeze %dma_wait3A_61 : memref<1x250x40xi32, #tpu.memory_space<hbm>> -> memref<250x40xi32, #tpu.memory_space<hbm>>
    %dma_wait3A_63 = arith.constant 0 : i32
    %dma_wait3A_64 = arith.constant 0 : i32
    %dma_wait3A_65 = tpu.memref_slice %arg4[%add3A, %dma_wait3A_63, %dma_wait3A_64] : memref<32x250x40xi32, #tpu.memory_space<hbm>> -> memref<1x250x40xi32, #tpu.memory_space<hbm>>
    %dma_wait3A_66 = tpu.memref_squeeze %dma_wait3A_65 : memref<1x250x40xi32, #tpu.memory_space<hbm>> -> memref<250x40xi32, #tpu.memory_space<hbm>>
    tpu.wait_dma2 semaphore(%arg16 : memref<!tpu.dma_semaphore, #tpu.memory_space<semaphore_mem>>) src(%dma_wait3A_66 : memref<250x40xi32, #tpu.memory_space<hbm>>) dst(%arg8 : memref<250x40xi32, #tpu.memory_space<vmem>>)
    %dma_start3A_67 = arith.constant 0 : i32
    %dma_start3A_68 = arith.constant 0 : i32
    %dma_start3A_69 = arith.constant 0 : i32
    %dma_start3A_70 = arith.constant 0 : i32
    %dma_start3A_71 = tpu.memref_slice %arg9[%dma_start3A_68, %dma_start3A_69, %dma_start3A_70] : memref<5x40x128xf32, #tpu.memory_space<vmem>> -> memref<1x40x128xf32, #tpu.memory_space<vmem>>
    %dma_start3A_72 = tpu.memref_squeeze %dma_start3A_71 : memref<1x40x128xf32, #tpu.memory_space<vmem>> -> memref<40x128xf32, #tpu.memory_space<vmem>>
    %dma_start3A_73 = arith.constant 0 : i32
    %dma_start3A_74 = tpu.memref_slice %arg7[%dma_start3A_67, %dma_start3A_73] : memref<250x40xi32, #tpu.memory_space<vmem>> -> memref<1x40xi32, #tpu.memory_space<vmem>>
    %dma_start3A_75 = tpu.memref_squeeze %dma_start3A_74 : memref<1x40xi32, #tpu.memory_space<vmem>> -> memref<40xi32, #tpu.memory_space<vmem>>
    %dma_start3A_76 = arith.constant 0 : i32
    %dma_start3A_77 = arith.constant 0 : i32
    %dma_start3A_78 = tpu.memref_slice %arg2[%dma_start3A_76, %dma_start3A_77] : memref<10000x128xf32, #tpu.memory_space<hbm>> -> memref<10000x128xf32, #tpu.memory_space<hbm>>
    tpu.enqueue_indirect_dma source(%dma_start3A_78 : memref<10000x128xf32, #tpu.memory_space<hbm>>) target(%dma_start3A_72 : memref<40x128xf32, #tpu.memory_space<vmem>>) offsets(%dma_start3A_75 : memref<40xi32, #tpu.memory_space<vmem>>) semaphore(%arg11 : memref<!tpu.dma_semaphore, #tpu.memory_space<semaphore_mem>>)
    %dma_start3A_79 = arith.constant 1 : i32
    %dma_start3A_80 = arith.constant 1 : i32
    %dma_start3A_81 = arith.constant 0 : i32
    %dma_start3A_82 = arith.constant 0 : i32
    %dma_start3A_83 = tpu.memref_slice %arg9[%dma_start3A_80, %dma_start3A_81, %dma_start3A_82] : memref<5x40x128xf32, #tpu.memory_space<vmem>> -> memref<1x40x128xf32, #tpu.memory_space<vmem>>
    %dma_start3A_84 = tpu.memref_squeeze %dma_start3A_83 : memref<1x40x128xf32, #tpu.memory_space<vmem>> -> memref<40x128xf32, #tpu.memory_space<vmem>>
    %dma_start3A_85 = arith.constant 0 : i32
    %dma_start3A_86 = tpu.memref_slice %arg7[%dma_start3A_79, %dma_start3A_85] : memref<250x40xi32, #tpu.memory_space<vmem>> -> memref<1x40xi32, #tpu.memory_space<vmem>>
    %dma_start3A_87 = tpu.memref_squeeze %dma_start3A_86 : memref<1x40xi32, #tpu.memory_space<vmem>> -> memref<40xi32, #tpu.memory_space<vmem>>
    %dma_start3A_88 = arith.constant 0 : i32
    %dma_start3A_89 = arith.constant 0 : i32
    %dma_start3A_90 = tpu.memref_slice %arg2[%dma_start3A_88, %dma_start3A_89] : memref<10000x128xf32, #tpu.memory_space<hbm>> -> memref<10000x128xf32, #tpu.memory_space<hbm>>
    tpu.enqueue_indirect_dma source(%dma_start3A_90 : memref<10000x128xf32, #tpu.memory_space<hbm>>) target(%dma_start3A_84 : memref<40x128xf32, #tpu.memory_space<vmem>>) offsets(%dma_start3A_87 : memref<40xi32, #tpu.memory_space<vmem>>) semaphore(%arg12 : memref<!tpu.dma_semaphore, #tpu.memory_space<semaphore_mem>>)
    %dma_start3A_91 = arith.constant 2 : i32
    %dma_start3A_92 = arith.constant 2 : i32
    %dma_start3A_93 = arith.constant 0 : i32
    %dma_start3A_94 = arith.constant 0 : i32
    %dma_start3A_95 = tpu.memref_slice %arg9[%dma_start3A_92, %dma_start3A_93, %dma_start3A_94] : memref<5x40x128xf32, #tpu.memory_space<vmem>> -> memref<1x40x128xf32, #tpu.memory_space<vmem>>
    %dma_start3A_96 = tpu.memref_squeeze %dma_start3A_95 : memref<1x40x128xf32, #tpu.memory_space<vmem>> -> memref<40x128xf32, #tpu.memory_space<vmem>>
    %dma_start3A_97 = arith.constant 0 : i32
    %dma_start3A_98 = tpu.memref_slice %arg7[%dma_start3A_91, %dma_start3A_97] : memref<250x40xi32, #tpu.memory_space<vmem>> -> memref<1x40xi32, #tpu.memory_space<vmem>>
    %dma_start3A_99 = tpu.memref_squeeze %dma_start3A_98 : memref<1x40xi32, #tpu.memory_space<vmem>> -> memref<40xi32, #tpu.memory_space<vmem>>
    %dma_start3A_100 = arith.constant 0 : i32
    %dma_start3A_101 = arith.constant 0 : i32
    %dma_start3A_102 = tpu.memref_slice %arg2[%dma_start3A_100, %dma_start3A_101] : memref<10000x128xf32, #tpu.memory_space<hbm>> -> memref<10000x128xf32, #tpu.memory_space<hbm>>
    tpu.enqueue_indirect_dma source(%dma_start3A_102 : memref<10000x128xf32, #tpu.memory_space<hbm>>) target(%dma_start3A_96 : memref<40x128xf32, #tpu.memory_space<vmem>>) offsets(%dma_start3A_99 : memref<40xi32, #tpu.memory_space<vmem>>) semaphore(%arg13 : memref<!tpu.dma_semaphore, #tpu.memory_space<semaphore_mem>>)
    %dma_start3A_103 = arith.constant 3 : i32
    %dma_start3A_104 = arith.constant 3 : i32
    %dma_start3A_105 = arith.constant 0 : i32
    %dma_start3A_106 = arith.constant 0 : i32
    %dma_start3A_107 = tpu.memref_slice %arg9[%dma_start3A_104, %dma_start3A_105, %dma_start3A_106] : memref<5x40x128xf32, #tpu.memory_space<vmem>> -> memref<1x40x128xf32, #tpu.memory_space<vmem>>
    %dma_start3A_108 = tpu.memref_squeeze %dma_start3A_107 : memref<1x40x128xf32, #tpu.memory_space<vmem>> -> memref<40x128xf32, #tpu.memory_space<vmem>>
    %dma_start3A_109 = arith.constant 0 : i32
    %dma_start3A_110 = tpu.memref_slice %arg7[%dma_start3A_103, %dma_start3A_109] : memref<250x40xi32, #tpu.memory_space<vmem>> -> memref<1x40xi32, #tpu.memory_space<vmem>>
    %dma_start3A_111 = tpu.memref_squeeze %dma_start3A_110 : memref<1x40xi32, #tpu.memory_space<vmem>> -> memref<40xi32, #tpu.memory_space<vmem>>
    %dma_start3A_112 = arith.constant 0 : i32
    %dma_start3A_113 = arith.constant 0 : i32
    %dma_start3A_114 = tpu.memref_slice %arg2[%dma_start3A_112, %dma_start3A_113] : memref<10000x128xf32, #tpu.memory_space<hbm>> -> memref<10000x128xf32, #tpu.memory_space<hbm>>
    tpu.enqueue_indirect_dma source(%dma_start3A_114 : memref<10000x128xf32, #tpu.memory_space<hbm>>) target(%dma_start3A_108 : memref<40x128xf32, #tpu.memory_space<vmem>>) offsets(%dma_start3A_111 : memref<40xi32, #tpu.memory_space<vmem>>) semaphore(%arg14 : memref<!tpu.dma_semaphore, #tpu.memory_space<semaphore_mem>>)
    %dma_start3A_115 = arith.constant 4 : i32
    %dma_start3A_116 = arith.constant 4 : i32
    %dma_start3A_117 = arith.constant 0 : i32
    %dma_start3A_118 = arith.constant 0 : i32
    %dma_start3A_119 = tpu.memref_slice %arg9[%dma_start3A_116, %dma_start3A_117, %dma_start3A_118] : memref<5x40x128xf32, #tpu.memory_space<vmem>> -> memref<1x40x128xf32, #tpu.memory_space<vmem>>
    %dma_start3A_120 = tpu.memref_squeeze %dma_start3A_119 : memref<1x40x128xf32, #tpu.memory_space<vmem>> -> memref<40x128xf32, #tpu.memory_space<vmem>>
    %dma_start3A_121 = arith.constant 0 : i32
    %dma_start3A_122 = tpu.memref_slice %arg7[%dma_start3A_115, %dma_start3A_121] : memref<250x40xi32, #tpu.memory_space<vmem>> -> memref<1x40xi32, #tpu.memory_space<vmem>>
    %dma_start3A_123 = tpu.memref_squeeze %dma_start3A_122 : memref<1x40xi32, #tpu.memory_space<vmem>> -> memref<40xi32, #tpu.memory_space<vmem>>
    %dma_start3A_124 = arith.constant 0 : i32
    %dma_start3A_125 = arith.constant 0 : i32
    %dma_start3A_126 = tpu.memref_slice %arg2[%dma_start3A_124, %dma_start3A_125] : memref<10000x128xf32, #tpu.memory_space<hbm>> -> memref<10000x128xf32, #tpu.memory_space<hbm>>
    tpu.enqueue_indirect_dma source(%dma_start3A_126 : memref<10000x128xf32, #tpu.memory_space<hbm>>) target(%dma_start3A_120 : memref<40x128xf32, #tpu.memory_space<vmem>>) offsets(%dma_start3A_123 : memref<40xi32, #tpu.memory_space<vmem>>) semaphore(%arg15 : memref<!tpu.dma_semaphore, #tpu.memory_space<semaphore_mem>>)
    %while3A_127 = arith.constant 0 : i32
    %while3A_128 = arith.constant 250 : i32
    %while3A_129 = arith.constant 0 : i32
    %while3A_130 = arith.constant 50 : i32
    %while3A_131 = arith.subi %while3A_130, %while3A_129 : i32
    %while3A_132 = arith.addi %while3A_129, %while3A_131 : i32
    %while3A_133 = arith.constant 1 : i32
    %while3A_134 = arith.divsi %while3A_131, %while3A_133 : i32
    %while3A_135 = arith.muli %while3A_134, %while3A_133 : i32
    %while3A_136 = arith.addi %while3A_129, %while3A_135 : i32
    %while3A_137 = arith.constant 1 : i32
    scf.for %while3A_147 = %while3A_129 to %while3A_136 step %while3A_137  : i32 {
      %mul3A_148 = arith.constant 5 : i32
      %mul3A_149 = arith.muli %while3A_147, %mul3A_148 : i32
      %add3A_150 = arith.constant 0 : i32
      %add3A_151 = arith.addi %mul3A_149, %add3A_150 : i32
      %dma_wait3A_152 = arith.constant 0 : i32
      %dma_wait3A_153 = arith.constant 0 : i32
      %dma_wait3A_154 = arith.constant 0 : i32
      %dma_wait3A_155 = tpu.memref_slice %arg9[%dma_wait3A_152, %dma_wait3A_153, %dma_wait3A_154] : memref<5x40x128xf32, #tpu.memory_space<vmem>> -> memref<1x40x128xf32, #tpu.memory_space<vmem>>
      %dma_wait3A_156 = tpu.memref_squeeze %dma_wait3A_155 : memref<1x40x128xf32, #tpu.memory_space<vmem>> -> memref<40x128xf32, #tpu.memory_space<vmem>>
      %dma_wait3A_157 = arith.constant 0 : i32
      %dma_wait3A_158 = tpu.memref_slice %arg7[%add3A_151, %dma_wait3A_157] : memref<250x40xi32, #tpu.memory_space<vmem>> -> memref<1x40xi32, #tpu.memory_space<vmem>>
      %dma_wait3A_159 = tpu.memref_squeeze %dma_wait3A_158 : memref<1x40xi32, #tpu.memory_space<vmem>> -> memref<40xi32, #tpu.memory_space<vmem>>
      %dma_wait3A_160 = arith.constant 0 : i32
      %dma_wait3A_161 = arith.constant 0 : i32
      %dma_wait3A_162 = tpu.memref_slice %arg2[%dma_wait3A_160, %dma_wait3A_161] : memref<10000x128xf32, #tpu.memory_space<hbm>> -> memref<10000x128xf32, #tpu.memory_space<hbm>>
      tpu.wait_indirect_dma semaphore(%arg11 : memref<!tpu.dma_semaphore, #tpu.memory_space<semaphore_mem>>) src(%dma_wait3A_162 : memref<10000x128xf32, #tpu.memory_space<hbm>>) dst(%dma_wait3A_156 : memref<40x128xf32, #tpu.memory_space<vmem>>)
      %run_scoped3A = arith.constant 0 : i32
      "tpu.region"() ({
        %run_scoped3A_249 = tpu.sem_alloc : memref<!tpu.dma_semaphore, #tpu.memory_space<semaphore_mem>>
        %dma_start3A_250 = arith.constant 0 : i32
        %dma_start3A_251 = arith.constant 0 : i32
        %dma_start3A_252 = tpu.memref_slice %arg9[%run_scoped3A, %dma_start3A_250, %dma_start3A_251] : memref<5x40x128xf32, #tpu.memory_space<vmem>> -> memref<1x40x128xf32, #tpu.memory_space<vmem>>
        %dma_start3A_253 = tpu.memref_squeeze %dma_start3A_252 : memref<1x40x128xf32, #tpu.memory_space<vmem>> -> memref<40x128xf32, #tpu.memory_space<vmem>>
        %dma_start3A_254 = arith.constant 0 : i32
        %dma_start3A_255 = tpu.memref_slice %arg8[%add3A_151, %dma_start3A_254] : memref<250x40xi32, #tpu.memory_space<vmem>> -> memref<1x40xi32, #tpu.memory_space<vmem>>
        %dma_start3A_256 = tpu.memref_squeeze %dma_start3A_255 : memref<1x40xi32, #tpu.memory_space<vmem>> -> memref<40xi32, #tpu.memory_space<vmem>>
        %dma_start3A_257 = arith.constant 0 : i32
        %dma_start3A_258 = arith.constant 0 : i32
        %dma_start3A_259 = tpu.memref_slice %arg6[%dma_start3A_257, %dma_start3A_258] : memref<10000x128xf32, #tpu.memory_space<vmem_shared>> -> memref<10000x128xf32, #tpu.memory_space<vmem_shared>>
        tpu.enqueue_indirect_dma source(%dma_start3A_253 : memref<40x128xf32, #tpu.memory_space<vmem>>) target(%dma_start3A_259 : memref<10000x128xf32, #tpu.memory_space<vmem_shared>>) offsets(%dma_start3A_256 : memref<40xi32, #tpu.memory_space<vmem>>) semaphore(%run_scoped3A_249 : memref<!tpu.dma_semaphore, #tpu.memory_space<semaphore_mem>>) {add = true}
        %dma_wait3A_260 = arith.constant 0 : i32
        %dma_wait3A_261 = arith.constant 0 : i32
        %dma_wait3A_262 = tpu.memref_slice %arg9[%run_scoped3A, %dma_wait3A_260, %dma_wait3A_261] : memref<5x40x128xf32, #tpu.memory_space<vmem>> -> memref<1x40x128xf32, #tpu.memory_space<vmem>>
        %dma_wait3A_263 = tpu.memref_squeeze %dma_wait3A_262 : memref<1x40x128xf32, #tpu.memory_space<vmem>> -> memref<40x128xf32, #tpu.memory_space<vmem>>
        %dma_wait3A_264 = arith.constant 0 : i32
        %dma_wait3A_265 = tpu.memref_slice %arg8[%add3A_151, %dma_wait3A_264] : memref<250x40xi32, #tpu.memory_space<vmem>> -> memref<1x40xi32, #tpu.memory_space<vmem>>
        %dma_wait3A_266 = tpu.memref_squeeze %dma_wait3A_265 : memref<1x40xi32, #tpu.memory_space<vmem>> -> memref<40xi32, #tpu.memory_space<vmem>>
        %dma_wait3A_267 = arith.constant 0 : i32
        %dma_wait3A_268 = arith.constant 0 : i32
        %dma_wait3A_269 = tpu.memref_slice %arg6[%dma_wait3A_267, %dma_wait3A_268] : memref<10000x128xf32, #tpu.memory_space<vmem_shared>> -> memref<10000x128xf32, #tpu.memory_space<vmem_shared>>
        tpu.wait_indirect_dma semaphore(%run_scoped3A_249 : memref<!tpu.dma_semaphore, #tpu.memory_space<semaphore_mem>>) src(%dma_wait3A_263 : memref<40x128xf32, #tpu.memory_space<vmem>>) dst(%dma_wait3A_269 : memref<10000x128xf32, #tpu.memory_space<vmem_shared>>)
        tpu.yield
      }) : () -> ()
      %add3A_163 = arith.constant 5 : i32
      %add3A_164 = arith.addi %add3A_151, %add3A_163 : i32
      %lt3A_165 = arith.cmpi slt, %add3A_164, %while3A_128 : i32
      %convert_element_type3A_166 = arith.extui %lt3A_165 : i1 to i32
      %cond3A_167 = arith.constant 0 : i32
      %cond3A_168 = arith.cmpi ne, %convert_element_type3A_166, %cond3A_167 : i32
      scf.if %cond3A_168 {
        %dma_start3A_249 = arith.constant 0 : i32
        %dma_start3A_250 = arith.constant 0 : i32
        %dma_start3A_251 = arith.constant 0 : i32
        %dma_start3A_252 = tpu.memref_slice %arg9[%dma_start3A_249, %dma_start3A_250, %dma_start3A_251] : memref<5x40x128xf32, #tpu.memory_space<vmem>> -> memref<1x40x128xf32, #tpu.memory_space<vmem>>
        %dma_start3A_253 = tpu.memref_squeeze %dma_start3A_252 : memref<1x40x128xf32, #tpu.memory_space<vmem>> -> memref<40x128xf32, #tpu.memory_space<vmem>>
        %dma_start3A_254 = arith.constant 0 : i32
        %dma_start3A_255 = tpu.memref_slice %arg7[%add3A_164, %dma_start3A_254] : memref<250x40xi32, #tpu.memory_space<vmem>> -> memref<1x40xi32, #tpu.memory_space<vmem>>
        %dma_start3A_256 = tpu.memref_squeeze %dma_start3A_255 : memref<1x40xi32, #tpu.memory_space<vmem>> -> memref<40xi32, #tpu.memory_space<vmem>>
        %dma_start3A_257 = arith.constant 0 : i32
        %dma_start3A_258 = arith.constant 0 : i32
        %dma_start3A_259 = tpu.memref_slice %arg2[%dma_start3A_257, %dma_start3A_258] : memref<10000x128xf32, #tpu.memory_space<hbm>> -> memref<10000x128xf32, #tpu.memory_space<hbm>>
        tpu.enqueue_indirect_dma source(%dma_start3A_259 : memref<10000x128xf32, #tpu.memory_space<hbm>>) target(%dma_start3A_253 : memref<40x128xf32, #tpu.memory_space<vmem>>) offsets(%dma_start3A_256 : memref<40xi32, #tpu.memory_space<vmem>>) semaphore(%arg11 : memref<!tpu.dma_semaphore, #tpu.memory_space<semaphore_mem>>)
      } else {
      }
      %add3A_169 = arith.constant 1 : i32
      %add3A_170 = arith.addi %mul3A_149, %add3A_169 : i32
      %dma_wait3A_171 = arith.constant 1 : i32
      %dma_wait3A_172 = arith.constant 0 : i32
      %dma_wait3A_173 = arith.constant 0 : i32
      %dma_wait3A_174 = tpu.memref_slice %arg9[%dma_wait3A_171, %dma_wait3A_172, %dma_wait3A_173] : memref<5x40x128xf32, #tpu.memory_space<vmem>> -> memref<1x40x128xf32, #tpu.memory_space<vmem>>
      %dma_wait3A_175 = tpu.memref_squeeze %dma_wait3A_174 : memref<1x40x128xf32, #tpu.memory_space<vmem>> -> memref<40x128xf32, #tpu.memory_space<vmem>>
      %dma_wait3A_176 = arith.constant 0 : i32
      %dma_wait3A_177 = tpu.memref_slice %arg7[%add3A_170, %dma_wait3A_176] : memref<250x40xi32, #tpu.memory_space<vmem>> -> memref<1x40xi32, #tpu.memory_space<vmem>>
      %dma_wait3A_178 = tpu.memref_squeeze %dma_wait3A_177 : memref<1x40xi32, #tpu.memory_space<vmem>> -> memref<40xi32, #tpu.memory_space<vmem>>
      %dma_wait3A_179 = arith.constant 0 : i32
      %dma_wait3A_180 = arith.constant 0 : i32
      %dma_wait3A_181 = tpu.memref_slice %arg2[%dma_wait3A_179, %dma_wait3A_180] : memref<10000x128xf32, #tpu.memory_space<hbm>> -> memref<10000x128xf32, #tpu.memory_space<hbm>>
      tpu.wait_indirect_dma semaphore(%arg12 : memref<!tpu.dma_semaphore, #tpu.memory_space<semaphore_mem>>) src(%dma_wait3A_181 : memref<10000x128xf32, #tpu.memory_space<hbm>>) dst(%dma_wait3A_175 : memref<40x128xf32, #tpu.memory_space<vmem>>)
      %run_scoped3A_182 = arith.constant 1 : i32
      "tpu.region"() ({
        %run_scoped3A_249 = tpu.sem_alloc : memref<!tpu.dma_semaphore, #tpu.memory_space<semaphore_mem>>
        %dma_start3A_250 = arith.constant 0 : i32
        %dma_start3A_251 = arith.constant 0 : i32
        %dma_start3A_252 = tpu.memref_slice %arg9[%run_scoped3A_182, %dma_start3A_250, %dma_start3A_251] : memref<5x40x128xf32, #tpu.memory_space<vmem>> -> memref<1x40x128xf32, #tpu.memory_space<vmem>>
        %dma_start3A_253 = tpu.memref_squeeze %dma_start3A_252 : memref<1x40x128xf32, #tpu.memory_space<vmem>> -> memref<40x128xf32, #tpu.memory_space<vmem>>
        %dma_start3A_254 = arith.constant 0 : i32
        %dma_start3A_255 = tpu.memref_slice %arg8[%add3A_170, %dma_start3A_254] : memref<250x40xi32, #tpu.memory_space<vmem>> -> memref<1x40xi32, #tpu.memory_space<vmem>>
        %dma_start3A_256 = tpu.memref_squeeze %dma_start3A_255 : memref<1x40xi32, #tpu.memory_space<vmem>> -> memref<40xi32, #tpu.memory_space<vmem>>
        %dma_start3A_257 = arith.constant 0 : i32
        %dma_start3A_258 = arith.constant 0 : i32
        %dma_start3A_259 = tpu.memref_slice %arg6[%dma_start3A_257, %dma_start3A_258] : memref<10000x128xf32, #tpu.memory_space<vmem_shared>> -> memref<10000x128xf32, #tpu.memory_space<vmem_shared>>
        tpu.enqueue_indirect_dma source(%dma_start3A_253 : memref<40x128xf32, #tpu.memory_space<vmem>>) target(%dma_start3A_259 : memref<10000x128xf32, #tpu.memory_space<vmem_shared>>) offsets(%dma_start3A_256 : memref<40xi32, #tpu.memory_space<vmem>>) semaphore(%run_scoped3A_249 : memref<!tpu.dma_semaphore, #tpu.memory_space<semaphore_mem>>) {add = true}
        %dma_wait3A_260 = arith.constant 0 : i32
        %dma_wait3A_261 = arith.constant 0 : i32
        %dma_wait3A_262 = tpu.memref_slice %arg9[%run_scoped3A_182, %dma_wait3A_260, %dma_wait3A_261] : memref<5x40x128xf32, #tpu.memory_space<vmem>> -> memref<1x40x128xf32, #tpu.memory_space<vmem>>
        %dma_wait3A_263 = tpu.memref_squeeze %dma_wait3A_262 : memref<1x40x128xf32, #tpu.memory_space<vmem>> -> memref<40x128xf32, #tpu.memory_space<vmem>>
        %dma_wait3A_264 = arith.constant 0 : i32
        %dma_wait3A_265 = tpu.memref_slice %arg8[%add3A_170, %dma_wait3A_264] : memref<250x40xi32, #tpu.memory_space<vmem>> -> memref<1x40xi32, #tpu.memory_space<vmem>>
        %dma_wait3A_266 = tpu.memref_squeeze %dma_wait3A_265 : memref<1x40xi32, #tpu.memory_space<vmem>> -> memref<40xi32, #tpu.memory_space<vmem>>
        %dma_wait3A_267 = arith.constant 0 : i32
        %dma_wait3A_268 = arith.constant 0 : i32
        %dma_wait3A_269 = tpu.memref_slice %arg6[%dma_wait3A_267, %dma_wait3A_268] : memref<10000x128xf32, #tpu.memory_space<vmem_shared>> -> memref<10000x128xf32, #tpu.memory_space<vmem_shared>>
        tpu.wait_indirect_dma semaphore(%run_scoped3A_249 : memref<!tpu.dma_semaphore, #tpu.memory_space<semaphore_mem>>) src(%dma_wait3A_263 : memref<40x128xf32, #tpu.memory_space<vmem>>) dst(%dma_wait3A_269 : memref<10000x128xf32, #tpu.memory_space<vmem_shared>>)
        tpu.yield
      }) : () -> ()
      %add3A_183 = arith.constant 5 : i32
      %add3A_184 = arith.addi %add3A_170, %add3A_183 : i32
      %lt3A_185 = arith.cmpi slt, %add3A_184, %while3A_128 : i32
      %convert_element_type3A_186 = arith.extui %lt3A_185 : i1 to i32
      %cond3A_187 = arith.constant 0 : i32
      %cond3A_188 = arith.cmpi ne, %convert_element_type3A_186, %cond3A_187 : i32
      scf.if %cond3A_188 {
        %dma_start3A_249 = arith.constant 1 : i32
        %dma_start3A_250 = arith.constant 0 : i32
        %dma_start3A_251 = arith.constant 0 : i32
        %dma_start3A_252 = tpu.memref_slice %arg9[%dma_start3A_249, %dma_start3A_250, %dma_start3A_251] : memref<5x40x128xf32, #tpu.memory_space<vmem>> -> memref<1x40x128xf32, #tpu.memory_space<vmem>>
        %dma_start3A_253 = tpu.memref_squeeze %dma_start3A_252 : memref<1x40x128xf32, #tpu.memory_space<vmem>> -> memref<40x128xf32, #tpu.memory_space<vmem>>
        %dma_start3A_254 = arith.constant 0 : i32
        %dma_start3A_255 = tpu.memref_slice %arg7[%add3A_184, %dma_start3A_254] : memref<250x40xi32, #tpu.memory_space<vmem>> -> memref<1x40xi32, #tpu.memory_space<vmem>>
        %dma_start3A_256 = tpu.memref_squeeze %dma_start3A_255 : memref<1x40xi32, #tpu.memory_space<vmem>> -> memref<40xi32, #tpu.memory_space<vmem>>
        %dma_start3A_257 = arith.constant 0 : i32
        %dma_start3A_258 = arith.constant 0 : i32
        %dma_start3A_259 = tpu.memref_slice %arg2[%dma_start3A_257, %dma_start3A_258] : memref<10000x128xf32, #tpu.memory_space<hbm>> -> memref<10000x128xf32, #tpu.memory_space<hbm>>
        tpu.enqueue_indirect_dma source(%dma_start3A_259 : memref<10000x128xf32, #tpu.memory_space<hbm>>) target(%dma_start3A_253 : memref<40x128xf32, #tpu.memory_space<vmem>>) offsets(%dma_start3A_256 : memref<40xi32, #tpu.memory_space<vmem>>) semaphore(%arg12 : memref<!tpu.dma_semaphore, #tpu.memory_space<semaphore_mem>>)
      } else {
      }
      %add3A_189 = arith.constant 2 : i32
      %add3A_190 = arith.addi %mul3A_149, %add3A_189 : i32
      %dma_wait3A_191 = arith.constant 2 : i32
      %dma_wait3A_192 = arith.constant 0 : i32
      %dma_wait3A_193 = arith.constant 0 : i32
      %dma_wait3A_194 = tpu.memref_slice %arg9[%dma_wait3A_191, %dma_wait3A_192, %dma_wait3A_193] : memref<5x40x128xf32, #tpu.memory_space<vmem>> -> memref<1x40x128xf32, #tpu.memory_space<vmem>>
      %dma_wait3A_195 = tpu.memref_squeeze %dma_wait3A_194 : memref<1x40x128xf32, #tpu.memory_space<vmem>> -> memref<40x128xf32, #tpu.memory_space<vmem>>
      %dma_wait3A_196 = arith.constant 0 : i32
      %dma_wait3A_197 = tpu.memref_slice %arg7[%add3A_190, %dma_wait3A_196] : memref<250x40xi32, #tpu.memory_space<vmem>> -> memref<1x40xi32, #tpu.memory_space<vmem>>
      %dma_wait3A_198 = tpu.memref_squeeze %dma_wait3A_197 : memref<1x40xi32, #tpu.memory_space<vmem>> -> memref<40xi32, #tpu.memory_space<vmem>>
      %dma_wait3A_199 = arith.constant 0 : i32
      %dma_wait3A_200 = arith.constant 0 : i32
      %dma_wait3A_201 = tpu.memref_slice %arg2[%dma_wait3A_199, %dma_wait3A_200] : memref<10000x128xf32, #tpu.memory_space<hbm>> -> memref<10000x128xf32, #tpu.memory_space<hbm>>
      tpu.wait_indirect_dma semaphore(%arg13 : memref<!tpu.dma_semaphore, #tpu.memory_space<semaphore_mem>>) src(%dma_wait3A_201 : memref<10000x128xf32, #tpu.memory_space<hbm>>) dst(%dma_wait3A_195 : memref<40x128xf32, #tpu.memory_space<vmem>>)
      %run_scoped3A_202 = arith.constant 2 : i32
      "tpu.region"() ({
        %run_scoped3A_249 = tpu.sem_alloc : memref<!tpu.dma_semaphore, #tpu.memory_space<semaphore_mem>>
        %dma_start3A_250 = arith.constant 0 : i32
        %dma_start3A_251 = arith.constant 0 : i32
        %dma_start3A_252 = tpu.memref_slice %arg9[%run_scoped3A_202, %dma_start3A_250, %dma_start3A_251] : memref<5x40x128xf32, #tpu.memory_space<vmem>> -> memref<1x40x128xf32, #tpu.memory_space<vmem>>
        %dma_start3A_253 = tpu.memref_squeeze %dma_start3A_252 : memref<1x40x128xf32, #tpu.memory_space<vmem>> -> memref<40x128xf32, #tpu.memory_space<vmem>>
        %dma_start3A_254 = arith.constant 0 : i32
        %dma_start3A_255 = tpu.memref_slice %arg8[%add3A_190, %dma_start3A_254] : memref<250x40xi32, #tpu.memory_space<vmem>> -> memref<1x40xi32, #tpu.memory_space<vmem>>
        %dma_start3A_256 = tpu.memref_squeeze %dma_start3A_255 : memref<1x40xi32, #tpu.memory_space<vmem>> -> memref<40xi32, #tpu.memory_space<vmem>>
        %dma_start3A_257 = arith.constant 0 : i32
        %dma_start3A_258 = arith.constant 0 : i32
        %dma_start3A_259 = tpu.memref_slice %arg6[%dma_start3A_257, %dma_start3A_258] : memref<10000x128xf32, #tpu.memory_space<vmem_shared>> -> memref<10000x128xf32, #tpu.memory_space<vmem_shared>>
        tpu.enqueue_indirect_dma source(%dma_start3A_253 : memref<40x128xf32, #tpu.memory_space<vmem>>) target(%dma_start3A_259 : memref<10000x128xf32, #tpu.memory_space<vmem_shared>>) offsets(%dma_start3A_256 : memref<40xi32, #tpu.memory_space<vmem>>) semaphore(%run_scoped3A_249 : memref<!tpu.dma_semaphore, #tpu.memory_space<semaphore_mem>>) {add = true}
        %dma_wait3A_260 = arith.constant 0 : i32
        %dma_wait3A_261 = arith.constant 0 : i32
        %dma_wait3A_262 = tpu.memref_slice %arg9[%run_scoped3A_202, %dma_wait3A_260, %dma_wait3A_261] : memref<5x40x128xf32, #tpu.memory_space<vmem>> -> memref<1x40x128xf32, #tpu.memory_space<vmem>>
        %dma_wait3A_263 = tpu.memref_squeeze %dma_wait3A_262 : memref<1x40x128xf32, #tpu.memory_space<vmem>> -> memref<40x128xf32, #tpu.memory_space<vmem>>
        %dma_wait3A_264 = arith.constant 0 : i32
        %dma_wait3A_265 = tpu.memref_slice %arg8[%add3A_190, %dma_wait3A_264] : memref<250x40xi32, #tpu.memory_space<vmem>> -> memref<1x40xi32, #tpu.memory_space<vmem>>
        %dma_wait3A_266 = tpu.memref_squeeze %dma_wait3A_265 : memref<1x40xi32, #tpu.memory_space<vmem>> -> memref<40xi32, #tpu.memory_space<vmem>>
        %dma_wait3A_267 = arith.constant 0 : i32
        %dma_wait3A_268 = arith.constant 0 : i32
        %dma_wait3A_269 = tpu.memref_slice %arg6[%dma_wait3A_267, %dma_wait3A_268] : memref<10000x128xf32, #tpu.memory_space<vmem_shared>> -> memref<10000x128xf32, #tpu.memory_space<vmem_shared>>
        tpu.wait_indirect_dma semaphore(%run_scoped3A_249 : memref<!tpu.dma_semaphore, #tpu.memory_space<semaphore_mem>>) src(%dma_wait3A_263 : memref<40x128xf32, #tpu.memory_space<vmem>>) dst(%dma_wait3A_269 : memref<10000x128xf32, #tpu.memory_space<vmem_shared>>)
        tpu.yield
      }) : () -> ()
      %add3A_203 = arith.constant 5 : i32
      %add3A_204 = arith.addi %add3A_190, %add3A_203 : i32
      %lt3A_205 = arith.cmpi slt, %add3A_204, %while3A_128 : i32
      %convert_element_type3A_206 = arith.extui %lt3A_205 : i1 to i32
      %cond3A_207 = arith.constant 0 : i32
      %cond3A_208 = arith.cmpi ne, %convert_element_type3A_206, %cond3A_207 : i32
      scf.if %cond3A_208 {
        %dma_start3A_249 = arith.constant 2 : i32
        %dma_start3A_250 = arith.constant 0 : i32
        %dma_start3A_251 = arith.constant 0 : i32
        %dma_start3A_252 = tpu.memref_slice %arg9[%dma_start3A_249, %dma_start3A_250, %dma_start3A_251] : memref<5x40x128xf32, #tpu.memory_space<vmem>> -> memref<1x40x128xf32, #tpu.memory_space<vmem>>
        %dma_start3A_253 = tpu.memref_squeeze %dma_start3A_252 : memref<1x40x128xf32, #tpu.memory_space<vmem>> -> memref<40x128xf32, #tpu.memory_space<vmem>>
        %dma_start3A_254 = arith.constant 0 : i32
        %dma_start3A_255 = tpu.memref_slice %arg7[%add3A_204, %dma_start3A_254] : memref<250x40xi32, #tpu.memory_space<vmem>> -> memref<1x40xi32, #tpu.memory_space<vmem>>
        %dma_start3A_256 = tpu.memref_squeeze %dma_start3A_255 : memref<1x40xi32, #tpu.memory_space<vmem>> -> memref<40xi32, #tpu.memory_space<vmem>>
        %dma_start3A_257 = arith.constant 0 : i32
        %dma_start3A_258 = arith.constant 0 : i32
        %dma_start3A_259 = tpu.memref_slice %arg2[%dma_start3A_257, %dma_start3A_258] : memref<10000x128xf32, #tpu.memory_space<hbm>> -> memref<10000x128xf32, #tpu.memory_space<hbm>>
        tpu.enqueue_indirect_dma source(%dma_start3A_259 : memref<10000x128xf32, #tpu.memory_space<hbm>>) target(%dma_start3A_253 : memref<40x128xf32, #tpu.memory_space<vmem>>) offsets(%dma_start3A_256 : memref<40xi32, #tpu.memory_space<vmem>>) semaphore(%arg13 : memref<!tpu.dma_semaphore, #tpu.memory_space<semaphore_mem>>)
      } else {
      }
      %add3A_209 = arith.constant 3 : i32
      %add3A_210 = arith.addi %mul3A_149, %add3A_209 : i32
      %dma_wait3A_211 = arith.constant 3 : i32
      %dma_wait3A_212 = arith.constant 0 : i32
      %dma_wait3A_213 = arith.constant 0 : i32
      %dma_wait3A_214 = tpu.memref_slice %arg9[%dma_wait3A_211, %dma_wait3A_212, %dma_wait3A_213] : memref<5x40x128xf32, #tpu.memory_space<vmem>> -> memref<1x40x128xf32, #tpu.memory_space<vmem>>
      %dma_wait3A_215 = tpu.memref_squeeze %dma_wait3A_214 : memref<1x40x128xf32, #tpu.memory_space<vmem>> -> memref<40x128xf32, #tpu.memory_space<vmem>>
      %dma_wait3A_216 = arith.constant 0 : i32
      %dma_wait3A_217 = tpu.memref_slice %arg7[%add3A_210, %dma_wait3A_216] : memref<250x40xi32, #tpu.memory_space<vmem>> -> memref<1x40xi32, #tpu.memory_space<vmem>>
      %dma_wait3A_218 = tpu.memref_squeeze %dma_wait3A_217 : memref<1x40xi32, #tpu.memory_space<vmem>> -> memref<40xi32, #tpu.memory_space<vmem>>
      %dma_wait3A_219 = arith.constant 0 : i32
      %dma_wait3A_220 = arith.constant 0 : i32
      %dma_wait3A_221 = tpu.memref_slice %arg2[%dma_wait3A_219, %dma_wait3A_220] : memref<10000x128xf32, #tpu.memory_space<hbm>> -> memref<10000x128xf32, #tpu.memory_space<hbm>>
      tpu.wait_indirect_dma semaphore(%arg14 : memref<!tpu.dma_semaphore, #tpu.memory_space<semaphore_mem>>) src(%dma_wait3A_221 : memref<10000x128xf32, #tpu.memory_space<hbm>>) dst(%dma_wait3A_215 : memref<40x128xf32, #tpu.memory_space<vmem>>)
      %run_scoped3A_222 = arith.constant 3 : i32
      "tpu.region"() ({
        %run_scoped3A_249 = tpu.sem_alloc : memref<!tpu.dma_semaphore, #tpu.memory_space<semaphore_mem>>
        %dma_start3A_250 = arith.constant 0 : i32
        %dma_start3A_251 = arith.constant 0 : i32
        %dma_start3A_252 = tpu.memref_slice %arg9[%run_scoped3A_222, %dma_start3A_250, %dma_start3A_251] : memref<5x40x128xf32, #tpu.memory_space<vmem>> -> memref<1x40x128xf32, #tpu.memory_space<vmem>>
        %dma_start3A_253 = tpu.memref_squeeze %dma_start3A_252 : memref<1x40x128xf32, #tpu.memory_space<vmem>> -> memref<40x128xf32, #tpu.memory_space<vmem>>
        %dma_start3A_254 = arith.constant 0 : i32
        %dma_start3A_255 = tpu.memref_slice %arg8[%add3A_210, %dma_start3A_254] : memref<250x40xi32, #tpu.memory_space<vmem>> -> memref<1x40xi32, #tpu.memory_space<vmem>>
        %dma_start3A_256 = tpu.memref_squeeze %dma_start3A_255 : memref<1x40xi32, #tpu.memory_space<vmem>> -> memref<40xi32, #tpu.memory_space<vmem>>
        %dma_start3A_257 = arith.constant 0 : i32
        %dma_start3A_258 = arith.constant 0 : i32
        %dma_start3A_259 = tpu.memref_slice %arg6[%dma_start3A_257, %dma_start3A_258] : memref<10000x128xf32, #tpu.memory_space<vmem_shared>> -> memref<10000x128xf32, #tpu.memory_space<vmem_shared>>
        tpu.enqueue_indirect_dma source(%dma_start3A_253 : memref<40x128xf32, #tpu.memory_space<vmem>>) target(%dma_start3A_259 : memref<10000x128xf32, #tpu.memory_space<vmem_shared>>) offsets(%dma_start3A_256 : memref<40xi32, #tpu.memory_space<vmem>>) semaphore(%run_scoped3A_249 : memref<!tpu.dma_semaphore, #tpu.memory_space<semaphore_mem>>) {add = true}
        %dma_wait3A_260 = arith.constant 0 : i32
        %dma_wait3A_261 = arith.constant 0 : i32
        %dma_wait3A_262 = tpu.memref_slice %arg9[%run_scoped3A_222, %dma_wait3A_260, %dma_wait3A_261] : memref<5x40x128xf32, #tpu.memory_space<vmem>> -> memref<1x40x128xf32, #tpu.memory_space<vmem>>
        %dma_wait3A_263 = tpu.memref_squeeze %dma_wait3A_262 : memref<1x40x128xf32, #tpu.memory_space<vmem>> -> memref<40x128xf32, #tpu.memory_space<vmem>>
        %dma_wait3A_264 = arith.constant 0 : i32
        %dma_wait3A_265 = tpu.memref_slice %arg8[%add3A_210, %dma_wait3A_264] : memref<250x40xi32, #tpu.memory_space<vmem>> -> memref<1x40xi32, #tpu.memory_space<vmem>>
        %dma_wait3A_266 = tpu.memref_squeeze %dma_wait3A_265 : memref<1x40xi32, #tpu.memory_space<vmem>> -> memref<40xi32, #tpu.memory_space<vmem>>
        %dma_wait3A_267 = arith.constant 0 : i32
        %dma_wait3A_268 = arith.constant 0 : i32
        %dma_wait3A_269 = tpu.memref_slice %arg6[%dma_wait3A_267, %dma_wait3A_268] : memref<10000x128xf32, #tpu.memory_space<vmem_shared>> -> memref<10000x128xf32, #tpu.memory_space<vmem_shared>>
        tpu.wait_indirect_dma semaphore(%run_scoped3A_249 : memref<!tpu.dma_semaphore, #tpu.memory_space<semaphore_mem>>) src(%dma_wait3A_263 : memref<40x128xf32, #tpu.memory_space<vmem>>) dst(%dma_wait3A_269 : memref<10000x128xf32, #tpu.memory_space<vmem_shared>>)
        tpu.yield
      }) : () -> ()
      %add3A_223 = arith.constant 5 : i32
      %add3A_224 = arith.addi %add3A_210, %add3A_223 : i32
      %lt3A_225 = arith.cmpi slt, %add3A_224, %while3A_128 : i32
      %convert_element_type3A_226 = arith.extui %lt3A_225 : i1 to i32
      %cond3A_227 = arith.constant 0 : i32
      %cond3A_228 = arith.cmpi ne, %convert_element_type3A_226, %cond3A_227 : i32
      scf.if %cond3A_228 {
        %dma_start3A_249 = arith.constant 3 : i32
        %dma_start3A_250 = arith.constant 0 : i32
        %dma_start3A_251 = arith.constant 0 : i32
        %dma_start3A_252 = tpu.memref_slice %arg9[%dma_start3A_249, %dma_start3A_250, %dma_start3A_251] : memref<5x40x128xf32, #tpu.memory_space<vmem>> -> memref<1x40x128xf32, #tpu.memory_space<vmem>>
        %dma_start3A_253 = tpu.memref_squeeze %dma_start3A_252 : memref<1x40x128xf32, #tpu.memory_space<vmem>> -> memref<40x128xf32, #tpu.memory_space<vmem>>
        %dma_start3A_254 = arith.constant 0 : i32
        %dma_start3A_255 = tpu.memref_slice %arg7[%add3A_224, %dma_start3A_254] : memref<250x40xi32, #tpu.memory_space<vmem>> -> memref<1x40xi32, #tpu.memory_space<vmem>>
        %dma_start3A_256 = tpu.memref_squeeze %dma_start3A_255 : memref<1x40xi32, #tpu.memory_space<vmem>> -> memref<40xi32, #tpu.memory_space<vmem>>
        %dma_start3A_257 = arith.constant 0 : i32
        %dma_start3A_258 = arith.constant 0 : i32
        %dma_start3A_259 = tpu.memref_slice %arg2[%dma_start3A_257, %dma_start3A_258] : memref<10000x128xf32, #tpu.memory_space<hbm>> -> memref<10000x128xf32, #tpu.memory_space<hbm>>
        tpu.enqueue_indirect_dma source(%dma_start3A_259 : memref<10000x128xf32, #tpu.memory_space<hbm>>) target(%dma_start3A_253 : memref<40x128xf32, #tpu.memory_space<vmem>>) offsets(%dma_start3A_256 : memref<40xi32, #tpu.memory_space<vmem>>) semaphore(%arg14 : memref<!tpu.dma_semaphore, #tpu.memory_space<semaphore_mem>>)
      } else {
      }
      %add3A_229 = arith.constant 4 : i32
      %add3A_230 = arith.addi %mul3A_149, %add3A_229 : i32
      %dma_wait3A_231 = arith.constant 4 : i32
      %dma_wait3A_232 = arith.constant 0 : i32
      %dma_wait3A_233 = arith.constant 0 : i32
      %dma_wait3A_234 = tpu.memref_slice %arg9[%dma_wait3A_231, %dma_wait3A_232, %dma_wait3A_233] : memref<5x40x128xf32, #tpu.memory_space<vmem>> -> memref<1x40x128xf32, #tpu.memory_space<vmem>>
      %dma_wait3A_235 = tpu.memref_squeeze %dma_wait3A_234 : memref<1x40x128xf32, #tpu.memory_space<vmem>> -> memref<40x128xf32, #tpu.memory_space<vmem>>
      %dma_wait3A_236 = arith.constant 0 : i32
      %dma_wait3A_237 = tpu.memref_slice %arg7[%add3A_230, %dma_wait3A_236] : memref<250x40xi32, #tpu.memory_space<vmem>> -> memref<1x40xi32, #tpu.memory_space<vmem>>
      %dma_wait3A_238 = tpu.memref_squeeze %dma_wait3A_237 : memref<1x40xi32, #tpu.memory_space<vmem>> -> memref<40xi32, #tpu.memory_space<vmem>>
      %dma_wait3A_239 = arith.constant 0 : i32
      %dma_wait3A_240 = arith.constant 0 : i32
      %dma_wait3A_241 = tpu.memref_slice %arg2[%dma_wait3A_239, %dma_wait3A_240] : memref<10000x128xf32, #tpu.memory_space<hbm>> -> memref<10000x128xf32, #tpu.memory_space<hbm>>
      tpu.wait_indirect_dma semaphore(%arg15 : memref<!tpu.dma_semaphore, #tpu.memory_space<semaphore_mem>>) src(%dma_wait3A_241 : memref<10000x128xf32, #tpu.memory_space<hbm>>) dst(%dma_wait3A_235 : memref<40x128xf32, #tpu.memory_space<vmem>>)
      %run_scoped3A_242 = arith.constant 4 : i32
      "tpu.region"() ({
        %run_scoped3A_249 = tpu.sem_alloc : memref<!tpu.dma_semaphore, #tpu.memory_space<semaphore_mem>>
        %dma_start3A_250 = arith.constant 0 : i32
        %dma_start3A_251 = arith.constant 0 : i32
        %dma_start3A_252 = tpu.memref_slice %arg9[%run_scoped3A_242, %dma_start3A_250, %dma_start3A_251] : memref<5x40x128xf32, #tpu.memory_space<vmem>> -> memref<1x40x128xf32, #tpu.memory_space<vmem>>
        %dma_start3A_253 = tpu.memref_squeeze %dma_start3A_252 : memref<1x40x128xf32, #tpu.memory_space<vmem>> -> memref<40x128xf32, #tpu.memory_space<vmem>>
        %dma_start3A_254 = arith.constant 0 : i32
        %dma_start3A_255 = tpu.memref_slice %arg8[%add3A_230, %dma_start3A_254] : memref<250x40xi32, #tpu.memory_space<vmem>> -> memref<1x40xi32, #tpu.memory_space<vmem>>
        %dma_start3A_256 = tpu.memref_squeeze %dma_start3A_255 : memref<1x40xi32, #tpu.memory_space<vmem>> -> memref<40xi32, #tpu.memory_space<vmem>>
        %dma_start3A_257 = arith.constant 0 : i32
        %dma_start3A_258 = arith.constant 0 : i32
        %dma_start3A_259 = tpu.memref_slice %arg6[%dma_start3A_257, %dma_start3A_258] : memref<10000x128xf32, #tpu.memory_space<vmem_shared>> -> memref<10000x128xf32, #tpu.memory_space<vmem_shared>>
        tpu.enqueue_indirect_dma source(%dma_start3A_253 : memref<40x128xf32, #tpu.memory_space<vmem>>) target(%dma_start3A_259 : memref<10000x128xf32, #tpu.memory_space<vmem_shared>>) offsets(%dma_start3A_256 : memref<40xi32, #tpu.memory_space<vmem>>) semaphore(%run_scoped3A_249 : memref<!tpu.dma_semaphore, #tpu.memory_space<semaphore_mem>>) {add = true}
        %dma_wait3A_260 = arith.constant 0 : i32
        %dma_wait3A_261 = arith.constant 0 : i32
        %dma_wait3A_262 = tpu.memref_slice %arg9[%run_scoped3A_242, %dma_wait3A_260, %dma_wait3A_261] : memref<5x40x128xf32, #tpu.memory_space<vmem>> -> memref<1x40x128xf32, #tpu.memory_space<vmem>>
        %dma_wait3A_263 = tpu.memref_squeeze %dma_wait3A_262 : memref<1x40x128xf32, #tpu.memory_space<vmem>> -> memref<40x128xf32, #tpu.memory_space<vmem>>
        %dma_wait3A_264 = arith.constant 0 : i32
        %dma_wait3A_265 = tpu.memref_slice %arg8[%add3A_230, %dma_wait3A_264] : memref<250x40xi32, #tpu.memory_space<vmem>> -> memref<1x40xi32, #tpu.memory_space<vmem>>
        %dma_wait3A_266 = tpu.memref_squeeze %dma_wait3A_265 : memref<1x40xi32, #tpu.memory_space<vmem>> -> memref<40xi32, #tpu.memory_space<vmem>>
        %dma_wait3A_267 = arith.constant 0 : i32
        %dma_wait3A_268 = arith.constant 0 : i32
        %dma_wait3A_269 = tpu.memref_slice %arg6[%dma_wait3A_267, %dma_wait3A_268] : memref<10000x128xf32, #tpu.memory_space<vmem_shared>> -> memref<10000x128xf32, #tpu.memory_space<vmem_shared>>
        tpu.wait_indirect_dma semaphore(%run_scoped3A_249 : memref<!tpu.dma_semaphore, #tpu.memory_space<semaphore_mem>>) src(%dma_wait3A_263 : memref<40x128xf32, #tpu.memory_space<vmem>>) dst(%dma_wait3A_269 : memref<10000x128xf32, #tpu.memory_space<vmem_shared>>)
        tpu.yield
      }) : () -> ()
      %add3A_243 = arith.constant 5 : i32
      %add3A_244 = arith.addi %add3A_230, %add3A_243 : i32
      %lt3A_245 = arith.cmpi slt, %add3A_244, %while3A_128 : i32
      %convert_element_type3A_246 = arith.extui %lt3A_245 : i1 to i32
      %cond3A_247 = arith.constant 0 : i32
      %cond3A_248 = arith.cmpi ne, %convert_element_type3A_246, %cond3A_247 : i32
      scf.if %cond3A_248 {
        %dma_start3A_249 = arith.constant 4 : i32
        %dma_start3A_250 = arith.constant 0 : i32
        %dma_start3A_251 = arith.constant 0 : i32
        %dma_start3A_252 = tpu.memref_slice %arg9[%dma_start3A_249, %dma_start3A_250, %dma_start3A_251] : memref<5x40x128xf32, #tpu.memory_space<vmem>> -> memref<1x40x128xf32, #tpu.memory_space<vmem>>
        %dma_start3A_253 = tpu.memref_squeeze %dma_start3A_252 : memref<1x40x128xf32, #tpu.memory_space<vmem>> -> memref<40x128xf32, #tpu.memory_space<vmem>>
        %dma_start3A_254 = arith.constant 0 : i32
        %dma_start3A_255 = tpu.memref_slice %arg7[%add3A_244, %dma_start3A_254] : memref<250x40xi32, #tpu.memory_space<vmem>> -> memref<1x40xi32, #tpu.memory_space<vmem>>
        %dma_start3A_256 = tpu.memref_squeeze %dma_start3A_255 : memref<1x40xi32, #tpu.memory_space<vmem>> -> memref<40xi32, #tpu.memory_space<vmem>>
        %dma_start3A_257 = arith.constant 0 : i32
        %dma_start3A_258 = arith.constant 0 : i32
        %dma_start3A_259 = tpu.memref_slice %arg2[%dma_start3A_257, %dma_start3A_258] : memref<10000x128xf32, #tpu.memory_space<hbm>> -> memref<10000x128xf32, #tpu.memory_space<hbm>>
        tpu.enqueue_indirect_dma source(%dma_start3A_259 : memref<10000x128xf32, #tpu.memory_space<hbm>>) target(%dma_start3A_253 : memref<40x128xf32, #tpu.memory_space<vmem>>) offsets(%dma_start3A_256 : memref<40xi32, #tpu.memory_space<vmem>>) semaphore(%arg15 : memref<!tpu.dma_semaphore, #tpu.memory_space<semaphore_mem>>)
      } else {
      }
    }
    %while3A_138 = arith.constant 1 : i32
    scf.for %while3A_147 = %while3A_136 to %while3A_132 step %while3A_138  : i32 {
      %mul3A_148 = arith.constant 5 : i32
      %mul3A_149 = arith.muli %while3A_147, %mul3A_148 : i32
      %add3A_150 = arith.constant 0 : i32
      %add3A_151 = arith.addi %mul3A_149, %add3A_150 : i32
      %dma_wait3A_152 = arith.constant 0 : i32
      %dma_wait3A_153 = arith.constant 0 : i32
      %dma_wait3A_154 = arith.constant 0 : i32
      %dma_wait3A_155 = tpu.memref_slice %arg9[%dma_wait3A_152, %dma_wait3A_153, %dma_wait3A_154] : memref<5x40x128xf32, #tpu.memory_space<vmem>> -> memref<1x40x128xf32, #tpu.memory_space<vmem>>
      %dma_wait3A_156 = tpu.memref_squeeze %dma_wait3A_155 : memref<1x40x128xf32, #tpu.memory_space<vmem>> -> memref<40x128xf32, #tpu.memory_space<vmem>>
      %dma_wait3A_157 = arith.constant 0 : i32
      %dma_wait3A_158 = tpu.memref_slice %arg7[%add3A_151, %dma_wait3A_157] : memref<250x40xi32, #tpu.memory_space<vmem>> -> memref<1x40xi32, #tpu.memory_space<vmem>>
      %dma_wait3A_159 = tpu.memref_squeeze %dma_wait3A_158 : memref<1x40xi32, #tpu.memory_space<vmem>> -> memref<40xi32, #tpu.memory_space<vmem>>
      %dma_wait3A_160 = arith.constant 0 : i32
      %dma_wait3A_161 = arith.constant 0 : i32
      %dma_wait3A_162 = tpu.memref_slice %arg2[%dma_wait3A_160, %dma_wait3A_161] : memref<10000x128xf32, #tpu.memory_space<hbm>> -> memref<10000x128xf32, #tpu.memory_space<hbm>>
      tpu.wait_indirect_dma semaphore(%arg11 : memref<!tpu.dma_semaphore, #tpu.memory_space<semaphore_mem>>) src(%dma_wait3A_162 : memref<10000x128xf32, #tpu.memory_space<hbm>>) dst(%dma_wait3A_156 : memref<40x128xf32, #tpu.memory_space<vmem>>)
      %run_scoped3A = arith.constant 0 : i32
      "tpu.region"() ({
        %run_scoped3A_249 = tpu.sem_alloc : memref<!tpu.dma_semaphore, #tpu.memory_space<semaphore_mem>>
        %dma_start3A_250 = arith.constant 0 : i32
        %dma_start3A_251 = arith.constant 0 : i32
        %dma_start3A_252 = tpu.memref_slice %arg9[%run_scoped3A, %dma_start3A_250, %dma_start3A_251] : memref<5x40x128xf32, #tpu.memory_space<vmem>> -> memref<1x40x128xf32, #tpu.memory_space<vmem>>
        %dma_start3A_253 = tpu.memref_squeeze %dma_start3A_252 : memref<1x40x128xf32, #tpu.memory_space<vmem>> -> memref<40x128xf32, #tpu.memory_space<vmem>>
        %dma_start3A_254 = arith.constant 0 : i32
        %dma_start3A_255 = tpu.memref_slice %arg8[%add3A_151, %dma_start3A_254] : memref<250x40xi32, #tpu.memory_space<vmem>> -> memref<1x40xi32, #tpu.memory_space<vmem>>
        %dma_start3A_256 = tpu.memref_squeeze %dma_start3A_255 : memref<1x40xi32, #tpu.memory_space<vmem>> -> memref<40xi32, #tpu.memory_space<vmem>>
        %dma_start3A_257 = arith.constant 0 : i32
        %dma_start3A_258 = arith.constant 0 : i32
        %dma_start3A_259 = tpu.memref_slice %arg6[%dma_start3A_257, %dma_start3A_258] : memref<10000x128xf32, #tpu.memory_space<vmem_shared>> -> memref<10000x128xf32, #tpu.memory_space<vmem_shared>>
        tpu.enqueue_indirect_dma source(%dma_start3A_253 : memref<40x128xf32, #tpu.memory_space<vmem>>) target(%dma_start3A_259 : memref<10000x128xf32, #tpu.memory_space<vmem_shared>>) offsets(%dma_start3A_256 : memref<40xi32, #tpu.memory_space<vmem>>) semaphore(%run_scoped3A_249 : memref<!tpu.dma_semaphore, #tpu.memory_space<semaphore_mem>>) {add = true}
        %dma_wait3A_260 = arith.constant 0 : i32
        %dma_wait3A_261 = arith.constant 0 : i32
        %dma_wait3A_262 = tpu.memref_slice %arg9[%run_scoped3A, %dma_wait3A_260, %dma_wait3A_261] : memref<5x40x128xf32, #tpu.memory_space<vmem>> -> memref<1x40x128xf32, #tpu.memory_space<vmem>>
        %dma_wait3A_263 = tpu.memref_squeeze %dma_wait3A_262 : memref<1x40x128xf32, #tpu.memory_space<vmem>> -> memref<40x128xf32, #tpu.memory_space<vmem>>
        %dma_wait3A_264 = arith.constant 0 : i32
        %dma_wait3A_265 = tpu.memref_slice %arg8[%add3A_151, %dma_wait3A_264] : memref<250x40xi32, #tpu.memory_space<vmem>> -> memref<1x40xi32, #tpu.memory_space<vmem>>
        %dma_wait3A_266 = tpu.memref_squeeze %dma_wait3A_265 : memref<1x40xi32, #tpu.memory_space<vmem>> -> memref<40xi32, #tpu.memory_space<vmem>>
        %dma_wait3A_267 = arith.constant 0 : i32
        %dma_wait3A_268 = arith.constant 0 : i32
        %dma_wait3A_269 = tpu.memref_slice %arg6[%dma_wait3A_267, %dma_wait3A_268] : memref<10000x128xf32, #tpu.memory_space<vmem_shared>> -> memref<10000x128xf32, #tpu.memory_space<vmem_shared>>
        tpu.wait_indirect_dma semaphore(%run_scoped3A_249 : memref<!tpu.dma_semaphore, #tpu.memory_space<semaphore_mem>>) src(%dma_wait3A_263 : memref<40x128xf32, #tpu.memory_space<vmem>>) dst(%dma_wait3A_269 : memref<10000x128xf32, #tpu.memory_space<vmem_shared>>)
        tpu.yield
      }) : () -> ()
      %add3A_163 = arith.constant 5 : i32
      %add3A_164 = arith.addi %add3A_151, %add3A_163 : i32
      %lt3A_165 = arith.cmpi slt, %add3A_164, %while3A_128 : i32
      %convert_element_type3A_166 = arith.extui %lt3A_165 : i1 to i32
      %cond3A_167 = arith.constant 0 : i32
      %cond3A_168 = arith.cmpi ne, %convert_element_type3A_166, %cond3A_167 : i32
      scf.if %cond3A_168 {
        %dma_start3A_249 = arith.constant 0 : i32
        %dma_start3A_250 = arith.constant 0 : i32
        %dma_start3A_251 = arith.constant 0 : i32
        %dma_start3A_252 = tpu.memref_slice %arg9[%dma_start3A_249, %dma_start3A_250, %dma_start3A_251] : memref<5x40x128xf32, #tpu.memory_space<vmem>> -> memref<1x40x128xf32, #tpu.memory_space<vmem>>
        %dma_start3A_253 = tpu.memref_squeeze %dma_start3A_252 : memref<1x40x128xf32, #tpu.memory_space<vmem>> -> memref<40x128xf32, #tpu.memory_space<vmem>>
        %dma_start3A_254 = arith.constant 0 : i32
        %dma_start3A_255 = tpu.memref_slice %arg7[%add3A_164, %dma_start3A_254] : memref<250x40xi32, #tpu.memory_space<vmem>> -> memref<1x40xi32, #tpu.memory_space<vmem>>
        %dma_start3A_256 = tpu.memref_squeeze %dma_start3A_255 : memref<1x40xi32, #tpu.memory_space<vmem>> -> memref<40xi32, #tpu.memory_space<vmem>>
        %dma_start3A_257 = arith.constant 0 : i32
        %dma_start3A_258 = arith.constant 0 : i32
        %dma_start3A_259 = tpu.memref_slice %arg2[%dma_start3A_257, %dma_start3A_258] : memref<10000x128xf32, #tpu.memory_space<hbm>> -> memref<10000x128xf32, #tpu.memory_space<hbm>>
        tpu.enqueue_indirect_dma source(%dma_start3A_259 : memref<10000x128xf32, #tpu.memory_space<hbm>>) target(%dma_start3A_253 : memref<40x128xf32, #tpu.memory_space<vmem>>) offsets(%dma_start3A_256 : memref<40xi32, #tpu.memory_space<vmem>>) semaphore(%arg11 : memref<!tpu.dma_semaphore, #tpu.memory_space<semaphore_mem>>)
      } else {
      }
      %add3A_169 = arith.constant 1 : i32
      %add3A_170 = arith.addi %mul3A_149, %add3A_169 : i32
      %dma_wait3A_171 = arith.constant 1 : i32
      %dma_wait3A_172 = arith.constant 0 : i32
      %dma_wait3A_173 = arith.constant 0 : i32
      %dma_wait3A_174 = tpu.memref_slice %arg9[%dma_wait3A_171, %dma_wait3A_172, %dma_wait3A_173] : memref<5x40x128xf32, #tpu.memory_space<vmem>> -> memref<1x40x128xf32, #tpu.memory_space<vmem>>
      %dma_wait3A_175 = tpu.memref_squeeze %dma_wait3A_174 : memref<1x40x128xf32, #tpu.memory_space<vmem>> -> memref<40x128xf32, #tpu.memory_space<vmem>>
      %dma_wait3A_176 = arith.constant 0 : i32
      %dma_wait3A_177 = tpu.memref_slice %arg7[%add3A_170, %dma_wait3A_176] : memref<250x40xi32, #tpu.memory_space<vmem>> -> memref<1x40xi32, #tpu.memory_space<vmem>>
      %dma_wait3A_178 = tpu.memref_squeeze %dma_wait3A_177 : memref<1x40xi32, #tpu.memory_space<vmem>> -> memref<40xi32, #tpu.memory_space<vmem>>
      %dma_wait3A_179 = arith.constant 0 : i32
      %dma_wait3A_180 = arith.constant 0 : i32
      %dma_wait3A_181 = tpu.memref_slice %arg2[%dma_wait3A_179, %dma_wait3A_180] : memref<10000x128xf32, #tpu.memory_space<hbm>> -> memref<10000x128xf32, #tpu.memory_space<hbm>>
      tpu.wait_indirect_dma semaphore(%arg12 : memref<!tpu.dma_semaphore, #tpu.memory_space<semaphore_mem>>) src(%dma_wait3A_181 : memref<10000x128xf32, #tpu.memory_space<hbm>>) dst(%dma_wait3A_175 : memref<40x128xf32, #tpu.memory_space<vmem>>)
      %run_scoped3A_182 = arith.constant 1 : i32
      "tpu.region"() ({
        %run_scoped3A_249 = tpu.sem_alloc : memref<!tpu.dma_semaphore, #tpu.memory_space<semaphore_mem>>
        %dma_start3A_250 = arith.constant 0 : i32
        %dma_start3A_251 = arith.constant 0 : i32
        %dma_start3A_252 = tpu.memref_slice %arg9[%run_scoped3A_182, %dma_start3A_250, %dma_start3A_251] : memref<5x40x128xf32, #tpu.memory_space<vmem>> -> memref<1x40x128xf32, #tpu.memory_space<vmem>>
        %dma_start3A_253 = tpu.memref_squeeze %dma_start3A_252 : memref<1x40x128xf32, #tpu.memory_space<vmem>> -> memref<40x128xf32, #tpu.memory_space<vmem>>
        %dma_start3A_254 = arith.constant 0 : i32
        %dma_start3A_255 = tpu.memref_slice %arg8[%add3A_170, %dma_start3A_254] : memref<250x40xi32, #tpu.memory_space<vmem>> -> memref<1x40xi32, #tpu.memory_space<vmem>>
        %dma_start3A_256 = tpu.memref_squeeze %dma_start3A_255 : memref<1x40xi32, #tpu.memory_space<vmem>> -> memref<40xi32, #tpu.memory_space<vmem>>
        %dma_start3A_257 = arith.constant 0 : i32
        %dma_start3A_258 = arith.constant 0 : i32
        %dma_start3A_259 = tpu.memref_slice %arg6[%dma_start3A_257, %dma_start3A_258] : memref<10000x128xf32, #tpu.memory_space<vmem_shared>> -> memref<10000x128xf32, #tpu.memory_space<vmem_shared>>
        tpu.enqueue_indirect_dma source(%dma_start3A_253 : memref<40x128xf32, #tpu.memory_space<vmem>>) target(%dma_start3A_259 : memref<10000x128xf32, #tpu.memory_space<vmem_shared>>) offsets(%dma_start3A_256 : memref<40xi32, #tpu.memory_space<vmem>>) semaphore(%run_scoped3A_249 : memref<!tpu.dma_semaphore, #tpu.memory_space<semaphore_mem>>) {add = true}
        %dma_wait3A_260 = arith.constant 0 : i32
        %dma_wait3A_261 = arith.constant 0 : i32
        %dma_wait3A_262 = tpu.memref_slice %arg9[%run_scoped3A_182, %dma_wait3A_260, %dma_wait3A_261] : memref<5x40x128xf32, #tpu.memory_space<vmem>> -> memref<1x40x128xf32, #tpu.memory_space<vmem>>
        %dma_wait3A_263 = tpu.memref_squeeze %dma_wait3A_262 : memref<1x40x128xf32, #tpu.memory_space<vmem>> -> memref<40x128xf32, #tpu.memory_space<vmem>>
        %dma_wait3A_264 = arith.constant 0 : i32
        %dma_wait3A_265 = tpu.memref_slice %arg8[%add3A_170, %dma_wait3A_264] : memref<250x40xi32, #tpu.memory_space<vmem>> -> memref<1x40xi32, #tpu.memory_space<vmem>>
        %dma_wait3A_266 = tpu.memref_squeeze %dma_wait3A_265 : memref<1x40xi32, #tpu.memory_space<vmem>> -> memref<40xi32, #tpu.memory_space<vmem>>
        %dma_wait3A_267 = arith.constant 0 : i32
        %dma_wait3A_268 = arith.constant 0 : i32
        %dma_wait3A_269 = tpu.memref_slice %arg6[%dma_wait3A_267, %dma_wait3A_268] : memref<10000x128xf32, #tpu.memory_space<vmem_shared>> -> memref<10000x128xf32, #tpu.memory_space<vmem_shared>>
        tpu.wait_indirect_dma semaphore(%run_scoped3A_249 : memref<!tpu.dma_semaphore, #tpu.memory_space<semaphore_mem>>) src(%dma_wait3A_263 : memref<40x128xf32, #tpu.memory_space<vmem>>) dst(%dma_wait3A_269 : memref<10000x128xf32, #tpu.memory_space<vmem_shared>>)
        tpu.yield
      }) : () -> ()
      %add3A_183 = arith.constant 5 : i32
      %add3A_184 = arith.addi %add3A_170, %add3A_183 : i32
      %lt3A_185 = arith.cmpi slt, %add3A_184, %while3A_128 : i32
      %convert_element_type3A_186 = arith.extui %lt3A_185 : i1 to i32
      %cond3A_187 = arith.constant 0 : i32
      %cond3A_188 = arith.cmpi ne, %convert_element_type3A_186, %cond3A_187 : i32
      scf.if %cond3A_188 {
        %dma_start3A_249 = arith.constant 1 : i32
        %dma_start3A_250 = arith.constant 0 : i32
        %dma_start3A_251 = arith.constant 0 : i32
        %dma_start3A_252 = tpu.memref_slice %arg9[%dma_start3A_249, %dma_start3A_250, %dma_start3A_251] : memref<5x40x128xf32, #tpu.memory_space<vmem>> -> memref<1x40x128xf32, #tpu.memory_space<vmem>>
        %dma_start3A_253 = tpu.memref_squeeze %dma_start3A_252 : memref<1x40x128xf32, #tpu.memory_space<vmem>> -> memref<40x128xf32, #tpu.memory_space<vmem>>
        %dma_start3A_254 = arith.constant 0 : i32
        %dma_start3A_255 = tpu.memref_slice %arg7[%add3A_184, %dma_start3A_254] : memref<250x40xi32, #tpu.memory_space<vmem>> -> memref<1x40xi32, #tpu.memory_space<vmem>>
        %dma_start3A_256 = tpu.memref_squeeze %dma_start3A_255 : memref<1x40xi32, #tpu.memory_space<vmem>> -> memref<40xi32, #tpu.memory_space<vmem>>
        %dma_start3A_257 = arith.constant 0 : i32
        %dma_start3A_258 = arith.constant 0 : i32
        %dma_start3A_259 = tpu.memref_slice %arg2[%dma_start3A_257, %dma_start3A_258] : memref<10000x128xf32, #tpu.memory_space<hbm>> -> memref<10000x128xf32, #tpu.memory_space<hbm>>
        tpu.enqueue_indirect_dma source(%dma_start3A_259 : memref<10000x128xf32, #tpu.memory_space<hbm>>) target(%dma_start3A_253 : memref<40x128xf32, #tpu.memory_space<vmem>>) offsets(%dma_start3A_256 : memref<40xi32, #tpu.memory_space<vmem>>) semaphore(%arg12 : memref<!tpu.dma_semaphore, #tpu.memory_space<semaphore_mem>>)
      } else {
      }
      %add3A_189 = arith.constant 2 : i32
      %add3A_190 = arith.addi %mul3A_149, %add3A_189 : i32
      %dma_wait3A_191 = arith.constant 2 : i32
      %dma_wait3A_192 = arith.constant 0 : i32
      %dma_wait3A_193 = arith.constant 0 : i32
      %dma_wait3A_194 = tpu.memref_slice %arg9[%dma_wait3A_191, %dma_wait3A_192, %dma_wait3A_193] : memref<5x40x128xf32, #tpu.memory_space<vmem>> -> memref<1x40x128xf32, #tpu.memory_space<vmem>>
      %dma_wait3A_195 = tpu.memref_squeeze %dma_wait3A_194 : memref<1x40x128xf32, #tpu.memory_space<vmem>> -> memref<40x128xf32, #tpu.memory_space<vmem>>
      %dma_wait3A_196 = arith.constant 0 : i32
      %dma_wait3A_197 = tpu.memref_slice %arg7[%add3A_190, %dma_wait3A_196] : memref<250x40xi32, #tpu.memory_space<vmem>> -> memref<1x40xi32, #tpu.memory_space<vmem>>
      %dma_wait3A_198 = tpu.memref_squeeze %dma_wait3A_197 : memref<1x40xi32, #tpu.memory_space<vmem>> -> memref<40xi32, #tpu.memory_space<vmem>>
      %dma_wait3A_199 = arith.constant 0 : i32
      %dma_wait3A_200 = arith.constant 0 : i32
      %dma_wait3A_201 = tpu.memref_slice %arg2[%dma_wait3A_199, %dma_wait3A_200] : memref<10000x128xf32, #tpu.memory_space<hbm>> -> memref<10000x128xf32, #tpu.memory_space<hbm>>
      tpu.wait_indirect_dma semaphore(%arg13 : memref<!tpu.dma_semaphore, #tpu.memory_space<semaphore_mem>>) src(%dma_wait3A_201 : memref<10000x128xf32, #tpu.memory_space<hbm>>) dst(%dma_wait3A_195 : memref<40x128xf32, #tpu.memory_space<vmem>>)
      %run_scoped3A_202 = arith.constant 2 : i32
      "tpu.region"() ({
        %run_scoped3A_249 = tpu.sem_alloc : memref<!tpu.dma_semaphore, #tpu.memory_space<semaphore_mem>>
        %dma_start3A_250 = arith.constant 0 : i32
        %dma_start3A_251 = arith.constant 0 : i32
        %dma_start3A_252 = tpu.memref_slice %arg9[%run_scoped3A_202, %dma_start3A_250, %dma_start3A_251] : memref<5x40x128xf32, #tpu.memory_space<vmem>> -> memref<1x40x128xf32, #tpu.memory_space<vmem>>
        %dma_start3A_253 = tpu.memref_squeeze %dma_start3A_252 : memref<1x40x128xf32, #tpu.memory_space<vmem>> -> memref<40x128xf32, #tpu.memory_space<vmem>>
        %dma_start3A_254 = arith.constant 0 : i32
        %dma_start3A_255 = tpu.memref_slice %arg8[%add3A_190, %dma_start3A_254] : memref<250x40xi32, #tpu.memory_space<vmem>> -> memref<1x40xi32, #tpu.memory_space<vmem>>
        %dma_start3A_256 = tpu.memref_squeeze %dma_start3A_255 : memref<1x40xi32, #tpu.memory_space<vmem>> -> memref<40xi32, #tpu.memory_space<vmem>>
        %dma_start3A_257 = arith.constant 0 : i32
        %dma_start3A_258 = arith.constant 0 : i32
        %dma_start3A_259 = tpu.memref_slice %arg6[%dma_start3A_257, %dma_start3A_258] : memref<10000x128xf32, #tpu.memory_space<vmem_shared>> -> memref<10000x128xf32, #tpu.memory_space<vmem_shared>>
        tpu.enqueue_indirect_dma source(%dma_start3A_253 : memref<40x128xf32, #tpu.memory_space<vmem>>) target(%dma_start3A_259 : memref<10000x128xf32, #tpu.memory_space<vmem_shared>>) offsets(%dma_start3A_256 : memref<40xi32, #tpu.memory_space<vmem>>) semaphore(%run_scoped3A_249 : memref<!tpu.dma_semaphore, #tpu.memory_space<semaphore_mem>>) {add = true}
        %dma_wait3A_260 = arith.constant 0 : i32
        %dma_wait3A_261 = arith.constant 0 : i32
        %dma_wait3A_262 = tpu.memref_slice %arg9[%run_scoped3A_202, %dma_wait3A_260, %dma_wait3A_261] : memref<5x40x128xf32, #tpu.memory_space<vmem>> -> memref<1x40x128xf32, #tpu.memory_space<vmem>>
        %dma_wait3A_263 = tpu.memref_squeeze %dma_wait3A_262 : memref<1x40x128xf32, #tpu.memory_space<vmem>> -> memref<40x128xf32, #tpu.memory_space<vmem>>
        %dma_wait3A_264 = arith.constant 0 : i32
        %dma_wait3A_265 = tpu.memref_slice %arg8[%add3A_190, %dma_wait3A_264] : memref<250x40xi32, #tpu.memory_space<vmem>> -> memref<1x40xi32, #tpu.memory_space<vmem>>
        %dma_wait3A_266 = tpu.memref_squeeze %dma_wait3A_265 : memref<1x40xi32, #tpu.memory_space<vmem>> -> memref<40xi32, #tpu.memory_space<vmem>>
        %dma_wait3A_267 = arith.constant 0 : i32
        %dma_wait3A_268 = arith.constant 0 : i32
        %dma_wait3A_269 = tpu.memref_slice %arg6[%dma_wait3A_267, %dma_wait3A_268] : memref<10000x128xf32, #tpu.memory_space<vmem_shared>> -> memref<10000x128xf32, #tpu.memory_space<vmem_shared>>
        tpu.wait_indirect_dma semaphore(%run_scoped3A_249 : memref<!tpu.dma_semaphore, #tpu.memory_space<semaphore_mem>>) src(%dma_wait3A_263 : memref<40x128xf32, #tpu.memory_space<vmem>>) dst(%dma_wait3A_269 : memref<10000x128xf32, #tpu.memory_space<vmem_shared>>)
        tpu.yield
      }) : () -> ()
      %add3A_203 = arith.constant 5 : i32
      %add3A_204 = arith.addi %add3A_190, %add3A_203 : i32
      %lt3A_205 = arith.cmpi slt, %add3A_204, %while3A_128 : i32
      %convert_element_type3A_206 = arith.extui %lt3A_205 : i1 to i32
      %cond3A_207 = arith.constant 0 : i32
      %cond3A_208 = arith.cmpi ne, %convert_element_type3A_206, %cond3A_207 : i32
      scf.if %cond3A_208 {
        %dma_start3A_249 = arith.constant 2 : i32
        %dma_start3A_250 = arith.constant 0 : i32
        %dma_start3A_251 = arith.constant 0 : i32
        %dma_start3A_252 = tpu.memref_slice %arg9[%dma_start3A_249, %dma_start3A_250, %dma_start3A_251] : memref<5x40x128xf32, #tpu.memory_space<vmem>> -> memref<1x40x128xf32, #tpu.memory_space<vmem>>
        %dma_start3A_253 = tpu.memref_squeeze %dma_start3A_252 : memref<1x40x128xf32, #tpu.memory_space<vmem>> -> memref<40x128xf32, #tpu.memory_space<vmem>>
        %dma_start3A_254 = arith.constant 0 : i32
        %dma_start3A_255 = tpu.memref_slice %arg7[%add3A_204, %dma_start3A_254] : memref<250x40xi32, #tpu.memory_space<vmem>> -> memref<1x40xi32, #tpu.memory_space<vmem>>
        %dma_start3A_256 = tpu.memref_squeeze %dma_start3A_255 : memref<1x40xi32, #tpu.memory_space<vmem>> -> memref<40xi32, #tpu.memory_space<vmem>>
        %dma_start3A_257 = arith.constant 0 : i32
        %dma_start3A_258 = arith.constant 0 : i32
        %dma_start3A_259 = tpu.memref_slice %arg2[%dma_start3A_257, %dma_start3A_258] : memref<10000x128xf32, #tpu.memory_space<hbm>> -> memref<10000x128xf32, #tpu.memory_space<hbm>>
        tpu.enqueue_indirect_dma source(%dma_start3A_259 : memref<10000x128xf32, #tpu.memory_space<hbm>>) target(%dma_start3A_253 : memref<40x128xf32, #tpu.memory_space<vmem>>) offsets(%dma_start3A_256 : memref<40xi32, #tpu.memory_space<vmem>>) semaphore(%arg13 : memref<!tpu.dma_semaphore, #tpu.memory_space<semaphore_mem>>)
      } else {
      }
      %add3A_209 = arith.constant 3 : i32
      %add3A_210 = arith.addi %mul3A_149, %add3A_209 : i32
      %dma_wait3A_211 = arith.constant 3 : i32
      %dma_wait3A_212 = arith.constant 0 : i32
      %dma_wait3A_213 = arith.constant 0 : i32
      %dma_wait3A_214 = tpu.memref_slice %arg9[%dma_wait3A_211, %dma_wait3A_212, %dma_wait3A_213] : memref<5x40x128xf32, #tpu.memory_space<vmem>> -> memref<1x40x128xf32, #tpu.memory_space<vmem>>
      %dma_wait3A_215 = tpu.memref_squeeze %dma_wait3A_214 : memref<1x40x128xf32, #tpu.memory_space<vmem>> -> memref<40x128xf32, #tpu.memory_space<vmem>>
      %dma_wait3A_216 = arith.constant 0 : i32
      %dma_wait3A_217 = tpu.memref_slice %arg7[%add3A_210, %dma_wait3A_216] : memref<250x40xi32, #tpu.memory_space<vmem>> -> memref<1x40xi32, #tpu.memory_space<vmem>>
      %dma_wait3A_218 = tpu.memref_squeeze %dma_wait3A_217 : memref<1x40xi32, #tpu.memory_space<vmem>> -> memref<40xi32, #tpu.memory_space<vmem>>
      %dma_wait3A_219 = arith.constant 0 : i32
      %dma_wait3A_220 = arith.constant 0 : i32
      %dma_wait3A_221 = tpu.memref_slice %arg2[%dma_wait3A_219, %dma_wait3A_220] : memref<10000x128xf32, #tpu.memory_space<hbm>> -> memref<10000x128xf32, #tpu.memory_space<hbm>>
      tpu.wait_indirect_dma semaphore(%arg14 : memref<!tpu.dma_semaphore, #tpu.memory_space<semaphore_mem>>) src(%dma_wait3A_221 : memref<10000x128xf32, #tpu.memory_space<hbm>>) dst(%dma_wait3A_215 : memref<40x128xf32, #tpu.memory_space<vmem>>)
      %run_scoped3A_222 = arith.constant 3 : i32
      "tpu.region"() ({
        %run_scoped3A_249 = tpu.sem_alloc : memref<!tpu.dma_semaphore, #tpu.memory_space<semaphore_mem>>
        %dma_start3A_250 = arith.constant 0 : i32
        %dma_start3A_251 = arith.constant 0 : i32
        %dma_start3A_252 = tpu.memref_slice %arg9[%run_scoped3A_222, %dma_start3A_250, %dma_start3A_251] : memref<5x40x128xf32, #tpu.memory_space<vmem>> -> memref<1x40x128xf32, #tpu.memory_space<vmem>>
        %dma_start3A_253 = tpu.memref_squeeze %dma_start3A_252 : memref<1x40x128xf32, #tpu.memory_space<vmem>> -> memref<40x128xf32, #tpu.memory_space<vmem>>
        %dma_start3A_254 = arith.constant 0 : i32
        %dma_start3A_255 = tpu.memref_slice %arg8[%add3A_210, %dma_start3A_254] : memref<250x40xi32, #tpu.memory_space<vmem>> -> memref<1x40xi32, #tpu.memory_space<vmem>>
        %dma_start3A_256 = tpu.memref_squeeze %dma_start3A_255 : memref<1x40xi32, #tpu.memory_space<vmem>> -> memref<40xi32, #tpu.memory_space<vmem>>
        %dma_start3A_257 = arith.constant 0 : i32
        %dma_start3A_258 = arith.constant 0 : i32
        %dma_start3A_259 = tpu.memref_slice %arg6[%dma_start3A_257, %dma_start3A_258] : memref<10000x128xf32, #tpu.memory_space<vmem_shared>> -> memref<10000x128xf32, #tpu.memory_space<vmem_shared>>
        tpu.enqueue_indirect_dma source(%dma_start3A_253 : memref<40x128xf32, #tpu.memory_space<vmem>>) target(%dma_start3A_259 : memref<10000x128xf32, #tpu.memory_space<vmem_shared>>) offsets(%dma_start3A_256 : memref<40xi32, #tpu.memory_space<vmem>>) semaphore(%run_scoped3A_249 : memref<!tpu.dma_semaphore, #tpu.memory_space<semaphore_mem>>) {add = true}
        %dma_wait3A_260 = arith.constant 0 : i32
        %dma_wait3A_261 = arith.constant 0 : i32
        %dma_wait3A_262 = tpu.memref_slice %arg9[%run_scoped3A_222, %dma_wait3A_260, %dma_wait3A_261] : memref<5x40x128xf32, #tpu.memory_space<vmem>> -> memref<1x40x128xf32, #tpu.memory_space<vmem>>
        %dma_wait3A_263 = tpu.memref_squeeze %dma_wait3A_262 : memref<1x40x128xf32, #tpu.memory_space<vmem>> -> memref<40x128xf32, #tpu.memory_space<vmem>>
        %dma_wait3A_264 = arith.constant 0 : i32
        %dma_wait3A_265 = tpu.memref_slice %arg8[%add3A_210, %dma_wait3A_264] : memref<250x40xi32, #tpu.memory_space<vmem>> -> memref<1x40xi32, #tpu.memory_space<vmem>>
        %dma_wait3A_266 = tpu.memref_squeeze %dma_wait3A_265 : memref<1x40xi32, #tpu.memory_space<vmem>> -> memref<40xi32, #tpu.memory_space<vmem>>
        %dma_wait3A_267 = arith.constant 0 : i32
        %dma_wait3A_268 = arith.constant 0 : i32
        %dma_wait3A_269 = tpu.memref_slice %arg6[%dma_wait3A_267, %dma_wait3A_268] : memref<10000x128xf32, #tpu.memory_space<vmem_shared>> -> memref<10000x128xf32, #tpu.memory_space<vmem_shared>>
        tpu.wait_indirect_dma semaphore(%run_scoped3A_249 : memref<!tpu.dma_semaphore, #tpu.memory_space<semaphore_mem>>) src(%dma_wait3A_263 : memref<40x128xf32, #tpu.memory_space<vmem>>) dst(%dma_wait3A_269 : memref<10000x128xf32, #tpu.memory_space<vmem_shared>>)
        tpu.yield
      }) : () -> ()
      %add3A_223 = arith.constant 5 : i32
      %add3A_224 = arith.addi %add3A_210, %add3A_223 : i32
      %lt3A_225 = arith.cmpi slt, %add3A_224, %while3A_128 : i32
      %convert_element_type3A_226 = arith.extui %lt3A_225 : i1 to i32
      %cond3A_227 = arith.constant 0 : i32
      %cond3A_228 = arith.cmpi ne, %convert_element_type3A_226, %cond3A_227 : i32
      scf.if %cond3A_228 {
        %dma_start3A_249 = arith.constant 3 : i32
        %dma_start3A_250 = arith.constant 0 : i32
        %dma_start3A_251 = arith.constant 0 : i32
        %dma_start3A_252 = tpu.memref_slice %arg9[%dma_start3A_249, %dma_start3A_250, %dma_start3A_251] : memref<5x40x128xf32, #tpu.memory_space<vmem>> -> memref<1x40x128xf32, #tpu.memory_space<vmem>>
        %dma_start3A_253 = tpu.memref_squeeze %dma_start3A_252 : memref<1x40x128xf32, #tpu.memory_space<vmem>> -> memref<40x128xf32, #tpu.memory_space<vmem>>
        %dma_start3A_254 = arith.constant 0 : i32
        %dma_start3A_255 = tpu.memref_slice %arg7[%add3A_224, %dma_start3A_254] : memref<250x40xi32, #tpu.memory_space<vmem>> -> memref<1x40xi32, #tpu.memory_space<vmem>>
        %dma_start3A_256 = tpu.memref_squeeze %dma_start3A_255 : memref<1x40xi32, #tpu.memory_space<vmem>> -> memref<40xi32, #tpu.memory_space<vmem>>
        %dma_start3A_257 = arith.constant 0 : i32
        %dma_start3A_258 = arith.constant 0 : i32
        %dma_start3A_259 = tpu.memref_slice %arg2[%dma_start3A_257, %dma_start3A_258] : memref<10000x128xf32, #tpu.memory_space<hbm>> -> memref<10000x128xf32, #tpu.memory_space<hbm>>
        tpu.enqueue_indirect_dma source(%dma_start3A_259 : memref<10000x128xf32, #tpu.memory_space<hbm>>) target(%dma_start3A_253 : memref<40x128xf32, #tpu.memory_space<vmem>>) offsets(%dma_start3A_256 : memref<40xi32, #tpu.memory_space<vmem>>) semaphore(%arg14 : memref<!tpu.dma_semaphore, #tpu.memory_space<semaphore_mem>>)
      } else {
      }
      %add3A_229 = arith.constant 4 : i32
      %add3A_230 = arith.addi %mul3A_149, %add3A_229 : i32
      %dma_wait3A_231 = arith.constant 4 : i32
      %dma_wait3A_232 = arith.constant 0 : i32
      %dma_wait3A_233 = arith.constant 0 : i32
      %dma_wait3A_234 = tpu.memref_slice %arg9[%dma_wait3A_231, %dma_wait3A_232, %dma_wait3A_233] : memref<5x40x128xf32, #tpu.memory_space<vmem>> -> memref<1x40x128xf32, #tpu.memory_space<vmem>>
      %dma_wait3A_235 = tpu.memref_squeeze %dma_wait3A_234 : memref<1x40x128xf32, #tpu.memory_space<vmem>> -> memref<40x128xf32, #tpu.memory_space<vmem>>
      %dma_wait3A_236 = arith.constant 0 : i32
      %dma_wait3A_237 = tpu.memref_slice %arg7[%add3A_230, %dma_wait3A_236] : memref<250x40xi32, #tpu.memory_space<vmem>> -> memref<1x40xi32, #tpu.memory_space<vmem>>
      %dma_wait3A_238 = tpu.memref_squeeze %dma_wait3A_237 : memref<1x40xi32, #tpu.memory_space<vmem>> -> memref<40xi32, #tpu.memory_space<vmem>>
      %dma_wait3A_239 = arith.constant 0 : i32
      %dma_wait3A_240 = arith.constant 0 : i32
      %dma_wait3A_241 = tpu.memref_slice %arg2[%dma_wait3A_239, %dma_wait3A_240] : memref<10000x128xf32, #tpu.memory_space<hbm>> -> memref<10000x128xf32, #tpu.memory_space<hbm>>
      tpu.wait_indirect_dma semaphore(%arg15 : memref<!tpu.dma_semaphore, #tpu.memory_space<semaphore_mem>>) src(%dma_wait3A_241 : memref<10000x128xf32, #tpu.memory_space<hbm>>) dst(%dma_wait3A_235 : memref<40x128xf32, #tpu.memory_space<vmem>>)
      %run_scoped3A_242 = arith.constant 4 : i32
      "tpu.region"() ({
        %run_scoped3A_249 = tpu.sem_alloc : memref<!tpu.dma_semaphore, #tpu.memory_space<semaphore_mem>>
        %dma_start3A_250 = arith.constant 0 : i32
        %dma_start3A_251 = arith.constant 0 : i32
        %dma_start3A_252 = tpu.memref_slice %arg9[%run_scoped3A_242, %dma_start3A_250, %dma_start3A_251] : memref<5x40x128xf32, #tpu.memory_space<vmem>> -> memref<1x40x128xf32, #tpu.memory_space<vmem>>
        %dma_start3A_253 = tpu.memref_squeeze %dma_start3A_252 : memref<1x40x128xf32, #tpu.memory_space<vmem>> -> memref<40x128xf32, #tpu.memory_space<vmem>>
        %dma_start3A_254 = arith.constant 0 : i32
        %dma_start3A_255 = tpu.memref_slice %arg8[%add3A_230, %dma_start3A_254] : memref<250x40xi32, #tpu.memory_space<vmem>> -> memref<1x40xi32, #tpu.memory_space<vmem>>
        %dma_start3A_256 = tpu.memref_squeeze %dma_start3A_255 : memref<1x40xi32, #tpu.memory_space<vmem>> -> memref<40xi32, #tpu.memory_space<vmem>>
        %dma_start3A_257 = arith.constant 0 : i32
        %dma_start3A_258 = arith.constant 0 : i32
        %dma_start3A_259 = tpu.memref_slice %arg6[%dma_start3A_257, %dma_start3A_258] : memref<10000x128xf32, #tpu.memory_space<vmem_shared>> -> memref<10000x128xf32, #tpu.memory_space<vmem_shared>>
        tpu.enqueue_indirect_dma source(%dma_start3A_253 : memref<40x128xf32, #tpu.memory_space<vmem>>) target(%dma_start3A_259 : memref<10000x128xf32, #tpu.memory_space<vmem_shared>>) offsets(%dma_start3A_256 : memref<40xi32, #tpu.memory_space<vmem>>) semaphore(%run_scoped3A_249 : memref<!tpu.dma_semaphore, #tpu.memory_space<semaphore_mem>>) {add = true}
        %dma_wait3A_260 = arith.constant 0 : i32
        %dma_wait3A_261 = arith.constant 0 : i32
        %dma_wait3A_262 = tpu.memref_slice %arg9[%run_scoped3A_242, %dma_wait3A_260, %dma_wait3A_261] : memref<5x40x128xf32, #tpu.memory_space<vmem>> -> memref<1x40x128xf32, #tpu.memory_space<vmem>>
        %dma_wait3A_263 = tpu.memref_squeeze %dma_wait3A_262 : memref<1x40x128xf32, #tpu.memory_space<vmem>> -> memref<40x128xf32, #tpu.memory_space<vmem>>
        %dma_wait3A_264 = arith.constant 0 : i32
        %dma_wait3A_265 = tpu.memref_slice %arg8[%add3A_230, %dma_wait3A_264] : memref<250x40xi32, #tpu.memory_space<vmem>> -> memref<1x40xi32, #tpu.memory_space<vmem>>
        %dma_wait3A_266 = tpu.memref_squeeze %dma_wait3A_265 : memref<1x40xi32, #tpu.memory_space<vmem>> -> memref<40xi32, #tpu.memory_space<vmem>>
        %dma_wait3A_267 = arith.constant 0 : i32
        %dma_wait3A_268 = arith.constant 0 : i32
        %dma_wait3A_269 = tpu.memref_slice %arg6[%dma_wait3A_267, %dma_wait3A_268] : memref<10000x128xf32, #tpu.memory_space<vmem_shared>> -> memref<10000x128xf32, #tpu.memory_space<vmem_shared>>
        tpu.wait_indirect_dma semaphore(%run_scoped3A_249 : memref<!tpu.dma_semaphore, #tpu.memory_space<semaphore_mem>>) src(%dma_wait3A_263 : memref<40x128xf32, #tpu.memory_space<vmem>>) dst(%dma_wait3A_269 : memref<10000x128xf32, #tpu.memory_space<vmem_shared>>)
        tpu.yield
      }) : () -> ()
      %add3A_243 = arith.constant 5 : i32
      %add3A_244 = arith.addi %add3A_230, %add3A_243 : i32
      %lt3A_245 = arith.cmpi slt, %add3A_244, %while3A_128 : i32
      %convert_element_type3A_246 = arith.extui %lt3A_245 : i1 to i32
      %cond3A_247 = arith.constant 0 : i32
      %cond3A_248 = arith.cmpi ne, %convert_element_type3A_246, %cond3A_247 : i32
      scf.if %cond3A_248 {
        %dma_start3A_249 = arith.constant 4 : i32
        %dma_start3A_250 = arith.constant 0 : i32
        %dma_start3A_251 = arith.constant 0 : i32
        %dma_start3A_252 = tpu.memref_slice %arg9[%dma_start3A_249, %dma_start3A_250, %dma_start3A_251] : memref<5x40x128xf32, #tpu.memory_space<vmem>> -> memref<1x40x128xf32, #tpu.memory_space<vmem>>
        %dma_start3A_253 = tpu.memref_squeeze %dma_start3A_252 : memref<1x40x128xf32, #tpu.memory_space<vmem>> -> memref<40x128xf32, #tpu.memory_space<vmem>>
        %dma_start3A_254 = arith.constant 0 : i32
        %dma_start3A_255 = tpu.memref_slice %arg7[%add3A_244, %dma_start3A_254] : memref<250x40xi32, #tpu.memory_space<vmem>> -> memref<1x40xi32, #tpu.memory_space<vmem>>
        %dma_start3A_256 = tpu.memref_squeeze %dma_start3A_255 : memref<1x40xi32, #tpu.memory_space<vmem>> -> memref<40xi32, #tpu.memory_space<vmem>>
        %dma_start3A_257 = arith.constant 0 : i32
        %dma_start3A_258 = arith.constant 0 : i32
        %dma_start3A_259 = tpu.memref_slice %arg2[%dma_start3A_257, %dma_start3A_258] : memref<10000x128xf32, #tpu.memory_space<hbm>> -> memref<10000x128xf32, #tpu.memory_space<hbm>>
        tpu.enqueue_indirect_dma source(%dma_start3A_259 : memref<10000x128xf32, #tpu.memory_space<hbm>>) target(%dma_start3A_253 : memref<40x128xf32, #tpu.memory_space<vmem>>) offsets(%dma_start3A_256 : memref<40xi32, #tpu.memory_space<vmem>>) semaphore(%arg15 : memref<!tpu.dma_semaphore, #tpu.memory_space<semaphore_mem>>)
      } else {
      }
    }
    %barrier3A_139 = arith.constant 0 : index
    tpu.barrier barrier_id(%barrier3A_139)
    %lt3A = arith.constant 15 : i32
    %lt3A_140 = arith.cmpi slt, %arg1, %lt3A : i32
    %convert_element_type3A = arith.extui %lt3A_140 : i1 to i32
    %cond3A = arith.constant 0 : i32
    %cond3A_141 = arith.cmpi ne, %convert_element_type3A, %cond3A : i32
    scf.if %cond3A_141 {
      "tpu.region"() ({
        %run_scoped3A = tpu.sem_alloc : memref<!tpu.dma_semaphore, #tpu.memory_space<semaphore_mem>>
        %dma_start3A_147 = arith.constant 0 : i32
        %dma_start3A_148 = tpu.memref_slice %arg5[%arg0, %multiple_of3A, %dma_start3A_147] : memref<2x10000x128xf32, #tpu.memory_space<hbm>> -> memref<1x624x128xf32, #tpu.memory_space<hbm>>
        %dma_start3A_149 = tpu.memref_squeeze %dma_start3A_148 : memref<1x624x128xf32, #tpu.memory_space<hbm>> -> memref<624x128xf32, #tpu.memory_space<hbm>>
        %dma_start3A_150 = arith.constant 0 : i32
        %dma_start3A_151 = tpu.memref_slice %arg6[%multiple_of3A, %dma_start3A_150] : memref<10000x128xf32, #tpu.memory_space<vmem_shared>> -> memref<624x128xf32, #tpu.memory_space<vmem_shared>>
        tpu.enqueue_dma source(%dma_start3A_151 : memref<624x128xf32, #tpu.memory_space<vmem_shared>>) target(%dma_start3A_149 : memref<624x128xf32, #tpu.memory_space<hbm>>) target_semaphore(%run_scoped3A : memref<!tpu.dma_semaphore, #tpu.memory_space<semaphore_mem>>)
        %dma_wait3A_152 = arith.constant 0 : i32
        %dma_wait3A_153 = tpu.memref_slice %arg5[%arg0, %multiple_of3A, %dma_wait3A_152] : memref<2x10000x128xf32, #tpu.memory_space<hbm>> -> memref<1x624x128xf32, #tpu.memory_space<hbm>>
        %dma_wait3A_154 = tpu.memref_squeeze %dma_wait3A_153 : memref<1x624x128xf32, #tpu.memory_space<hbm>> -> memref<624x128xf32, #tpu.memory_space<hbm>>
        %dma_wait3A_155 = arith.constant 0 : i32
        %dma_wait3A_156 = tpu.memref_slice %arg6[%multiple_of3A, %dma_wait3A_155] : memref<10000x128xf32, #tpu.memory_space<vmem_shared>> -> memref<624x128xf32, #tpu.memory_space<vmem_shared>>
        tpu.wait_dma2 semaphore(%run_scoped3A : memref<!tpu.dma_semaphore, #tpu.memory_space<semaphore_mem>>) src(%dma_wait3A_156 : memref<624x128xf32, #tpu.memory_space<vmem_shared>>) dst(%dma_wait3A_154 : memref<624x128xf32, #tpu.memory_space<hbm>>)
        tpu.yield
      }) : () -> ()
    } else {
    }
    %eq3A_142 = arith.constant 15 : i32
    %eq3A_143 = arith.cmpi eq, %arg1, %eq3A_142 : i32
    %convert_element_type3A_144 = arith.extui %eq3A_143 : i1 to i32
    %cond3A_145 = arith.constant 0 : i32
    %cond3A_146 = arith.cmpi ne, %convert_element_type3A_144, %cond3A_145 : i32
    scf.if %cond3A_146 {
      %multiple_of3A_147 = arith.constant 9360 : i32
      %multiple_of3A_148 = tpu.assume_multiple %multiple_of3A_147, 8 : i32
      "tpu.region"() ({
        %run_scoped3A = tpu.sem_alloc : memref<!tpu.dma_semaphore, #tpu.memory_space<semaphore_mem>>
        %dma_start3A_149 = arith.constant 0 : i32
        %dma_start3A_150 = tpu.memref_slice %arg5[%arg0, %multiple_of3A_148, %dma_start3A_149] : memref<2x10000x128xf32, #tpu.memory_space<hbm>> -> memref<1x640x128xf32, #tpu.memory_space<hbm>>
        %dma_start3A_151 = tpu.memref_squeeze %dma_start3A_150 : memref<1x640x128xf32, #tpu.memory_space<hbm>> -> memref<640x128xf32, #tpu.memory_space<hbm>>
        %dma_start3A_152 = arith.constant 0 : i32
        %dma_start3A_153 = tpu.memref_slice %arg6[%multiple_of3A_148, %dma_start3A_152] : memref<10000x128xf32, #tpu.memory_space<vmem_shared>> -> memref<640x128xf32, #tpu.memory_space<vmem_shared>>
        tpu.enqueue_dma source(%dma_start3A_153 : memref<640x128xf32, #tpu.memory_space<vmem_shared>>) target(%dma_start3A_151 : memref<640x128xf32, #tpu.memory_space<hbm>>) target_semaphore(%run_scoped3A : memref<!tpu.dma_semaphore, #tpu.memory_space<semaphore_mem>>)
        %dma_wait3A_154 = arith.constant 0 : i32
        %dma_wait3A_155 = tpu.memref_slice %arg5[%arg0, %multiple_of3A_148, %dma_wait3A_154] : memref<2x10000x128xf32, #tpu.memory_space<hbm>> -> memref<1x640x128xf32, #tpu.memory_space<hbm>>
        %dma_wait3A_156 = tpu.memref_squeeze %dma_wait3A_155 : memref<1x640x128xf32, #tpu.memory_space<hbm>> -> memref<640x128xf32, #tpu.memory_space<hbm>>
        %dma_wait3A_157 = arith.constant 0 : i32
        %dma_wait3A_158 = tpu.memref_slice %arg6[%multiple_of3A_148, %dma_wait3A_157] : memref<10000x128xf32, #tpu.memory_space<vmem_shared>> -> memref<640x128xf32, #tpu.memory_space<vmem_shared>>
        tpu.wait_dma2 semaphore(%run_scoped3A : memref<!tpu.dma_semaphore, #tpu.memory_space<semaphore_mem>>) src(%dma_wait3A_158 : memref<640x128xf32, #tpu.memory_space<vmem_shared>>) dst(%dma_wait3A_156 : memref<640x128xf32, #tpu.memory_space<hbm>>)
        tpu.yield
      }) : () -> ()
    } else {
    }
    return
  }
}

#map = affine_map<(d0, d1) -> (0, 0)>
module attributes {stable_mosaic.version = 14 : i64} {
  func.func @deg_k(%arg0: i32, %arg1: i32, %arg2: memref<32x10000xi32, #tpu.memory_space<hbm>>, %arg3: memref<32x10000xi32, #tpu.memory_space<hbm>>, %arg4: memref<32x20480xf32, #tpu.memory_space<hbm>>, %arg5: memref<10000xi32, #tpu.memory_space<vmem>>, %arg6: memref<10000xi32, #tpu.memory_space<vmem>>, %arg7: memref<20480xf32, #tpu.memory_space<vmem>>) attributes {dimension_semantics = [#tpu.dimension_semantics<core_parallel>, #tpu.dimension_semantics<subcore_parallel>], iteration_bounds = array<i64: 2, 16>, scalar_prefetch = 0 : i64, scratch_operands = 3 : i64, tpu.core_type = #tpu.core_type<sc_vector_subcore>, window_params = [{transform_indices = #map}, {transform_indices = #map}, {transform_indices = #map}]} {
    %mul3A = arith.constant 16 : i32
    %mul3A_0 = arith.muli %arg0, %mul3A : i32
    %add3A = arith.addi %mul3A_0, %arg1 : i32
    "tpu.region"() ({
      %run_scoped3A = tpu.sem_alloc : memref<!tpu.dma_semaphore, #tpu.memory_space<semaphore_mem>>
      %dma_start3A = arith.constant 0 : i32
      %dma_start3A_28 = tpu.memref_slice %arg2[%add3A, %dma_start3A] : memref<32x10000xi32, #tpu.memory_space<hbm>> -> memref<1x10000xi32, #tpu.memory_space<hbm>>
      %dma_start3A_29 = tpu.memref_squeeze %dma_start3A_28 : memref<1x10000xi32, #tpu.memory_space<hbm>> -> memref<10000xi32, #tpu.memory_space<hbm>>
      %dma_start3A_30 = arith.constant 0 : i32
      %dma_start3A_31 = tpu.memref_slice %arg2[%add3A, %dma_start3A_30] : memref<32x10000xi32, #tpu.memory_space<hbm>> -> memref<1x10000xi32, #tpu.memory_space<hbm>>
      %dma_start3A_32 = tpu.memref_squeeze %dma_start3A_31 : memref<1x10000xi32, #tpu.memory_space<hbm>> -> memref<10000xi32, #tpu.memory_space<hbm>>
      tpu.enqueue_dma source(%dma_start3A_32 : memref<10000xi32, #tpu.memory_space<hbm>>) target(%arg5 : memref<10000xi32, #tpu.memory_space<vmem>>) target_semaphore(%run_scoped3A : memref<!tpu.dma_semaphore, #tpu.memory_space<semaphore_mem>>)
      %dma_wait3A = arith.constant 0 : i32
      %dma_wait3A_33 = tpu.memref_slice %arg2[%add3A, %dma_wait3A] : memref<32x10000xi32, #tpu.memory_space<hbm>> -> memref<1x10000xi32, #tpu.memory_space<hbm>>
      %dma_wait3A_34 = tpu.memref_squeeze %dma_wait3A_33 : memref<1x10000xi32, #tpu.memory_space<hbm>> -> memref<10000xi32, #tpu.memory_space<hbm>>
      %dma_wait3A_35 = arith.constant 0 : i32
      %dma_wait3A_36 = tpu.memref_slice %arg2[%add3A, %dma_wait3A_35] : memref<32x10000xi32, #tpu.memory_space<hbm>> -> memref<1x10000xi32, #tpu.memory_space<hbm>>
      %dma_wait3A_37 = tpu.memref_squeeze %dma_wait3A_36 : memref<1x10000xi32, #tpu.memory_space<hbm>> -> memref<10000xi32, #tpu.memory_space<hbm>>
      tpu.wait_dma2 semaphore(%run_scoped3A : memref<!tpu.dma_semaphore, #tpu.memory_space<semaphore_mem>>) src(%dma_wait3A_37 : memref<10000xi32, #tpu.memory_space<hbm>>) dst(%arg5 : memref<10000xi32, #tpu.memory_space<vmem>>)
      tpu.yield
    }) : () -> ()
    "tpu.region"() ({
      %run_scoped3A = tpu.sem_alloc : memref<!tpu.dma_semaphore, #tpu.memory_space<semaphore_mem>>
      %dma_start3A = arith.constant 0 : i32
      %dma_start3A_28 = tpu.memref_slice %arg3[%add3A, %dma_start3A] : memref<32x10000xi32, #tpu.memory_space<hbm>> -> memref<1x10000xi32, #tpu.memory_space<hbm>>
      %dma_start3A_29 = tpu.memref_squeeze %dma_start3A_28 : memref<1x10000xi32, #tpu.memory_space<hbm>> -> memref<10000xi32, #tpu.memory_space<hbm>>
      %dma_start3A_30 = arith.constant 0 : i32
      %dma_start3A_31 = tpu.memref_slice %arg3[%add3A, %dma_start3A_30] : memref<32x10000xi32, #tpu.memory_space<hbm>> -> memref<1x10000xi32, #tpu.memory_space<hbm>>
      %dma_start3A_32 = tpu.memref_squeeze %dma_start3A_31 : memref<1x10000xi32, #tpu.memory_space<hbm>> -> memref<10000xi32, #tpu.memory_space<hbm>>
      tpu.enqueue_dma source(%dma_start3A_32 : memref<10000xi32, #tpu.memory_space<hbm>>) target(%arg6 : memref<10000xi32, #tpu.memory_space<vmem>>) target_semaphore(%run_scoped3A : memref<!tpu.dma_semaphore, #tpu.memory_space<semaphore_mem>>)
      %dma_wait3A = arith.constant 0 : i32
      %dma_wait3A_33 = tpu.memref_slice %arg3[%add3A, %dma_wait3A] : memref<32x10000xi32, #tpu.memory_space<hbm>> -> memref<1x10000xi32, #tpu.memory_space<hbm>>
      %dma_wait3A_34 = tpu.memref_squeeze %dma_wait3A_33 : memref<1x10000xi32, #tpu.memory_space<hbm>> -> memref<10000xi32, #tpu.memory_space<hbm>>
      %dma_wait3A_35 = arith.constant 0 : i32
      %dma_wait3A_36 = tpu.memref_slice %arg3[%add3A, %dma_wait3A_35] : memref<32x10000xi32, #tpu.memory_space<hbm>> -> memref<1x10000xi32, #tpu.memory_space<hbm>>
      %dma_wait3A_37 = tpu.memref_squeeze %dma_wait3A_36 : memref<1x10000xi32, #tpu.memory_space<hbm>> -> memref<10000xi32, #tpu.memory_space<hbm>>
      tpu.wait_dma2 semaphore(%run_scoped3A : memref<!tpu.dma_semaphore, #tpu.memory_space<semaphore_mem>>) src(%dma_wait3A_37 : memref<10000xi32, #tpu.memory_space<hbm>>) dst(%arg6 : memref<10000xi32, #tpu.memory_space<vmem>>)
      tpu.yield
    }) : () -> ()
    %broadcast_in_dim3A = arith.constant 0.000000e+00 : f32
    %broadcast_in_dim3A_1 = vector.broadcast %broadcast_in_dim3A : f32 to vector<16xf32>
    %while3A = arith.constant 0 : i32
    %while3A_2 = arith.constant 16 : i32
    %while3A_3 = arith.constant 0 : i32
    %while3A_4 = arith.constant 1280 : i32
    %while3A_5 = arith.subi %while3A_4, %while3A_3 : i32
    %while3A_6 = arith.addi %while3A_3, %while3A_5 : i32
    %while3A_7 = arith.constant 1 : i32
    %while3A_8 = arith.divsi %while3A_5, %while3A_7 : i32
    %while3A_9 = arith.muli %while3A_8, %while3A_7 : i32
    %while3A_10 = arith.addi %while3A_3, %while3A_9 : i32
    %while3A_11 = arith.constant 1 : i32
    scf.for %while3A_28 = %while3A_3 to %while3A_10 step %while3A_11  : i32 {
      %mul3A_29 = arith.muli %while3A_28, %while3A_2 : i32
      %swap3A = arith.index_cast %mul3A_29 : i32 to index
      %swap3A_30 = tpu.vector_load %arg7[%swap3A] {strides = array<i32>} : memref<20480xf32, #tpu.memory_space<vmem>>, vector<16xf32>,
      tpu.vector_store %arg7[%swap3A], %broadcast_in_dim3A_1 {strides = array<i32>} : memref<20480xf32, #tpu.memory_space<vmem>>, vector<16xf32>,
    }
    %while3A_12 = arith.constant 1 : i32
    scf.for %while3A_28 = %while3A_10 to %while3A_6 step %while3A_12  : i32 {
      %mul3A_29 = arith.muli %while3A_28, %while3A_2 : i32
      %swap3A = arith.index_cast %mul3A_29 : i32 to index
      %swap3A_30 = tpu.vector_load %arg7[%swap3A] {strides = array<i32>} : memref<20480xf32, #tpu.memory_space<vmem>>, vector<16xf32>,
      tpu.vector_store %arg7[%swap3A], %broadcast_in_dim3A_1 {strides = array<i32>} : memref<20480xf32, #tpu.memory_space<vmem>>, vector<16xf32>,
    }
    %broadcast_in_dim3A_13 = arith.constant 1.000000e+00 : f32
    %broadcast_in_dim3A_14 = vector.broadcast %broadcast_in_dim3A_13 : f32 to vector<16xf32>
    %while3A_15 = arith.constant 0 : i32
    %while3A_16 = arith.constant 16 : i32
    %while3A_17 = arith.constant 10240 : i32
    %while3A_18 = arith.constant 0 : i32
    %while3A_19 = arith.constant 625 : i32
    %while3A_20 = arith.subi %while3A_19, %while3A_18 : i32
    %while3A_21 = arith.addi %while3A_18, %while3A_20 : i32
    %while3A_22 = arith.constant 1 : i32
    %while3A_23 = arith.divsi %while3A_20, %while3A_22 : i32
    %while3A_24 = arith.muli %while3A_23, %while3A_22 : i32
    %while3A_25 = arith.addi %while3A_18, %while3A_24 : i32
    %while3A_26 = arith.constant 1 : i32
    scf.for %while3A_28 = %while3A_18 to %while3A_25 step %while3A_26  : i32 {
      %mul3A_29 = arith.muli %while3A_28, %while3A_16 : i32
      %get3A = arith.index_cast %mul3A_29 : i32 to index
      %get3A_30 = tpu.vector_load %arg5[%get3A] {strides = array<i32>} : memref<10000xi32, #tpu.memory_space<vmem>>, vector<16xi32>,
      %mul3A_31 = arith.muli %while3A_28, %while3A_16 : i32
      %get3A_32 = arith.index_cast %mul3A_31 : i32 to index
      %get3A_33 = tpu.vector_load %arg6[%get3A_32] {strides = array<i32>} : memref<10000xi32, #tpu.memory_space<vmem>>, vector<16xi32>,
      tpu.vector_store_idx %arg7[%get3A_30], %broadcast_in_dim3A_14 {add = true} : memref<20480xf32, #tpu.memory_space<vmem>>[vector<16xi32>], vector<16xf32>,
      %add3A_34 = vector.broadcast %while3A_17 : i32 to vector<16xi32>
      %add3A_35 = arith.addi %get3A_33, %add3A_34 : vector<16xi32>
      tpu.vector_store_idx %arg7[%add3A_35], %broadcast_in_dim3A_14 {add = true} : memref<20480xf32, #tpu.memory_space<vmem>>[vector<16xi32>], vector<16xf32>,
    }
    %while3A_27 = arith.constant 1 : i32
    scf.for %while3A_28 = %while3A_25 to %while3A_21 step %while3A_27  : i32 {
      %mul3A_29 = arith.muli %while3A_28, %while3A_16 : i32
      %get3A = arith.index_cast %mul3A_29 : i32 to index
      %get3A_30 = tpu.vector_load %arg5[%get3A] {strides = array<i32>} : memref<10000xi32, #tpu.memory_space<vmem>>, vector<16xi32>,
      %mul3A_31 = arith.muli %while3A_28, %while3A_16 : i32
      %get3A_32 = arith.index_cast %mul3A_31 : i32 to index
      %get3A_33 = tpu.vector_load %arg6[%get3A_32] {strides = array<i32>} : memref<10000xi32, #tpu.memory_space<vmem>>, vector<16xi32>,
      tpu.vector_store_idx %arg7[%get3A_30], %broadcast_in_dim3A_14 {add = true} : memref<20480xf32, #tpu.memory_space<vmem>>[vector<16xi32>], vector<16xf32>,
      %add3A_34 = vector.broadcast %while3A_17 : i32 to vector<16xi32>
      %add3A_35 = arith.addi %get3A_33, %add3A_34 : vector<16xi32>
      tpu.vector_store_idx %arg7[%add3A_35], %broadcast_in_dim3A_14 {add = true} : memref<20480xf32, #tpu.memory_space<vmem>>[vector<16xi32>], vector<16xf32>,
    }
    "tpu.region"() ({
      %run_scoped3A = tpu.sem_alloc : memref<!tpu.dma_semaphore, #tpu.memory_space<semaphore_mem>>
      %dma_start3A = arith.constant 0 : i32
      %dma_start3A_28 = tpu.memref_slice %arg4[%add3A, %dma_start3A] : memref<32x20480xf32, #tpu.memory_space<hbm>> -> memref<1x20480xf32, #tpu.memory_space<hbm>>
      %dma_start3A_29 = tpu.memref_squeeze %dma_start3A_28 : memref<1x20480xf32, #tpu.memory_space<hbm>> -> memref<20480xf32, #tpu.memory_space<hbm>>
      %dma_start3A_30 = arith.constant 0 : i32
      %dma_start3A_31 = tpu.memref_slice %arg4[%add3A, %dma_start3A_30] : memref<32x20480xf32, #tpu.memory_space<hbm>> -> memref<1x20480xf32, #tpu.memory_space<hbm>>
      %dma_start3A_32 = tpu.memref_squeeze %dma_start3A_31 : memref<1x20480xf32, #tpu.memory_space<hbm>> -> memref<20480xf32, #tpu.memory_space<hbm>>
      tpu.enqueue_dma source(%arg7 : memref<20480xf32, #tpu.memory_space<vmem>>) target(%dma_start3A_32 : memref<20480xf32, #tpu.memory_space<hbm>>) target_semaphore(%run_scoped3A : memref<!tpu.dma_semaphore, #tpu.memory_space<semaphore_mem>>)
      %dma_wait3A = arith.constant 0 : i32
      %dma_wait3A_33 = tpu.memref_slice %arg4[%add3A, %dma_wait3A] : memref<32x20480xf32, #tpu.memory_space<hbm>> -> memref<1x20480xf32, #tpu.memory_space<hbm>>
      %dma_wait3A_34 = tpu.memref_squeeze %dma_wait3A_33 : memref<1x20480xf32, #tpu.memory_space<hbm>> -> memref<20480xf32, #tpu.memory_space<hbm>>
      %dma_wait3A_35 = arith.constant 0 : i32
      %dma_wait3A_36 = tpu.memref_slice %arg4[%add3A, %dma_wait3A_35] : memref<32x20480xf32, #tpu.memory_space<hbm>> -> memref<1x20480xf32, #tpu.memory_space<hbm>>
      %dma_wait3A_37 = tpu.memref_squeeze %dma_wait3A_36 : memref<1x20480xf32, #tpu.memory_space<hbm>> -> memref<20480xf32, #tpu.memory_space<hbm>>
      tpu.wait_dma2 semaphore(%run_scoped3A : memref<!tpu.dma_semaphore, #tpu.memory_space<semaphore_mem>>) src(%arg7 : memref<20480xf32, #tpu.memory_space<vmem>>) dst(%dma_wait3A_37 : memref<20480xf32, #tpu.memory_space<hbm>>)
      tpu.yield
    }) : () -> ()
    return
  }
}

#map = affine_map<(d0, d1) -> (0, 0)>
#map1 = affine_map<(d0, d1) -> (0, 0, 0)>
module attributes {stable_mosaic.version = 14 : i64} {
  func.func @agg_k(%arg0: i32, %arg1: i32, %arg2: memref<10000x128xf32, #tpu.memory_space<hbm>>, %arg3: memref<32x250x40xi32, #tpu.memory_space<hbm>>, %arg4: memref<32x250x40xi32, #tpu.memory_space<hbm>>, %arg5: memref<2x10000x128xf32, #tpu.memory_space<hbm>>, %arg6: memref<10000x128xf32, #tpu.memory_space<vmem_shared>>, %arg7: memref<250x40xi32, #tpu.memory_space<vmem>>, %arg8: memref<250x40xi32, #tpu.memory_space<vmem>>, %arg9: memref<5x40x128xf32, #tpu.memory_space<vmem>>, %arg10: memref<16x128xf32, #tpu.memory_space<vmem>>, %arg11: memref<!tpu.dma_semaphore, #tpu.memory_space<semaphore_mem>>, %arg12: memref<!tpu.dma_semaphore, #tpu.memory_space<semaphore_mem>>, %arg13: memref<!tpu.dma_semaphore, #tpu.memory_space<semaphore_mem>>, %arg14: memref<!tpu.dma_semaphore, #tpu.memory_space<semaphore_mem>>, %arg15: memref<!tpu.dma_semaphore, #tpu.memory_space<semaphore_mem>>, %arg16: memref<!tpu.dma_semaphore, #tpu.memory_space<semaphore_mem>>, %arg17: memref<!tpu.dma_semaphore, #tpu.memory_space<semaphore_mem>>) attributes {dimension_semantics = [#tpu.dimension_semantics<core_parallel>, #tpu.dimension_semantics<subcore_parallel>], iteration_bounds = array<i64: 2, 16>, scalar_prefetch = 0 : i64, scratch_operands = 12 : i64, tpu.core_type = #tpu.core_type<sc_vector_subcore>, window_params = [{transform_indices = #map}, {transform_indices = #map1}, {transform_indices = #map1}, {transform_indices = #map1}]} {
    %mul3A = arith.constant 16 : i32
    %mul3A_0 = arith.muli %arg0, %mul3A : i32
    %add3A = arith.addi %mul3A_0, %arg1 : i32
    %dma_start3A = arith.constant 0 : i32
    %dma_start3A_1 = arith.constant 0 : i32
    %dma_start3A_2 = tpu.memref_slice %arg3[%add3A, %dma_start3A, %dma_start3A_1] : memref<32x250x40xi32, #tpu.memory_space<hbm>> -> memref<1x250x40xi32, #tpu.memory_space<hbm>>
    %dma_start3A_3 = tpu.memref_squeeze %dma_start3A_2 : memref<1x250x40xi32, #tpu.memory_space<hbm>> -> memref<250x40xi32, #tpu.memory_space<hbm>>
    %dma_start3A_4 = arith.constant 0 : i32
    %dma_start3A_5 = arith.constant 0 : i32
    %dma_start3A_6 = tpu.memref_slice %arg3[%add3A, %dma_start3A_4, %dma_start3A_5] : memref<32x250x40xi32, #tpu.memory_space<hbm>> -> memref<1x250x40xi32, #tpu.memory_space<hbm>>
    %dma_start3A_7 = tpu.memref_squeeze %dma_start3A_6 : memref<1x250x40xi32, #tpu.memory_space<hbm>> -> memref<250x40xi32, #tpu.memory_space<hbm>>
    tpu.enqueue_dma source(%dma_start3A_7 : memref<250x40xi32, #tpu.memory_space<hbm>>) target(%arg7 : memref<250x40xi32, #tpu.memory_space<vmem>>) target_semaphore(%arg16 : memref<!tpu.dma_semaphore, #tpu.memory_space<semaphore_mem>>)
    %dma_start3A_8 = arith.constant 0 : i32
    %dma_start3A_9 = arith.constant 0 : i32
    %dma_start3A_10 = tpu.memref_slice %arg4[%add3A, %dma_start3A_8, %dma_start3A_9] : memref<32x250x40xi32, #tpu.memory_space<hbm>> -> memref<1x250x40xi32, #tpu.memory_space<hbm>>
    %dma_start3A_11 = tpu.memref_squeeze %dma_start3A_10 : memref<1x250x40xi32, #tpu.memory_space<hbm>> -> memref<250x40xi32, #tpu.memory_space<hbm>>
    %dma_start3A_12 = arith.constant 0 : i32
    %dma_start3A_13 = arith.constant 0 : i32
    %dma_start3A_14 = tpu.memref_slice %arg4[%add3A, %dma_start3A_12, %dma_start3A_13] : memref<32x250x40xi32, #tpu.memory_space<hbm>> -> memref<1x250x40xi32, #tpu.memory_space<hbm>>
    %dma_start3A_15 = tpu.memref_squeeze %dma_start3A_14 : memref<1x250x40xi32, #tpu.memory_space<hbm>> -> memref<250x40xi32, #tpu.memory_space<hbm>>
    tpu.enqueue_dma source(%dma_start3A_15 : memref<250x40xi32, #tpu.memory_space<hbm>>) target(%arg8 : memref<250x40xi32, #tpu.memory_space<vmem>>) target_semaphore(%arg16 : memref<!tpu.dma_semaphore, #tpu.memory_space<semaphore_mem>>)
    %broadcast_in_dim3A = arith.constant 0.000000e+00 : f32
    %broadcast_in_dim3A_16 = vector.broadcast %broadcast_in_dim3A : f32 to vector<16xf32>
    %mul3A_17 = arith.constant 624 : i32
    %mul3A_18 = arith.muli %arg1, %mul3A_17 : i32
    %multiple_of3A = tpu.assume_multiple %mul3A_18, 8 : i32
    %while3A = arith.constant 0 : i32
    %while3A_19 = arith.constant 8 : i32
    %while3A_20 = arith.constant 0 : i32
    %while3A_21 = arith.constant 128 : i32
    %while3A_22 = arith.subi %while3A_21, %while3A_20 : i32
    %while3A_23 = arith.addi %while3A_20, %while3A_22 : i32
    %while3A_24 = arith.constant 1 : i32
    %while3A_25 = arith.divsi %while3A_22, %while3A_24 : i32
    %while3A_26 = arith.muli %while3A_25, %while3A_24 : i32
    %while3A_27 = arith.addi %while3A_20, %while3A_26 : i32
    %while3A_28 = arith.constant 1 : i32
    scf.for %while3A_147 = %while3A_20 to %while3A_27 step %while3A_28  : i32 {
      %div3A = arith.divsi %while3A_147, %while3A_19 : i32
      %sign3A = arith.constant 0 : i32
      %sign3A_148 = arith.cmpi sgt, %while3A_147, %sign3A : i32
      %sign3A_149 = arith.extui %sign3A_148 : i1 to i32
      %sign3A_150 = arith.constant 0 : i32
      %sign3A_151 = arith.cmpi slt, %while3A_147, %sign3A_150 : i32
      %sign3A_152 = arith.extui %sign3A_151 : i1 to i32
      %sign3A_153 = arith.subi %sign3A_149, %sign3A_152 : i32
      %sign3A_154 = arith.constant 0 : i32
      %sign3A_155 = arith.cmpi sgt, %while3A_19, %sign3A_154 : i32
      %sign3A_156 = arith.extui %sign3A_155 : i1 to i32
      %sign3A_157 = arith.constant 0 : i32
      %sign3A_158 = arith.cmpi slt, %while3A_19, %sign3A_157 : i32
      %sign3A_159 = arith.extui %sign3A_158 : i1 to i32
      %sign3A_160 = arith.subi %sign3A_156, %sign3A_159 : i32
      %ne3A = arith.cmpi ne, %sign3A_153, %sign3A_160 : i32
      %rem3A = arith.remsi %while3A_147, %while3A_19 : i32
      %ne3A_161 = arith.constant 0 : i32
      %ne3A_162 = arith.cmpi ne, %rem3A, %ne3A_161 : i32
      %and3A = arith.andi %ne3A, %ne3A_162 : i1
      %sub3A = arith.constant 1 : i32
      %sub3A_163 = arith.subi %div3A, %sub3A : i32
      %select_n3A_164 = arith.select %and3A, %sub3A_163, %div3A : i32
      %eq3A_165 = arith.constant 0 : i32
      %eq3A_166 = arith.cmpi eq, %while3A_19, %eq3A_165 : i32
      %jit3A_167 = arith.constant 1 : i32
      %select_n3A_168 = arith.select %eq3A_166, %jit3A_167, %while3A_19 : i32
      %rem3A_169 = arith.remsi %while3A_147, %select_n3A_168 : i32
      %ne3A_170 = arith.constant 0 : i32
      %ne3A_171 = arith.cmpi ne, %rem3A_169, %ne3A_170 : i32
      %lt3A_172 = arith.constant 0 : i32
      %lt3A_173 = arith.cmpi slt, %rem3A_169, %lt3A_172 : i32
      %lt3A_174 = arith.constant 0 : i32
      %lt3A_175 = arith.cmpi slt, %select_n3A_168, %lt3A_174 : i32
      %ne3A_176 = arith.xori %lt3A_173, %lt3A_175 : i1
      %and3A_177 = arith.andi %ne3A_176, %ne3A_171 : i1
      %add3A_178 = arith.addi %rem3A_169, %select_n3A_168 : i32
      %select_n3A_179 = arith.select %and3A_177, %add3A_178, %rem3A_169 : i32
      %mul3A_180 = arith.constant 16 : i32
      %mul3A_181 = arith.muli %select_n3A_179, %mul3A_180 : i32
      %swap3A = arith.index_cast %select_n3A_164 : i32 to index
      %swap3A_182 = arith.index_cast %mul3A_181 : i32 to index
      %swap3A_183 = tpu.vector_load %arg10[%swap3A, %swap3A_182] {strides = array<i32>} : memref<16x128xf32, #tpu.memory_space<vmem>>, vector<1x16xf32>,
      %swap3A_184 = vector.shape_cast %swap3A_183 : vector<1x16xf32> to vector<16xf32>
      %swap3A_185 = vector.shape_cast %broadcast_in_dim3A_16 : vector<16xf32> to vector<1x16xf32>
      tpu.vector_store %arg10[%swap3A, %swap3A_182], %swap3A_185 {strides = array<i32>} : memref<16x128xf32, #tpu.memory_space<vmem>>, vector<1x16xf32>,
    }
    %while3A_29 = arith.constant 1 : i32
    scf.for %while3A_147 = %while3A_27 to %while3A_23 step %while3A_29  : i32 {
      %div3A = arith.divsi %while3A_147, %while3A_19 : i32
      %sign3A = arith.constant 0 : i32
      %sign3A_148 = arith.cmpi sgt, %while3A_147, %sign3A : i32
      %sign3A_149 = arith.extui %sign3A_148 : i1 to i32
      %sign3A_150 = arith.constant 0 : i32
      %sign3A_151 = arith.cmpi slt, %while3A_147, %sign3A_150 : i32
      %sign3A_152 = arith.extui %sign3A_151 : i1 to i32
      %sign3A_153 = arith.subi %sign3A_149, %sign3A_152 : i32
      %sign3A_154 = arith.constant 0 : i32
      %sign3A_155 = arith.cmpi sgt, %while3A_19, %sign3A_154 : i32
      %sign3A_156 = arith.extui %sign3A_155 : i1 to i32
      %sign3A_157 = arith.constant 0 : i32
      %sign3A_158 = arith.cmpi slt, %while3A_19, %sign3A_157 : i32
      %sign3A_159 = arith.extui %sign3A_158 : i1 to i32
      %sign3A_160 = arith.subi %sign3A_156, %sign3A_159 : i32
      %ne3A = arith.cmpi ne, %sign3A_153, %sign3A_160 : i32
      %rem3A = arith.remsi %while3A_147, %while3A_19 : i32
      %ne3A_161 = arith.constant 0 : i32
      %ne3A_162 = arith.cmpi ne, %rem3A, %ne3A_161 : i32
      %and3A = arith.andi %ne3A, %ne3A_162 : i1
      %sub3A = arith.constant 1 : i32
      %sub3A_163 = arith.subi %div3A, %sub3A : i32
      %select_n3A_164 = arith.select %and3A, %sub3A_163, %div3A : i32
      %eq3A_165 = arith.constant 0 : i32
      %eq3A_166 = arith.cmpi eq, %while3A_19, %eq3A_165 : i32
      %jit3A_167 = arith.constant 1 : i32
      %select_n3A_168 = arith.select %eq3A_166, %jit3A_167, %while3A_19 : i32
      %rem3A_169 = arith.remsi %while3A_147, %select_n3A_168 : i32
      %ne3A_170 = arith.constant 0 : i32
      %ne3A_171 = arith.cmpi ne, %rem3A_169, %ne3A_170 : i32
      %lt3A_172 = arith.constant 0 : i32
      %lt3A_173 = arith.cmpi slt, %rem3A_169, %lt3A_172 : i32
      %lt3A_174 = arith.constant 0 : i32
      %lt3A_175 = arith.cmpi slt, %select_n3A_168, %lt3A_174 : i32
      %ne3A_176 = arith.xori %lt3A_173, %lt3A_175 : i1
      %and3A_177 = arith.andi %ne3A_176, %ne3A_171 : i1
      %add3A_178 = arith.addi %rem3A_169, %select_n3A_168 : i32
      %select_n3A_179 = arith.select %and3A_177, %add3A_178, %rem3A_169 : i32
      %mul3A_180 = arith.constant 16 : i32
      %mul3A_181 = arith.muli %select_n3A_179, %mul3A_180 : i32
      %swap3A = arith.index_cast %select_n3A_164 : i32 to index
      %swap3A_182 = arith.index_cast %mul3A_181 : i32 to index
      %swap3A_183 = tpu.vector_load %arg10[%swap3A, %swap3A_182] {strides = array<i32>} : memref<16x128xf32, #tpu.memory_space<vmem>>, vector<1x16xf32>,
      %swap3A_184 = vector.shape_cast %swap3A_183 : vector<1x16xf32> to vector<16xf32>
      %swap3A_185 = vector.shape_cast %broadcast_in_dim3A_16 : vector<16xf32> to vector<1x16xf32>
      tpu.vector_store %arg10[%swap3A, %swap3A_182], %swap3A_185 {strides = array<i32>} : memref<16x128xf32, #tpu.memory_space<vmem>>, vector<1x16xf32>,
    }
    %eq3A = arith.constant 15 : i32
    %eq3A_30 = arith.cmpi eq, %arg1, %eq3A : i32
    %jit3A = arith.constant 40 : i32
    %jit3A_31 = arith.constant 39 : i32
    %select_n3A = arith.select %eq3A_30, %jit3A, %jit3A_31 : i32
    %while3A_32 = arith.constant 0 : i32
    %while3A_33 = arith.constant 0 : i32
    %while3A_34 = arith.subi %select_n3A, %while3A_33 : i32
    %while3A_35 = arith.addi %while3A_33, %while3A_34 : i32
    %while3A_36 = arith.constant 1 : i32
    %while3A_37 = arith.divsi %while3A_34, %while3A_36 : i32
    %while3A_38 = arith.muli %while3A_37, %while3A_36 : i32
    %while3A_39 = arith.addi %while3A_33, %while3A_38 : i32
    %while3A_40 = arith.constant 1 : i32
    scf.for %while3A_147 = %while3A_33 to %while3A_39 step %while3A_40  : i32 {
      %mul3A_148 = arith.constant 16 : i32
      %mul3A_149 = arith.muli %while3A_147, %mul3A_148 : i32
      %add3A_150 = arith.addi %multiple_of3A, %mul3A_149 : i32
      %dma_start3A_151 = arith.constant 0 : i32
      %dma_start3A_152 = tpu.memref_slice %arg6[%add3A_150, %dma_start3A_151] : memref<10000x128xf32, #tpu.memory_space<vmem_shared>> -> memref<16x128xf32, #tpu.memory_space<vmem_shared>>
      %dma_start3A_153 = arith.constant 0 : i32
      %dma_start3A_154 = tpu.memref_slice %arg6[%add3A_150, %dma_start3A_153] : memref<10000x128xf32, #tpu.memory_space<vmem_shared>> -> memref<16x128xf32, #tpu.memory_space<vmem_shared>>
      tpu.enqueue_dma source(%arg10 : memref<16x128xf32, #tpu.memory_space<vmem>>) target(%dma_start3A_154 : memref<16x128xf32, #tpu.memory_space<vmem_shared>>) target_semaphore(%arg17 : memref<!tpu.dma_semaphore, #tpu.memory_space<semaphore_mem>>)
    }
    %while3A_41 = arith.constant 1 : i32
    scf.for %while3A_147 = %while3A_39 to %while3A_35 step %while3A_41  : i32 {
      %mul3A_148 = arith.constant 16 : i32
      %mul3A_149 = arith.muli %while3A_147, %mul3A_148 : i32
      %add3A_150 = arith.addi %multiple_of3A, %mul3A_149 : i32
      %dma_start3A_151 = arith.constant 0 : i32
      %dma_start3A_152 = tpu.memref_slice %arg6[%add3A_150, %dma_start3A_151] : memref<10000x128xf32, #tpu.memory_space<vmem_shared>> -> memref<16x128xf32, #tpu.memory_space<vmem_shared>>
      %dma_start3A_153 = arith.constant 0 : i32
      %dma_start3A_154 = tpu.memref_slice %arg6[%add3A_150, %dma_start3A_153] : memref<10000x128xf32, #tpu.memory_space<vmem_shared>> -> memref<16x128xf32, #tpu.memory_space<vmem_shared>>
      tpu.enqueue_dma source(%arg10 : memref<16x128xf32, #tpu.memory_space<vmem>>) target(%dma_start3A_154 : memref<16x128xf32, #tpu.memory_space<vmem_shared>>) target_semaphore(%arg17 : memref<!tpu.dma_semaphore, #tpu.memory_space<semaphore_mem>>)
    }
    %while3A_42 = arith.constant 0 : i32
    %while3A_43 = arith.constant 0 : i32
    %while3A_44 = arith.subi %select_n3A, %while3A_43 : i32
    %while3A_45 = arith.addi %while3A_43, %while3A_44 : i32
    %while3A_46 = arith.constant 1 : i32
    %while3A_47 = arith.divsi %while3A_44, %while3A_46 : i32
    %while3A_48 = arith.muli %while3A_47, %while3A_46 : i32
    %while3A_49 = arith.addi %while3A_43, %while3A_48 : i32
    %while3A_50 = arith.constant 1 : i32
    scf.for %while3A_147 = %while3A_43 to %while3A_49 step %while3A_50  : i32 {
      %dma_wait3A_148 = arith.constant 0 : i32
      %dma_wait3A_149 = tpu.memref_slice %arg6[%multiple_of3A, %dma_wait3A_148] : memref<10000x128xf32, #tpu.memory_space<vmem_shared>> -> memref<16x128xf32, #tpu.memory_space<vmem_shared>>
      %dma_wait3A_150 = arith.constant 0 : i32
      %dma_wait3A_151 = tpu.memref_slice %arg6[%multiple_of3A, %dma_wait3A_150] : memref<10000x128xf32, #tpu.memory_space<vmem_shared>> -> memref<16x128xf32, #tpu.memory_space<vmem_shared>>
      tpu.wait_dma2 semaphore(%arg17 : memref<!tpu.dma_semaphore, #tpu.memory_space<semaphore_mem>>) src(%arg10 : memref<16x128xf32, #tpu.memory_space<vmem>>) dst(%dma_wait3A_151 : memref<16x128xf32, #tpu.memory_space<vmem_shared>>)
    }
    %while3A_51 = arith.constant 1 : i32
    scf.for %while3A_147 = %while3A_49 to %while3A_45 step %while3A_51  : i32 {
      %dma_wait3A_148 = arith.constant 0 : i32
      %dma_wait3A_149 = tpu.memref_slice %arg6[%multiple_of3A, %dma_wait3A_148] : memref<10000x128xf32, #tpu.memory_space<vmem_shared>> -> memref<16x128xf32, #tpu.memory_space<vmem_shared>>
      %dma_wait3A_150 = arith.constant 0 : i32
      %dma_wait3A_151 = tpu.memref_slice %arg6[%multiple_of3A, %dma_wait3A_150] : memref<10000x128xf32, #tpu.memory_space<vmem_shared>> -> memref<16x128xf32, #tpu.memory_space<vmem_shared>>
      tpu.wait_dma2 semaphore(%arg17 : memref<!tpu.dma_semaphore, #tpu.memory_space<semaphore_mem>>) src(%arg10 : memref<16x128xf32, #tpu.memory_space<vmem>>) dst(%dma_wait3A_151 : memref<16x128xf32, #tpu.memory_space<vmem_shared>>)
    }
    %barrier3A = arith.constant 0 : index
    tpu.barrier barrier_id(%barrier3A)
    %dma_wait3A = arith.constant 0 : i32
    %dma_wait3A_52 = arith.constant 0 : i32
    %dma_wait3A_53 = tpu.memref_slice %arg3[%add3A, %dma_wait3A, %dma_wait3A_52] : memref<32x250x40xi32, #tpu.memory_space<hbm>> -> memref<1x250x40xi32, #tpu.memory_space<hbm>>
    %dma_wait3A_54 = tpu.memref_squeeze %dma_wait3A_53 : memref<1x250x40xi32, #tpu.memory_space<hbm>> -> memref<250x40xi32, #tpu.memory_space<hbm>>
    %dma_wait3A_55 = arith.constant 0 : i32
    %dma_wait3A_56 = arith.constant 0 : i32
    %dma_wait3A_57 = tpu.memref_slice %arg3[%add3A, %dma_wait3A_55, %dma_wait3A_56] : memref<32x250x40xi32, #tpu.memory_space<hbm>> -> memref<1x250x40xi32, #tpu.memory_space<hbm>>
    %dma_wait3A_58 = tpu.memref_squeeze %dma_wait3A_57 : memref<1x250x40xi32, #tpu.memory_space<hbm>> -> memref<250x40xi32, #tpu.memory_space<hbm>>
    tpu.wait_dma2 semaphore(%arg16 : memref<!tpu.dma_semaphore, #tpu.memory_space<semaphore_mem>>) src(%dma_wait3A_58 : memref<250x40xi32, #tpu.memory_space<hbm>>) dst(%arg7 : memref<250x40xi32, #tpu.memory_space<vmem>>)
    %dma_wait3A_59 = arith.constant 0 : i32
    %dma_wait3A_60 = arith.constant 0 : i32
    %dma_wait3A_61 = tpu.memref_slice %arg4[%add3A, %dma_wait3A_59, %dma_wait3A_60] : memref<32x250x40xi32, #tpu.memory_space<hbm>> -> memref<1x250x40xi32, #tpu.memory_space<hbm>>
    %dma_wait3A_62 = tpu.memref_squeeze %dma_wait3A_61 : memref<1x250x40xi32, #tpu.memory_space<hbm>> -> memref<250x40xi32, #tpu.memory_space<hbm>>
    %dma_wait3A_63 = arith.constant 0 : i32
    %dma_wait3A_64 = arith.constant 0 : i32
    %dma_wait3A_65 = tpu.memref_slice %arg4[%add3A, %dma_wait3A_63, %dma_wait3A_64] : memref<32x250x40xi32, #tpu.memory_space<hbm>> -> memref<1x250x40xi32, #tpu.memory_space<hbm>>
    %dma_wait3A_66 = tpu.memref_squeeze %dma_wait3A_65 : memref<1x250x40xi32, #tpu.memory_space<hbm>> -> memref<250x40xi32, #tpu.memory_space<hbm>>
    tpu.wait_dma2 semaphore(%arg16 : memref<!tpu.dma_semaphore, #tpu.memory_space<semaphore_mem>>) src(%dma_wait3A_66 : memref<250x40xi32, #tpu.memory_space<hbm>>) dst(%arg8 : memref<250x40xi32, #tpu.memory_space<vmem>>)
    %dma_start3A_67 = arith.constant 0 : i32
    %dma_start3A_68 = arith.constant 0 : i32
    %dma_start3A_69 = arith.constant 0 : i32
    %dma_start3A_70 = arith.constant 0 : i32
    %dma_start3A_71 = tpu.memref_slice %arg9[%dma_start3A_68, %dma_start3A_69, %dma_start3A_70] : memref<5x40x128xf32, #tpu.memory_space<vmem>> -> memref<1x40x128xf32, #tpu.memory_space<vmem>>
    %dma_start3A_72 = tpu.memref_squeeze %dma_start3A_71 : memref<1x40x128xf32, #tpu.memory_space<vmem>> -> memref<40x128xf32, #tpu.memory_space<vmem>>
    %dma_start3A_73 = arith.constant 0 : i32
    %dma_start3A_74 = tpu.memref_slice %arg7[%dma_start3A_67, %dma_start3A_73] : memref<250x40xi32, #tpu.memory_space<vmem>> -> memref<1x40xi32, #tpu.memory_space<vmem>>
    %dma_start3A_75 = tpu.memref_squeeze %dma_start3A_74 : memref<1x40xi32, #tpu.memory_space<vmem>> -> memref<40xi32, #tpu.memory_space<vmem>>
    %dma_start3A_76 = arith.constant 0 : i32
    %dma_start3A_77 = arith.constant 0 : i32
    %dma_start3A_78 = tpu.memref_slice %arg2[%dma_start3A_76, %dma_start3A_77] : memref<10000x128xf32, #tpu.memory_space<hbm>> -> memref<10000x128xf32, #tpu.memory_space<hbm>>
    tpu.enqueue_indirect_dma source(%dma_start3A_78 : memref<10000x128xf32, #tpu.memory_space<hbm>>) target(%dma_start3A_72 : memref<40x128xf32, #tpu.memory_space<vmem>>) offsets(%dma_start3A_75 : memref<40xi32, #tpu.memory_space<vmem>>) semaphore(%arg11 : memref<!tpu.dma_semaphore, #tpu.memory_space<semaphore_mem>>)
    %dma_start3A_79 = arith.constant 1 : i32
    %dma_start3A_80 = arith.constant 1 : i32
    %dma_start3A_81 = arith.constant 0 : i32
    %dma_start3A_82 = arith.constant 0 : i32
    %dma_start3A_83 = tpu.memref_slice %arg9[%dma_start3A_80, %dma_start3A_81, %dma_start3A_82] : memref<5x40x128xf32, #tpu.memory_space<vmem>> -> memref<1x40x128xf32, #tpu.memory_space<vmem>>
    %dma_start3A_84 = tpu.memref_squeeze %dma_start3A_83 : memref<1x40x128xf32, #tpu.memory_space<vmem>> -> memref<40x128xf32, #tpu.memory_space<vmem>>
    %dma_start3A_85 = arith.constant 0 : i32
    %dma_start3A_86 = tpu.memref_slice %arg7[%dma_start3A_79, %dma_start3A_85] : memref<250x40xi32, #tpu.memory_space<vmem>> -> memref<1x40xi32, #tpu.memory_space<vmem>>
    %dma_start3A_87 = tpu.memref_squeeze %dma_start3A_86 : memref<1x40xi32, #tpu.memory_space<vmem>> -> memref<40xi32, #tpu.memory_space<vmem>>
    %dma_start3A_88 = arith.constant 0 : i32
    %dma_start3A_89 = arith.constant 0 : i32
    %dma_start3A_90 = tpu.memref_slice %arg2[%dma_start3A_88, %dma_start3A_89] : memref<10000x128xf32, #tpu.memory_space<hbm>> -> memref<10000x128xf32, #tpu.memory_space<hbm>>
    tpu.enqueue_indirect_dma source(%dma_start3A_90 : memref<10000x128xf32, #tpu.memory_space<hbm>>) target(%dma_start3A_84 : memref<40x128xf32, #tpu.memory_space<vmem>>) offsets(%dma_start3A_87 : memref<40xi32, #tpu.memory_space<vmem>>) semaphore(%arg12 : memref<!tpu.dma_semaphore, #tpu.memory_space<semaphore_mem>>)
    %dma_start3A_91 = arith.constant 2 : i32
    %dma_start3A_92 = arith.constant 2 : i32
    %dma_start3A_93 = arith.constant 0 : i32
    %dma_start3A_94 = arith.constant 0 : i32
    %dma_start3A_95 = tpu.memref_slice %arg9[%dma_start3A_92, %dma_start3A_93, %dma_start3A_94] : memref<5x40x128xf32, #tpu.memory_space<vmem>> -> memref<1x40x128xf32, #tpu.memory_space<vmem>>
    %dma_start3A_96 = tpu.memref_squeeze %dma_start3A_95 : memref<1x40x128xf32, #tpu.memory_space<vmem>> -> memref<40x128xf32, #tpu.memory_space<vmem>>
    %dma_start3A_97 = arith.constant 0 : i32
    %dma_start3A_98 = tpu.memref_slice %arg7[%dma_start3A_91, %dma_start3A_97] : memref<250x40xi32, #tpu.memory_space<vmem>> -> memref<1x40xi32, #tpu.memory_space<vmem>>
    %dma_start3A_99 = tpu.memref_squeeze %dma_start3A_98 : memref<1x40xi32, #tpu.memory_space<vmem>> -> memref<40xi32, #tpu.memory_space<vmem>>
    %dma_start3A_100 = arith.constant 0 : i32
    %dma_start3A_101 = arith.constant 0 : i32
    %dma_start3A_102 = tpu.memref_slice %arg2[%dma_start3A_100, %dma_start3A_101] : memref<10000x128xf32, #tpu.memory_space<hbm>> -> memref<10000x128xf32, #tpu.memory_space<hbm>>
    tpu.enqueue_indirect_dma source(%dma_start3A_102 : memref<10000x128xf32, #tpu.memory_space<hbm>>) target(%dma_start3A_96 : memref<40x128xf32, #tpu.memory_space<vmem>>) offsets(%dma_start3A_99 : memref<40xi32, #tpu.memory_space<vmem>>) semaphore(%arg13 : memref<!tpu.dma_semaphore, #tpu.memory_space<semaphore_mem>>)
    %dma_start3A_103 = arith.constant 3 : i32
    %dma_start3A_104 = arith.constant 3 : i32
    %dma_start3A_105 = arith.constant 0 : i32
    %dma_start3A_106 = arith.constant 0 : i32
    %dma_start3A_107 = tpu.memref_slice %arg9[%dma_start3A_104, %dma_start3A_105, %dma_start3A_106] : memref<5x40x128xf32, #tpu.memory_space<vmem>> -> memref<1x40x128xf32, #tpu.memory_space<vmem>>
    %dma_start3A_108 = tpu.memref_squeeze %dma_start3A_107 : memref<1x40x128xf32, #tpu.memory_space<vmem>> -> memref<40x128xf32, #tpu.memory_space<vmem>>
    %dma_start3A_109 = arith.constant 0 : i32
    %dma_start3A_110 = tpu.memref_slice %arg7[%dma_start3A_103, %dma_start3A_109] : memref<250x40xi32, #tpu.memory_space<vmem>> -> memref<1x40xi32, #tpu.memory_space<vmem>>
    %dma_start3A_111 = tpu.memref_squeeze %dma_start3A_110 : memref<1x40xi32, #tpu.memory_space<vmem>> -> memref<40xi32, #tpu.memory_space<vmem>>
    %dma_start3A_112 = arith.constant 0 : i32
    %dma_start3A_113 = arith.constant 0 : i32
    %dma_start3A_114 = tpu.memref_slice %arg2[%dma_start3A_112, %dma_start3A_113] : memref<10000x128xf32, #tpu.memory_space<hbm>> -> memref<10000x128xf32, #tpu.memory_space<hbm>>
    tpu.enqueue_indirect_dma source(%dma_start3A_114 : memref<10000x128xf32, #tpu.memory_space<hbm>>) target(%dma_start3A_108 : memref<40x128xf32, #tpu.memory_space<vmem>>) offsets(%dma_start3A_111 : memref<40xi32, #tpu.memory_space<vmem>>) semaphore(%arg14 : memref<!tpu.dma_semaphore, #tpu.memory_space<semaphore_mem>>)
    %dma_start3A_115 = arith.constant 4 : i32
    %dma_start3A_116 = arith.constant 4 : i32
    %dma_start3A_117 = arith.constant 0 : i32
    %dma_start3A_118 = arith.constant 0 : i32
    %dma_start3A_119 = tpu.memref_slice %arg9[%dma_start3A_116, %dma_start3A_117, %dma_start3A_118] : memref<5x40x128xf32, #tpu.memory_space<vmem>> -> memref<1x40x128xf32, #tpu.memory_space<vmem>>
    %dma_start3A_120 = tpu.memref_squeeze %dma_start3A_119 : memref<1x40x128xf32, #tpu.memory_space<vmem>> -> memref<40x128xf32, #tpu.memory_space<vmem>>
    %dma_start3A_121 = arith.constant 0 : i32
    %dma_start3A_122 = tpu.memref_slice %arg7[%dma_start3A_115, %dma_start3A_121] : memref<250x40xi32, #tpu.memory_space<vmem>> -> memref<1x40xi32, #tpu.memory_space<vmem>>
    %dma_start3A_123 = tpu.memref_squeeze %dma_start3A_122 : memref<1x40xi32, #tpu.memory_space<vmem>> -> memref<40xi32, #tpu.memory_space<vmem>>
    %dma_start3A_124 = arith.constant 0 : i32
    %dma_start3A_125 = arith.constant 0 : i32
    %dma_start3A_126 = tpu.memref_slice %arg2[%dma_start3A_124, %dma_start3A_125] : memref<10000x128xf32, #tpu.memory_space<hbm>> -> memref<10000x128xf32, #tpu.memory_space<hbm>>
    tpu.enqueue_indirect_dma source(%dma_start3A_126 : memref<10000x128xf32, #tpu.memory_space<hbm>>) target(%dma_start3A_120 : memref<40x128xf32, #tpu.memory_space<vmem>>) offsets(%dma_start3A_123 : memref<40xi32, #tpu.memory_space<vmem>>) semaphore(%arg15 : memref<!tpu.dma_semaphore, #tpu.memory_space<semaphore_mem>>)
    %while3A_127 = arith.constant 0 : i32
    %while3A_128 = arith.constant 250 : i32
    %while3A_129 = arith.constant 0 : i32
    %while3A_130 = arith.constant 50 : i32
    %while3A_131 = arith.subi %while3A_130, %while3A_129 : i32
    %while3A_132 = arith.addi %while3A_129, %while3A_131 : i32
    %while3A_133 = arith.constant 1 : i32
    %while3A_134 = arith.divsi %while3A_131, %while3A_133 : i32
    %while3A_135 = arith.muli %while3A_134, %while3A_133 : i32
    %while3A_136 = arith.addi %while3A_129, %while3A_135 : i32
    %while3A_137 = arith.constant 1 : i32
    scf.for %while3A_147 = %while3A_129 to %while3A_136 step %while3A_137  : i32 {
      %mul3A_148 = arith.constant 5 : i32
      %mul3A_149 = arith.muli %while3A_147, %mul3A_148 : i32
      %add3A_150 = arith.constant 0 : i32
      %add3A_151 = arith.addi %mul3A_149, %add3A_150 : i32
      %dma_wait3A_152 = arith.constant 0 : i32
      %dma_wait3A_153 = arith.constant 0 : i32
      %dma_wait3A_154 = arith.constant 0 : i32
      %dma_wait3A_155 = tpu.memref_slice %arg9[%dma_wait3A_152, %dma_wait3A_153, %dma_wait3A_154] : memref<5x40x128xf32, #tpu.memory_space<vmem>> -> memref<1x40x128xf32, #tpu.memory_space<vmem>>
      %dma_wait3A_156 = tpu.memref_squeeze %dma_wait3A_155 : memref<1x40x128xf32, #tpu.memory_space<vmem>> -> memref<40x128xf32, #tpu.memory_space<vmem>>
      %dma_wait3A_157 = arith.constant 0 : i32
      %dma_wait3A_158 = tpu.memref_slice %arg7[%add3A_151, %dma_wait3A_157] : memref<250x40xi32, #tpu.memory_space<vmem>> -> memref<1x40xi32, #tpu.memory_space<vmem>>
      %dma_wait3A_159 = tpu.memref_squeeze %dma_wait3A_158 : memref<1x40xi32, #tpu.memory_space<vmem>> -> memref<40xi32, #tpu.memory_space<vmem>>
      %dma_wait3A_160 = arith.constant 0 : i32
      %dma_wait3A_161 = arith.constant 0 : i32
      %dma_wait3A_162 = tpu.memref_slice %arg2[%dma_wait3A_160, %dma_wait3A_161] : memref<10000x128xf32, #tpu.memory_space<hbm>> -> memref<10000x128xf32, #tpu.memory_space<hbm>>
      tpu.wait_indirect_dma semaphore(%arg11 : memref<!tpu.dma_semaphore, #tpu.memory_space<semaphore_mem>>) src(%dma_wait3A_162 : memref<10000x128xf32, #tpu.memory_space<hbm>>) dst(%dma_wait3A_156 : memref<40x128xf32, #tpu.memory_space<vmem>>)
      %run_scoped3A = arith.constant 0 : i32
      "tpu.region"() ({
        %run_scoped3A_249 = tpu.sem_alloc : memref<!tpu.dma_semaphore, #tpu.memory_space<semaphore_mem>>
        %dma_start3A_250 = arith.constant 0 : i32
        %dma_start3A_251 = arith.constant 0 : i32
        %dma_start3A_252 = tpu.memref_slice %arg9[%run_scoped3A, %dma_start3A_250, %dma_start3A_251] : memref<5x40x128xf32, #tpu.memory_space<vmem>> -> memref<1x40x128xf32, #tpu.memory_space<vmem>>
        %dma_start3A_253 = tpu.memref_squeeze %dma_start3A_252 : memref<1x40x128xf32, #tpu.memory_space<vmem>> -> memref<40x128xf32, #tpu.memory_space<vmem>>
        %dma_start3A_254 = arith.constant 0 : i32
        %dma_start3A_255 = tpu.memref_slice %arg8[%add3A_151, %dma_start3A_254] : memref<250x40xi32, #tpu.memory_space<vmem>> -> memref<1x40xi32, #tpu.memory_space<vmem>>
        %dma_start3A_256 = tpu.memref_squeeze %dma_start3A_255 : memref<1x40xi32, #tpu.memory_space<vmem>> -> memref<40xi32, #tpu.memory_space<vmem>>
        %dma_start3A_257 = arith.constant 0 : i32
        %dma_start3A_258 = arith.constant 0 : i32
        %dma_start3A_259 = tpu.memref_slice %arg6[%dma_start3A_257, %dma_start3A_258] : memref<10000x128xf32, #tpu.memory_space<vmem_shared>> -> memref<10000x128xf32, #tpu.memory_space<vmem_shared>>
        tpu.enqueue_indirect_dma source(%dma_start3A_253 : memref<40x128xf32, #tpu.memory_space<vmem>>) target(%dma_start3A_259 : memref<10000x128xf32, #tpu.memory_space<vmem_shared>>) offsets(%dma_start3A_256 : memref<40xi32, #tpu.memory_space<vmem>>) semaphore(%run_scoped3A_249 : memref<!tpu.dma_semaphore, #tpu.memory_space<semaphore_mem>>) {add = true}
        %dma_wait3A_260 = arith.constant 0 : i32
        %dma_wait3A_261 = arith.constant 0 : i32
        %dma_wait3A_262 = tpu.memref_slice %arg9[%run_scoped3A, %dma_wait3A_260, %dma_wait3A_261] : memref<5x40x128xf32, #tpu.memory_space<vmem>> -> memref<1x40x128xf32, #tpu.memory_space<vmem>>
        %dma_wait3A_263 = tpu.memref_squeeze %dma_wait3A_262 : memref<1x40x128xf32, #tpu.memory_space<vmem>> -> memref<40x128xf32, #tpu.memory_space<vmem>>
        %dma_wait3A_264 = arith.constant 0 : i32
        %dma_wait3A_265 = tpu.memref_slice %arg8[%add3A_151, %dma_wait3A_264] : memref<250x40xi32, #tpu.memory_space<vmem>> -> memref<1x40xi32, #tpu.memory_space<vmem>>
        %dma_wait3A_266 = tpu.memref_squeeze %dma_wait3A_265 : memref<1x40xi32, #tpu.memory_space<vmem>> -> memref<40xi32, #tpu.memory_space<vmem>>
        %dma_wait3A_267 = arith.constant 0 : i32
        %dma_wait3A_268 = arith.constant 0 : i32
        %dma_wait3A_269 = tpu.memref_slice %arg6[%dma_wait3A_267, %dma_wait3A_268] : memref<10000x128xf32, #tpu.memory_space<vmem_shared>> -> memref<10000x128xf32, #tpu.memory_space<vmem_shared>>
        tpu.wait_indirect_dma semaphore(%run_scoped3A_249 : memref<!tpu.dma_semaphore, #tpu.memory_space<semaphore_mem>>) src(%dma_wait3A_263 : memref<40x128xf32, #tpu.memory_space<vmem>>) dst(%dma_wait3A_269 : memref<10000x128xf32, #tpu.memory_space<vmem_shared>>)
        tpu.yield
      }) : () -> ()
      %add3A_163 = arith.constant 5 : i32
      %add3A_164 = arith.addi %add3A_151, %add3A_163 : i32
      %lt3A_165 = arith.cmpi slt, %add3A_164, %while3A_128 : i32
      %convert_element_type3A_166 = arith.extui %lt3A_165 : i1 to i32
      %cond3A_167 = arith.constant 0 : i32
      %cond3A_168 = arith.cmpi ne, %convert_element_type3A_166, %cond3A_167 : i32
      scf.if %cond3A_168 {
        %dma_start3A_249 = arith.constant 0 : i32
        %dma_start3A_250 = arith.constant 0 : i32
        %dma_start3A_251 = arith.constant 0 : i32
        %dma_start3A_252 = tpu.memref_slice %arg9[%dma_start3A_249, %dma_start3A_250, %dma_start3A_251] : memref<5x40x128xf32, #tpu.memory_space<vmem>> -> memref<1x40x128xf32, #tpu.memory_space<vmem>>
        %dma_start3A_253 = tpu.memref_squeeze %dma_start3A_252 : memref<1x40x128xf32, #tpu.memory_space<vmem>> -> memref<40x128xf32, #tpu.memory_space<vmem>>
        %dma_start3A_254 = arith.constant 0 : i32
        %dma_start3A_255 = tpu.memref_slice %arg7[%add3A_164, %dma_start3A_254] : memref<250x40xi32, #tpu.memory_space<vmem>> -> memref<1x40xi32, #tpu.memory_space<vmem>>
        %dma_start3A_256 = tpu.memref_squeeze %dma_start3A_255 : memref<1x40xi32, #tpu.memory_space<vmem>> -> memref<40xi32, #tpu.memory_space<vmem>>
        %dma_start3A_257 = arith.constant 0 : i32
        %dma_start3A_258 = arith.constant 0 : i32
        %dma_start3A_259 = tpu.memref_slice %arg2[%dma_start3A_257, %dma_start3A_258] : memref<10000x128xf32, #tpu.memory_space<hbm>> -> memref<10000x128xf32, #tpu.memory_space<hbm>>
        tpu.enqueue_indirect_dma source(%dma_start3A_259 : memref<10000x128xf32, #tpu.memory_space<hbm>>) target(%dma_start3A_253 : memref<40x128xf32, #tpu.memory_space<vmem>>) offsets(%dma_start3A_256 : memref<40xi32, #tpu.memory_space<vmem>>) semaphore(%arg11 : memref<!tpu.dma_semaphore, #tpu.memory_space<semaphore_mem>>)
      } else {
      }
      %add3A_169 = arith.constant 1 : i32
      %add3A_170 = arith.addi %mul3A_149, %add3A_169 : i32
      %dma_wait3A_171 = arith.constant 1 : i32
      %dma_wait3A_172 = arith.constant 0 : i32
      %dma_wait3A_173 = arith.constant 0 : i32
      %dma_wait3A_174 = tpu.memref_slice %arg9[%dma_wait3A_171, %dma_wait3A_172, %dma_wait3A_173] : memref<5x40x128xf32, #tpu.memory_space<vmem>> -> memref<1x40x128xf32, #tpu.memory_space<vmem>>
      %dma_wait3A_175 = tpu.memref_squeeze %dma_wait3A_174 : memref<1x40x128xf32, #tpu.memory_space<vmem>> -> memref<40x128xf32, #tpu.memory_space<vmem>>
      %dma_wait3A_176 = arith.constant 0 : i32
      %dma_wait3A_177 = tpu.memref_slice %arg7[%add3A_170, %dma_wait3A_176] : memref<250x40xi32, #tpu.memory_space<vmem>> -> memref<1x40xi32, #tpu.memory_space<vmem>>
      %dma_wait3A_178 = tpu.memref_squeeze %dma_wait3A_177 : memref<1x40xi32, #tpu.memory_space<vmem>> -> memref<40xi32, #tpu.memory_space<vmem>>
      %dma_wait3A_179 = arith.constant 0 : i32
      %dma_wait3A_180 = arith.constant 0 : i32
      %dma_wait3A_181 = tpu.memref_slice %arg2[%dma_wait3A_179, %dma_wait3A_180] : memref<10000x128xf32, #tpu.memory_space<hbm>> -> memref<10000x128xf32, #tpu.memory_space<hbm>>
      tpu.wait_indirect_dma semaphore(%arg12 : memref<!tpu.dma_semaphore, #tpu.memory_space<semaphore_mem>>) src(%dma_wait3A_181 : memref<10000x128xf32, #tpu.memory_space<hbm>>) dst(%dma_wait3A_175 : memref<40x128xf32, #tpu.memory_space<vmem>>)
      %run_scoped3A_182 = arith.constant 1 : i32
      "tpu.region"() ({
        %run_scoped3A_249 = tpu.sem_alloc : memref<!tpu.dma_semaphore, #tpu.memory_space<semaphore_mem>>
        %dma_start3A_250 = arith.constant 0 : i32
        %dma_start3A_251 = arith.constant 0 : i32
        %dma_start3A_252 = tpu.memref_slice %arg9[%run_scoped3A_182, %dma_start3A_250, %dma_start3A_251] : memref<5x40x128xf32, #tpu.memory_space<vmem>> -> memref<1x40x128xf32, #tpu.memory_space<vmem>>
        %dma_start3A_253 = tpu.memref_squeeze %dma_start3A_252 : memref<1x40x128xf32, #tpu.memory_space<vmem>> -> memref<40x128xf32, #tpu.memory_space<vmem>>
        %dma_start3A_254 = arith.constant 0 : i32
        %dma_start3A_255 = tpu.memref_slice %arg8[%add3A_170, %dma_start3A_254] : memref<250x40xi32, #tpu.memory_space<vmem>> -> memref<1x40xi32, #tpu.memory_space<vmem>>
        %dma_start3A_256 = tpu.memref_squeeze %dma_start3A_255 : memref<1x40xi32, #tpu.memory_space<vmem>> -> memref<40xi32, #tpu.memory_space<vmem>>
        %dma_start3A_257 = arith.constant 0 : i32
        %dma_start3A_258 = arith.constant 0 : i32
        %dma_start3A_259 = tpu.memref_slice %arg6[%dma_start3A_257, %dma_start3A_258] : memref<10000x128xf32, #tpu.memory_space<vmem_shared>> -> memref<10000x128xf32, #tpu.memory_space<vmem_shared>>
        tpu.enqueue_indirect_dma source(%dma_start3A_253 : memref<40x128xf32, #tpu.memory_space<vmem>>) target(%dma_start3A_259 : memref<10000x128xf32, #tpu.memory_space<vmem_shared>>) offsets(%dma_start3A_256 : memref<40xi32, #tpu.memory_space<vmem>>) semaphore(%run_scoped3A_249 : memref<!tpu.dma_semaphore, #tpu.memory_space<semaphore_mem>>) {add = true}
        %dma_wait3A_260 = arith.constant 0 : i32
        %dma_wait3A_261 = arith.constant 0 : i32
        %dma_wait3A_262 = tpu.memref_slice %arg9[%run_scoped3A_182, %dma_wait3A_260, %dma_wait3A_261] : memref<5x40x128xf32, #tpu.memory_space<vmem>> -> memref<1x40x128xf32, #tpu.memory_space<vmem>>
        %dma_wait3A_263 = tpu.memref_squeeze %dma_wait3A_262 : memref<1x40x128xf32, #tpu.memory_space<vmem>> -> memref<40x128xf32, #tpu.memory_space<vmem>>
        %dma_wait3A_264 = arith.constant 0 : i32
        %dma_wait3A_265 = tpu.memref_slice %arg8[%add3A_170, %dma_wait3A_264] : memref<250x40xi32, #tpu.memory_space<vmem>> -> memref<1x40xi32, #tpu.memory_space<vmem>>
        %dma_wait3A_266 = tpu.memref_squeeze %dma_wait3A_265 : memref<1x40xi32, #tpu.memory_space<vmem>> -> memref<40xi32, #tpu.memory_space<vmem>>
        %dma_wait3A_267 = arith.constant 0 : i32
        %dma_wait3A_268 = arith.constant 0 : i32
        %dma_wait3A_269 = tpu.memref_slice %arg6[%dma_wait3A_267, %dma_wait3A_268] : memref<10000x128xf32, #tpu.memory_space<vmem_shared>> -> memref<10000x128xf32, #tpu.memory_space<vmem_shared>>
        tpu.wait_indirect_dma semaphore(%run_scoped3A_249 : memref<!tpu.dma_semaphore, #tpu.memory_space<semaphore_mem>>) src(%dma_wait3A_263 : memref<40x128xf32, #tpu.memory_space<vmem>>) dst(%dma_wait3A_269 : memref<10000x128xf32, #tpu.memory_space<vmem_shared>>)
        tpu.yield
      }) : () -> ()
      %add3A_183 = arith.constant 5 : i32
      %add3A_184 = arith.addi %add3A_170, %add3A_183 : i32
      %lt3A_185 = arith.cmpi slt, %add3A_184, %while3A_128 : i32
      %convert_element_type3A_186 = arith.extui %lt3A_185 : i1 to i32
      %cond3A_187 = arith.constant 0 : i32
      %cond3A_188 = arith.cmpi ne, %convert_element_type3A_186, %cond3A_187 : i32
      scf.if %cond3A_188 {
        %dma_start3A_249 = arith.constant 1 : i32
        %dma_start3A_250 = arith.constant 0 : i32
        %dma_start3A_251 = arith.constant 0 : i32
        %dma_start3A_252 = tpu.memref_slice %arg9[%dma_start3A_249, %dma_start3A_250, %dma_start3A_251] : memref<5x40x128xf32, #tpu.memory_space<vmem>> -> memref<1x40x128xf32, #tpu.memory_space<vmem>>
        %dma_start3A_253 = tpu.memref_squeeze %dma_start3A_252 : memref<1x40x128xf32, #tpu.memory_space<vmem>> -> memref<40x128xf32, #tpu.memory_space<vmem>>
        %dma_start3A_254 = arith.constant 0 : i32
        %dma_start3A_255 = tpu.memref_slice %arg7[%add3A_184, %dma_start3A_254] : memref<250x40xi32, #tpu.memory_space<vmem>> -> memref<1x40xi32, #tpu.memory_space<vmem>>
        %dma_start3A_256 = tpu.memref_squeeze %dma_start3A_255 : memref<1x40xi32, #tpu.memory_space<vmem>> -> memref<40xi32, #tpu.memory_space<vmem>>
        %dma_start3A_257 = arith.constant 0 : i32
        %dma_start3A_258 = arith.constant 0 : i32
        %dma_start3A_259 = tpu.memref_slice %arg2[%dma_start3A_257, %dma_start3A_258] : memref<10000x128xf32, #tpu.memory_space<hbm>> -> memref<10000x128xf32, #tpu.memory_space<hbm>>
        tpu.enqueue_indirect_dma source(%dma_start3A_259 : memref<10000x128xf32, #tpu.memory_space<hbm>>) target(%dma_start3A_253 : memref<40x128xf32, #tpu.memory_space<vmem>>) offsets(%dma_start3A_256 : memref<40xi32, #tpu.memory_space<vmem>>) semaphore(%arg12 : memref<!tpu.dma_semaphore, #tpu.memory_space<semaphore_mem>>)
      } else {
      }
      %add3A_189 = arith.constant 2 : i32
      %add3A_190 = arith.addi %mul3A_149, %add3A_189 : i32
      %dma_wait3A_191 = arith.constant 2 : i32
      %dma_wait3A_192 = arith.constant 0 : i32
      %dma_wait3A_193 = arith.constant 0 : i32
      %dma_wait3A_194 = tpu.memref_slice %arg9[%dma_wait3A_191, %dma_wait3A_192, %dma_wait3A_193] : memref<5x40x128xf32, #tpu.memory_space<vmem>> -> memref<1x40x128xf32, #tpu.memory_space<vmem>>
      %dma_wait3A_195 = tpu.memref_squeeze %dma_wait3A_194 : memref<1x40x128xf32, #tpu.memory_space<vmem>> -> memref<40x128xf32, #tpu.memory_space<vmem>>
      %dma_wait3A_196 = arith.constant 0 : i32
      %dma_wait3A_197 = tpu.memref_slice %arg7[%add3A_190, %dma_wait3A_196] : memref<250x40xi32, #tpu.memory_space<vmem>> -> memref<1x40xi32, #tpu.memory_space<vmem>>
      %dma_wait3A_198 = tpu.memref_squeeze %dma_wait3A_197 : memref<1x40xi32, #tpu.memory_space<vmem>> -> memref<40xi32, #tpu.memory_space<vmem>>
      %dma_wait3A_199 = arith.constant 0 : i32
      %dma_wait3A_200 = arith.constant 0 : i32
      %dma_wait3A_201 = tpu.memref_slice %arg2[%dma_wait3A_199, %dma_wait3A_200] : memref<10000x128xf32, #tpu.memory_space<hbm>> -> memref<10000x128xf32, #tpu.memory_space<hbm>>
      tpu.wait_indirect_dma semaphore(%arg13 : memref<!tpu.dma_semaphore, #tpu.memory_space<semaphore_mem>>) src(%dma_wait3A_201 : memref<10000x128xf32, #tpu.memory_space<hbm>>) dst(%dma_wait3A_195 : memref<40x128xf32, #tpu.memory_space<vmem>>)
      %run_scoped3A_202 = arith.constant 2 : i32
      "tpu.region"() ({
        %run_scoped3A_249 = tpu.sem_alloc : memref<!tpu.dma_semaphore, #tpu.memory_space<semaphore_mem>>
        %dma_start3A_250 = arith.constant 0 : i32
        %dma_start3A_251 = arith.constant 0 : i32
        %dma_start3A_252 = tpu.memref_slice %arg9[%run_scoped3A_202, %dma_start3A_250, %dma_start3A_251] : memref<5x40x128xf32, #tpu.memory_space<vmem>> -> memref<1x40x128xf32, #tpu.memory_space<vmem>>
        %dma_start3A_253 = tpu.memref_squeeze %dma_start3A_252 : memref<1x40x128xf32, #tpu.memory_space<vmem>> -> memref<40x128xf32, #tpu.memory_space<vmem>>
        %dma_start3A_254 = arith.constant 0 : i32
        %dma_start3A_255 = tpu.memref_slice %arg8[%add3A_190, %dma_start3A_254] : memref<250x40xi32, #tpu.memory_space<vmem>> -> memref<1x40xi32, #tpu.memory_space<vmem>>
        %dma_start3A_256 = tpu.memref_squeeze %dma_start3A_255 : memref<1x40xi32, #tpu.memory_space<vmem>> -> memref<40xi32, #tpu.memory_space<vmem>>
        %dma_start3A_257 = arith.constant 0 : i32
        %dma_start3A_258 = arith.constant 0 : i32
        %dma_start3A_259 = tpu.memref_slice %arg6[%dma_start3A_257, %dma_start3A_258] : memref<10000x128xf32, #tpu.memory_space<vmem_shared>> -> memref<10000x128xf32, #tpu.memory_space<vmem_shared>>
        tpu.enqueue_indirect_dma source(%dma_start3A_253 : memref<40x128xf32, #tpu.memory_space<vmem>>) target(%dma_start3A_259 : memref<10000x128xf32, #tpu.memory_space<vmem_shared>>) offsets(%dma_start3A_256 : memref<40xi32, #tpu.memory_space<vmem>>) semaphore(%run_scoped3A_249 : memref<!tpu.dma_semaphore, #tpu.memory_space<semaphore_mem>>) {add = true}
        %dma_wait3A_260 = arith.constant 0 : i32
        %dma_wait3A_261 = arith.constant 0 : i32
        %dma_wait3A_262 = tpu.memref_slice %arg9[%run_scoped3A_202, %dma_wait3A_260, %dma_wait3A_261] : memref<5x40x128xf32, #tpu.memory_space<vmem>> -> memref<1x40x128xf32, #tpu.memory_space<vmem>>
        %dma_wait3A_263 = tpu.memref_squeeze %dma_wait3A_262 : memref<1x40x128xf32, #tpu.memory_space<vmem>> -> memref<40x128xf32, #tpu.memory_space<vmem>>
        %dma_wait3A_264 = arith.constant 0 : i32
        %dma_wait3A_265 = tpu.memref_slice %arg8[%add3A_190, %dma_wait3A_264] : memref<250x40xi32, #tpu.memory_space<vmem>> -> memref<1x40xi32, #tpu.memory_space<vmem>>
        %dma_wait3A_266 = tpu.memref_squeeze %dma_wait3A_265 : memref<1x40xi32, #tpu.memory_space<vmem>> -> memref<40xi32, #tpu.memory_space<vmem>>
        %dma_wait3A_267 = arith.constant 0 : i32
        %dma_wait3A_268 = arith.constant 0 : i32
        %dma_wait3A_269 = tpu.memref_slice %arg6[%dma_wait3A_267, %dma_wait3A_268] : memref<10000x128xf32, #tpu.memory_space<vmem_shared>> -> memref<10000x128xf32, #tpu.memory_space<vmem_shared>>
        tpu.wait_indirect_dma semaphore(%run_scoped3A_249 : memref<!tpu.dma_semaphore, #tpu.memory_space<semaphore_mem>>) src(%dma_wait3A_263 : memref<40x128xf32, #tpu.memory_space<vmem>>) dst(%dma_wait3A_269 : memref<10000x128xf32, #tpu.memory_space<vmem_shared>>)
        tpu.yield
      }) : () -> ()
      %add3A_203 = arith.constant 5 : i32
      %add3A_204 = arith.addi %add3A_190, %add3A_203 : i32
      %lt3A_205 = arith.cmpi slt, %add3A_204, %while3A_128 : i32
      %convert_element_type3A_206 = arith.extui %lt3A_205 : i1 to i32
      %cond3A_207 = arith.constant 0 : i32
      %cond3A_208 = arith.cmpi ne, %convert_element_type3A_206, %cond3A_207 : i32
      scf.if %cond3A_208 {
        %dma_start3A_249 = arith.constant 2 : i32
        %dma_start3A_250 = arith.constant 0 : i32
        %dma_start3A_251 = arith.constant 0 : i32
        %dma_start3A_252 = tpu.memref_slice %arg9[%dma_start3A_249, %dma_start3A_250, %dma_start3A_251] : memref<5x40x128xf32, #tpu.memory_space<vmem>> -> memref<1x40x128xf32, #tpu.memory_space<vmem>>
        %dma_start3A_253 = tpu.memref_squeeze %dma_start3A_252 : memref<1x40x128xf32, #tpu.memory_space<vmem>> -> memref<40x128xf32, #tpu.memory_space<vmem>>
        %dma_start3A_254 = arith.constant 0 : i32
        %dma_start3A_255 = tpu.memref_slice %arg7[%add3A_204, %dma_start3A_254] : memref<250x40xi32, #tpu.memory_space<vmem>> -> memref<1x40xi32, #tpu.memory_space<vmem>>
        %dma_start3A_256 = tpu.memref_squeeze %dma_start3A_255 : memref<1x40xi32, #tpu.memory_space<vmem>> -> memref<40xi32, #tpu.memory_space<vmem>>
        %dma_start3A_257 = arith.constant 0 : i32
        %dma_start3A_258 = arith.constant 0 : i32
        %dma_start3A_259 = tpu.memref_slice %arg2[%dma_start3A_257, %dma_start3A_258] : memref<10000x128xf32, #tpu.memory_space<hbm>> -> memref<10000x128xf32, #tpu.memory_space<hbm>>
        tpu.enqueue_indirect_dma source(%dma_start3A_259 : memref<10000x128xf32, #tpu.memory_space<hbm>>) target(%dma_start3A_253 : memref<40x128xf32, #tpu.memory_space<vmem>>) offsets(%dma_start3A_256 : memref<40xi32, #tpu.memory_space<vmem>>) semaphore(%arg13 : memref<!tpu.dma_semaphore, #tpu.memory_space<semaphore_mem>>)
      } else {
      }
      %add3A_209 = arith.constant 3 : i32
      %add3A_210 = arith.addi %mul3A_149, %add3A_209 : i32
      %dma_wait3A_211 = arith.constant 3 : i32
      %dma_wait3A_212 = arith.constant 0 : i32
      %dma_wait3A_213 = arith.constant 0 : i32
      %dma_wait3A_214 = tpu.memref_slice %arg9[%dma_wait3A_211, %dma_wait3A_212, %dma_wait3A_213] : memref<5x40x128xf32, #tpu.memory_space<vmem>> -> memref<1x40x128xf32, #tpu.memory_space<vmem>>
      %dma_wait3A_215 = tpu.memref_squeeze %dma_wait3A_214 : memref<1x40x128xf32, #tpu.memory_space<vmem>> -> memref<40x128xf32, #tpu.memory_space<vmem>>
      %dma_wait3A_216 = arith.constant 0 : i32
      %dma_wait3A_217 = tpu.memref_slice %arg7[%add3A_210, %dma_wait3A_216] : memref<250x40xi32, #tpu.memory_space<vmem>> -> memref<1x40xi32, #tpu.memory_space<vmem>>
      %dma_wait3A_218 = tpu.memref_squeeze %dma_wait3A_217 : memref<1x40xi32, #tpu.memory_space<vmem>> -> memref<40xi32, #tpu.memory_space<vmem>>
      %dma_wait3A_219 = arith.constant 0 : i32
      %dma_wait3A_220 = arith.constant 0 : i32
      %dma_wait3A_221 = tpu.memref_slice %arg2[%dma_wait3A_219, %dma_wait3A_220] : memref<10000x128xf32, #tpu.memory_space<hbm>> -> memref<10000x128xf32, #tpu.memory_space<hbm>>
      tpu.wait_indirect_dma semaphore(%arg14 : memref<!tpu.dma_semaphore, #tpu.memory_space<semaphore_mem>>) src(%dma_wait3A_221 : memref<10000x128xf32, #tpu.memory_space<hbm>>) dst(%dma_wait3A_215 : memref<40x128xf32, #tpu.memory_space<vmem>>)
      %run_scoped3A_222 = arith.constant 3 : i32
      "tpu.region"() ({
        %run_scoped3A_249 = tpu.sem_alloc : memref<!tpu.dma_semaphore, #tpu.memory_space<semaphore_mem>>
        %dma_start3A_250 = arith.constant 0 : i32
        %dma_start3A_251 = arith.constant 0 : i32
        %dma_start3A_252 = tpu.memref_slice %arg9[%run_scoped3A_222, %dma_start3A_250, %dma_start3A_251] : memref<5x40x128xf32, #tpu.memory_space<vmem>> -> memref<1x40x128xf32, #tpu.memory_space<vmem>>
        %dma_start3A_253 = tpu.memref_squeeze %dma_start3A_252 : memref<1x40x128xf32, #tpu.memory_space<vmem>> -> memref<40x128xf32, #tpu.memory_space<vmem>>
        %dma_start3A_254 = arith.constant 0 : i32
        %dma_start3A_255 = tpu.memref_slice %arg8[%add3A_210, %dma_start3A_254] : memref<250x40xi32, #tpu.memory_space<vmem>> -> memref<1x40xi32, #tpu.memory_space<vmem>>
        %dma_start3A_256 = tpu.memref_squeeze %dma_start3A_255 : memref<1x40xi32, #tpu.memory_space<vmem>> -> memref<40xi32, #tpu.memory_space<vmem>>
        %dma_start3A_257 = arith.constant 0 : i32
        %dma_start3A_258 = arith.constant 0 : i32
        %dma_start3A_259 = tpu.memref_slice %arg6[%dma_start3A_257, %dma_start3A_258] : memref<10000x128xf32, #tpu.memory_space<vmem_shared>> -> memref<10000x128xf32, #tpu.memory_space<vmem_shared>>
        tpu.enqueue_indirect_dma source(%dma_start3A_253 : memref<40x128xf32, #tpu.memory_space<vmem>>) target(%dma_start3A_259 : memref<10000x128xf32, #tpu.memory_space<vmem_shared>>) offsets(%dma_start3A_256 : memref<40xi32, #tpu.memory_space<vmem>>) semaphore(%run_scoped3A_249 : memref<!tpu.dma_semaphore, #tpu.memory_space<semaphore_mem>>) {add = true}
        %dma_wait3A_260 = arith.constant 0 : i32
        %dma_wait3A_261 = arith.constant 0 : i32
        %dma_wait3A_262 = tpu.memref_slice %arg9[%run_scoped3A_222, %dma_wait3A_260, %dma_wait3A_261] : memref<5x40x128xf32, #tpu.memory_space<vmem>> -> memref<1x40x128xf32, #tpu.memory_space<vmem>>
        %dma_wait3A_263 = tpu.memref_squeeze %dma_wait3A_262 : memref<1x40x128xf32, #tpu.memory_space<vmem>> -> memref<40x128xf32, #tpu.memory_space<vmem>>
        %dma_wait3A_264 = arith.constant 0 : i32
        %dma_wait3A_265 = tpu.memref_slice %arg8[%add3A_210, %dma_wait3A_264] : memref<250x40xi32, #tpu.memory_space<vmem>> -> memref<1x40xi32, #tpu.memory_space<vmem>>
        %dma_wait3A_266 = tpu.memref_squeeze %dma_wait3A_265 : memref<1x40xi32, #tpu.memory_space<vmem>> -> memref<40xi32, #tpu.memory_space<vmem>>
        %dma_wait3A_267 = arith.constant 0 : i32
        %dma_wait3A_268 = arith.constant 0 : i32
        %dma_wait3A_269 = tpu.memref_slice %arg6[%dma_wait3A_267, %dma_wait3A_268] : memref<10000x128xf32, #tpu.memory_space<vmem_shared>> -> memref<10000x128xf32, #tpu.memory_space<vmem_shared>>
        tpu.wait_indirect_dma semaphore(%run_scoped3A_249 : memref<!tpu.dma_semaphore, #tpu.memory_space<semaphore_mem>>) src(%dma_wait3A_263 : memref<40x128xf32, #tpu.memory_space<vmem>>) dst(%dma_wait3A_269 : memref<10000x128xf32, #tpu.memory_space<vmem_shared>>)
        tpu.yield
      }) : () -> ()
      %add3A_223 = arith.constant 5 : i32
      %add3A_224 = arith.addi %add3A_210, %add3A_223 : i32
      %lt3A_225 = arith.cmpi slt, %add3A_224, %while3A_128 : i32
      %convert_element_type3A_226 = arith.extui %lt3A_225 : i1 to i32
      %cond3A_227 = arith.constant 0 : i32
      %cond3A_228 = arith.cmpi ne, %convert_element_type3A_226, %cond3A_227 : i32
      scf.if %cond3A_228 {
        %dma_start3A_249 = arith.constant 3 : i32
        %dma_start3A_250 = arith.constant 0 : i32
        %dma_start3A_251 = arith.constant 0 : i32
        %dma_start3A_252 = tpu.memref_slice %arg9[%dma_start3A_249, %dma_start3A_250, %dma_start3A_251] : memref<5x40x128xf32, #tpu.memory_space<vmem>> -> memref<1x40x128xf32, #tpu.memory_space<vmem>>
        %dma_start3A_253 = tpu.memref_squeeze %dma_start3A_252 : memref<1x40x128xf32, #tpu.memory_space<vmem>> -> memref<40x128xf32, #tpu.memory_space<vmem>>
        %dma_start3A_254 = arith.constant 0 : i32
        %dma_start3A_255 = tpu.memref_slice %arg7[%add3A_224, %dma_start3A_254] : memref<250x40xi32, #tpu.memory_space<vmem>> -> memref<1x40xi32, #tpu.memory_space<vmem>>
        %dma_start3A_256 = tpu.memref_squeeze %dma_start3A_255 : memref<1x40xi32, #tpu.memory_space<vmem>> -> memref<40xi32, #tpu.memory_space<vmem>>
        %dma_start3A_257 = arith.constant 0 : i32
        %dma_start3A_258 = arith.constant 0 : i32
        %dma_start3A_259 = tpu.memref_slice %arg2[%dma_start3A_257, %dma_start3A_258] : memref<10000x128xf32, #tpu.memory_space<hbm>> -> memref<10000x128xf32, #tpu.memory_space<hbm>>
        tpu.enqueue_indirect_dma source(%dma_start3A_259 : memref<10000x128xf32, #tpu.memory_space<hbm>>) target(%dma_start3A_253 : memref<40x128xf32, #tpu.memory_space<vmem>>) offsets(%dma_start3A_256 : memref<40xi32, #tpu.memory_space<vmem>>) semaphore(%arg14 : memref<!tpu.dma_semaphore, #tpu.memory_space<semaphore_mem>>)
      } else {
      }
      %add3A_229 = arith.constant 4 : i32
      %add3A_230 = arith.addi %mul3A_149, %add3A_229 : i32
      %dma_wait3A_231 = arith.constant 4 : i32
      %dma_wait3A_232 = arith.constant 0 : i32
      %dma_wait3A_233 = arith.constant 0 : i32
      %dma_wait3A_234 = tpu.memref_slice %arg9[%dma_wait3A_231, %dma_wait3A_232, %dma_wait3A_233] : memref<5x40x128xf32, #tpu.memory_space<vmem>> -> memref<1x40x128xf32, #tpu.memory_space<vmem>>
      %dma_wait3A_235 = tpu.memref_squeeze %dma_wait3A_234 : memref<1x40x128xf32, #tpu.memory_space<vmem>> -> memref<40x128xf32, #tpu.memory_space<vmem>>
      %dma_wait3A_236 = arith.constant 0 : i32
      %dma_wait3A_237 = tpu.memref_slice %arg7[%add3A_230, %dma_wait3A_236] : memref<250x40xi32, #tpu.memory_space<vmem>> -> memref<1x40xi32, #tpu.memory_space<vmem>>
      %dma_wait3A_238 = tpu.memref_squeeze %dma_wait3A_237 : memref<1x40xi32, #tpu.memory_space<vmem>> -> memref<40xi32, #tpu.memory_space<vmem>>
      %dma_wait3A_239 = arith.constant 0 : i32
      %dma_wait3A_240 = arith.constant 0 : i32
      %dma_wait3A_241 = tpu.memref_slice %arg2[%dma_wait3A_239, %dma_wait3A_240] : memref<10000x128xf32, #tpu.memory_space<hbm>> -> memref<10000x128xf32, #tpu.memory_space<hbm>>
      tpu.wait_indirect_dma semaphore(%arg15 : memref<!tpu.dma_semaphore, #tpu.memory_space<semaphore_mem>>) src(%dma_wait3A_241 : memref<10000x128xf32, #tpu.memory_space<hbm>>) dst(%dma_wait3A_235 : memref<40x128xf32, #tpu.memory_space<vmem>>)
      %run_scoped3A_242 = arith.constant 4 : i32
      "tpu.region"() ({
        %run_scoped3A_249 = tpu.sem_alloc : memref<!tpu.dma_semaphore, #tpu.memory_space<semaphore_mem>>
        %dma_start3A_250 = arith.constant 0 : i32
        %dma_start3A_251 = arith.constant 0 : i32
        %dma_start3A_252 = tpu.memref_slice %arg9[%run_scoped3A_242, %dma_start3A_250, %dma_start3A_251] : memref<5x40x128xf32, #tpu.memory_space<vmem>> -> memref<1x40x128xf32, #tpu.memory_space<vmem>>
        %dma_start3A_253 = tpu.memref_squeeze %dma_start3A_252 : memref<1x40x128xf32, #tpu.memory_space<vmem>> -> memref<40x128xf32, #tpu.memory_space<vmem>>
        %dma_start3A_254 = arith.constant 0 : i32
        %dma_start3A_255 = tpu.memref_slice %arg8[%add3A_230, %dma_start3A_254] : memref<250x40xi32, #tpu.memory_space<vmem>> -> memref<1x40xi32, #tpu.memory_space<vmem>>
        %dma_start3A_256 = tpu.memref_squeeze %dma_start3A_255 : memref<1x40xi32, #tpu.memory_space<vmem>> -> memref<40xi32, #tpu.memory_space<vmem>>
        %dma_start3A_257 = arith.constant 0 : i32
        %dma_start3A_258 = arith.constant 0 : i32
        %dma_start3A_259 = tpu.memref_slice %arg6[%dma_start3A_257, %dma_start3A_258] : memref<10000x128xf32, #tpu.memory_space<vmem_shared>> -> memref<10000x128xf32, #tpu.memory_space<vmem_shared>>
        tpu.enqueue_indirect_dma source(%dma_start3A_253 : memref<40x128xf32, #tpu.memory_space<vmem>>) target(%dma_start3A_259 : memref<10000x128xf32, #tpu.memory_space<vmem_shared>>) offsets(%dma_start3A_256 : memref<40xi32, #tpu.memory_space<vmem>>) semaphore(%run_scoped3A_249 : memref<!tpu.dma_semaphore, #tpu.memory_space<semaphore_mem>>) {add = true}
        %dma_wait3A_260 = arith.constant 0 : i32
        %dma_wait3A_261 = arith.constant 0 : i32
        %dma_wait3A_262 = tpu.memref_slice %arg9[%run_scoped3A_242, %dma_wait3A_260, %dma_wait3A_261] : memref<5x40x128xf32, #tpu.memory_space<vmem>> -> memref<1x40x128xf32, #tpu.memory_space<vmem>>
        %dma_wait3A_263 = tpu.memref_squeeze %dma_wait3A_262 : memref<1x40x128xf32, #tpu.memory_space<vmem>> -> memref<40x128xf32, #tpu.memory_space<vmem>>
        %dma_wait3A_264 = arith.constant 0 : i32
        %dma_wait3A_265 = tpu.memref_slice %arg8[%add3A_230, %dma_wait3A_264] : memref<250x40xi32, #tpu.memory_space<vmem>> -> memref<1x40xi32, #tpu.memory_space<vmem>>
        %dma_wait3A_266 = tpu.memref_squeeze %dma_wait3A_265 : memref<1x40xi32, #tpu.memory_space<vmem>> -> memref<40xi32, #tpu.memory_space<vmem>>
        %dma_wait3A_267 = arith.constant 0 : i32
        %dma_wait3A_268 = arith.constant 0 : i32
        %dma_wait3A_269 = tpu.memref_slice %arg6[%dma_wait3A_267, %dma_wait3A_268] : memref<10000x128xf32, #tpu.memory_space<vmem_shared>> -> memref<10000x128xf32, #tpu.memory_space<vmem_shared>>
        tpu.wait_indirect_dma semaphore(%run_scoped3A_249 : memref<!tpu.dma_semaphore, #tpu.memory_space<semaphore_mem>>) src(%dma_wait3A_263 : memref<40x128xf32, #tpu.memory_space<vmem>>) dst(%dma_wait3A_269 : memref<10000x128xf32, #tpu.memory_space<vmem_shared>>)
        tpu.yield
      }) : () -> ()
      %add3A_243 = arith.constant 5 : i32
      %add3A_244 = arith.addi %add3A_230, %add3A_243 : i32
      %lt3A_245 = arith.cmpi slt, %add3A_244, %while3A_128 : i32
      %convert_element_type3A_246 = arith.extui %lt3A_245 : i1 to i32
      %cond3A_247 = arith.constant 0 : i32
      %cond3A_248 = arith.cmpi ne, %convert_element_type3A_246, %cond3A_247 : i32
      scf.if %cond3A_248 {
        %dma_start3A_249 = arith.constant 4 : i32
        %dma_start3A_250 = arith.constant 0 : i32
        %dma_start3A_251 = arith.constant 0 : i32
        %dma_start3A_252 = tpu.memref_slice %arg9[%dma_start3A_249, %dma_start3A_250, %dma_start3A_251] : memref<5x40x128xf32, #tpu.memory_space<vmem>> -> memref<1x40x128xf32, #tpu.memory_space<vmem>>
        %dma_start3A_253 = tpu.memref_squeeze %dma_start3A_252 : memref<1x40x128xf32, #tpu.memory_space<vmem>> -> memref<40x128xf32, #tpu.memory_space<vmem>>
        %dma_start3A_254 = arith.constant 0 : i32
        %dma_start3A_255 = tpu.memref_slice %arg7[%add3A_244, %dma_start3A_254] : memref<250x40xi32, #tpu.memory_space<vmem>> -> memref<1x40xi32, #tpu.memory_space<vmem>>
        %dma_start3A_256 = tpu.memref_squeeze %dma_start3A_255 : memref<1x40xi32, #tpu.memory_space<vmem>> -> memref<40xi32, #tpu.memory_space<vmem>>
        %dma_start3A_257 = arith.constant 0 : i32
        %dma_start3A_258 = arith.constant 0 : i32
        %dma_start3A_259 = tpu.memref_slice %arg2[%dma_start3A_257, %dma_start3A_258] : memref<10000x128xf32, #tpu.memory_space<hbm>> -> memref<10000x128xf32, #tpu.memory_space<hbm>>
        tpu.enqueue_indirect_dma source(%dma_start3A_259 : memref<10000x128xf32, #tpu.memory_space<hbm>>) target(%dma_start3A_253 : memref<40x128xf32, #tpu.memory_space<vmem>>) offsets(%dma_start3A_256 : memref<40xi32, #tpu.memory_space<vmem>>) semaphore(%arg15 : memref<!tpu.dma_semaphore, #tpu.memory_space<semaphore_mem>>)
      } else {
      }
    }
    %while3A_138 = arith.constant 1 : i32
    scf.for %while3A_147 = %while3A_136 to %while3A_132 step %while3A_138  : i32 {
      %mul3A_148 = arith.constant 5 : i32
      %mul3A_149 = arith.muli %while3A_147, %mul3A_148 : i32
      %add3A_150 = arith.constant 0 : i32
      %add3A_151 = arith.addi %mul3A_149, %add3A_150 : i32
      %dma_wait3A_152 = arith.constant 0 : i32
      %dma_wait3A_153 = arith.constant 0 : i32
      %dma_wait3A_154 = arith.constant 0 : i32
      %dma_wait3A_155 = tpu.memref_slice %arg9[%dma_wait3A_152, %dma_wait3A_153, %dma_wait3A_154] : memref<5x40x128xf32, #tpu.memory_space<vmem>> -> memref<1x40x128xf32, #tpu.memory_space<vmem>>
      %dma_wait3A_156 = tpu.memref_squeeze %dma_wait3A_155 : memref<1x40x128xf32, #tpu.memory_space<vmem>> -> memref<40x128xf32, #tpu.memory_space<vmem>>
      %dma_wait3A_157 = arith.constant 0 : i32
      %dma_wait3A_158 = tpu.memref_slice %arg7[%add3A_151, %dma_wait3A_157] : memref<250x40xi32, #tpu.memory_space<vmem>> -> memref<1x40xi32, #tpu.memory_space<vmem>>
      %dma_wait3A_159 = tpu.memref_squeeze %dma_wait3A_158 : memref<1x40xi32, #tpu.memory_space<vmem>> -> memref<40xi32, #tpu.memory_space<vmem>>
      %dma_wait3A_160 = arith.constant 0 : i32
      %dma_wait3A_161 = arith.constant 0 : i32
      %dma_wait3A_162 = tpu.memref_slice %arg2[%dma_wait3A_160, %dma_wait3A_161] : memref<10000x128xf32, #tpu.memory_space<hbm>> -> memref<10000x128xf32, #tpu.memory_space<hbm>>
      tpu.wait_indirect_dma semaphore(%arg11 : memref<!tpu.dma_semaphore, #tpu.memory_space<semaphore_mem>>) src(%dma_wait3A_162 : memref<10000x128xf32, #tpu.memory_space<hbm>>) dst(%dma_wait3A_156 : memref<40x128xf32, #tpu.memory_space<vmem>>)
      %run_scoped3A = arith.constant 0 : i32
      "tpu.region"() ({
        %run_scoped3A_249 = tpu.sem_alloc : memref<!tpu.dma_semaphore, #tpu.memory_space<semaphore_mem>>
        %dma_start3A_250 = arith.constant 0 : i32
        %dma_start3A_251 = arith.constant 0 : i32
        %dma_start3A_252 = tpu.memref_slice %arg9[%run_scoped3A, %dma_start3A_250, %dma_start3A_251] : memref<5x40x128xf32, #tpu.memory_space<vmem>> -> memref<1x40x128xf32, #tpu.memory_space<vmem>>
        %dma_start3A_253 = tpu.memref_squeeze %dma_start3A_252 : memref<1x40x128xf32, #tpu.memory_space<vmem>> -> memref<40x128xf32, #tpu.memory_space<vmem>>
        %dma_start3A_254 = arith.constant 0 : i32
        %dma_start3A_255 = tpu.memref_slice %arg8[%add3A_151, %dma_start3A_254] : memref<250x40xi32, #tpu.memory_space<vmem>> -> memref<1x40xi32, #tpu.memory_space<vmem>>
        %dma_start3A_256 = tpu.memref_squeeze %dma_start3A_255 : memref<1x40xi32, #tpu.memory_space<vmem>> -> memref<40xi32, #tpu.memory_space<vmem>>
        %dma_start3A_257 = arith.constant 0 : i32
        %dma_start3A_258 = arith.constant 0 : i32
        %dma_start3A_259 = tpu.memref_slice %arg6[%dma_start3A_257, %dma_start3A_258] : memref<10000x128xf32, #tpu.memory_space<vmem_shared>> -> memref<10000x128xf32, #tpu.memory_space<vmem_shared>>
        tpu.enqueue_indirect_dma source(%dma_start3A_253 : memref<40x128xf32, #tpu.memory_space<vmem>>) target(%dma_start3A_259 : memref<10000x128xf32, #tpu.memory_space<vmem_shared>>) offsets(%dma_start3A_256 : memref<40xi32, #tpu.memory_space<vmem>>) semaphore(%run_scoped3A_249 : memref<!tpu.dma_semaphore, #tpu.memory_space<semaphore_mem>>) {add = true}
        %dma_wait3A_260 = arith.constant 0 : i32
        %dma_wait3A_261 = arith.constant 0 : i32
        %dma_wait3A_262 = tpu.memref_slice %arg9[%run_scoped3A, %dma_wait3A_260, %dma_wait3A_261] : memref<5x40x128xf32, #tpu.memory_space<vmem>> -> memref<1x40x128xf32, #tpu.memory_space<vmem>>
        %dma_wait3A_263 = tpu.memref_squeeze %dma_wait3A_262 : memref<1x40x128xf32, #tpu.memory_space<vmem>> -> memref<40x128xf32, #tpu.memory_space<vmem>>
        %dma_wait3A_264 = arith.constant 0 : i32
        %dma_wait3A_265 = tpu.memref_slice %arg8[%add3A_151, %dma_wait3A_264] : memref<250x40xi32, #tpu.memory_space<vmem>> -> memref<1x40xi32, #tpu.memory_space<vmem>>
        %dma_wait3A_266 = tpu.memref_squeeze %dma_wait3A_265 : memref<1x40xi32, #tpu.memory_space<vmem>> -> memref<40xi32, #tpu.memory_space<vmem>>
        %dma_wait3A_267 = arith.constant 0 : i32
        %dma_wait3A_268 = arith.constant 0 : i32
        %dma_wait3A_269 = tpu.memref_slice %arg6[%dma_wait3A_267, %dma_wait3A_268] : memref<10000x128xf32, #tpu.memory_space<vmem_shared>> -> memref<10000x128xf32, #tpu.memory_space<vmem_shared>>
        tpu.wait_indirect_dma semaphore(%run_scoped3A_249 : memref<!tpu.dma_semaphore, #tpu.memory_space<semaphore_mem>>) src(%dma_wait3A_263 : memref<40x128xf32, #tpu.memory_space<vmem>>) dst(%dma_wait3A_269 : memref<10000x128xf32, #tpu.memory_space<vmem_shared>>)
        tpu.yield
      }) : () -> ()
      %add3A_163 = arith.constant 5 : i32
      %add3A_164 = arith.addi %add3A_151, %add3A_163 : i32
      %lt3A_165 = arith.cmpi slt, %add3A_164, %while3A_128 : i32
      %convert_element_type3A_166 = arith.extui %lt3A_165 : i1 to i32
      %cond3A_167 = arith.constant 0 : i32
      %cond3A_168 = arith.cmpi ne, %convert_element_type3A_166, %cond3A_167 : i32
      scf.if %cond3A_168 {
        %dma_start3A_249 = arith.constant 0 : i32
        %dma_start3A_250 = arith.constant 0 : i32
        %dma_start3A_251 = arith.constant 0 : i32
        %dma_start3A_252 = tpu.memref_slice %arg9[%dma_start3A_249, %dma_start3A_250, %dma_start3A_251] : memref<5x40x128xf32, #tpu.memory_space<vmem>> -> memref<1x40x128xf32, #tpu.memory_space<vmem>>
        %dma_start3A_253 = tpu.memref_squeeze %dma_start3A_252 : memref<1x40x128xf32, #tpu.memory_space<vmem>> -> memref<40x128xf32, #tpu.memory_space<vmem>>
        %dma_start3A_254 = arith.constant 0 : i32
        %dma_start3A_255 = tpu.memref_slice %arg7[%add3A_164, %dma_start3A_254] : memref<250x40xi32, #tpu.memory_space<vmem>> -> memref<1x40xi32, #tpu.memory_space<vmem>>
        %dma_start3A_256 = tpu.memref_squeeze %dma_start3A_255 : memref<1x40xi32, #tpu.memory_space<vmem>> -> memref<40xi32, #tpu.memory_space<vmem>>
        %dma_start3A_257 = arith.constant 0 : i32
        %dma_start3A_258 = arith.constant 0 : i32
        %dma_start3A_259 = tpu.memref_slice %arg2[%dma_start3A_257, %dma_start3A_258] : memref<10000x128xf32, #tpu.memory_space<hbm>> -> memref<10000x128xf32, #tpu.memory_space<hbm>>
        tpu.enqueue_indirect_dma source(%dma_start3A_259 : memref<10000x128xf32, #tpu.memory_space<hbm>>) target(%dma_start3A_253 : memref<40x128xf32, #tpu.memory_space<vmem>>) offsets(%dma_start3A_256 : memref<40xi32, #tpu.memory_space<vmem>>) semaphore(%arg11 : memref<!tpu.dma_semaphore, #tpu.memory_space<semaphore_mem>>)
      } else {
      }
      %add3A_169 = arith.constant 1 : i32
      %add3A_170 = arith.addi %mul3A_149, %add3A_169 : i32
      %dma_wait3A_171 = arith.constant 1 : i32
      %dma_wait3A_172 = arith.constant 0 : i32
      %dma_wait3A_173 = arith.constant 0 : i32
      %dma_wait3A_174 = tpu.memref_slice %arg9[%dma_wait3A_171, %dma_wait3A_172, %dma_wait3A_173] : memref<5x40x128xf32, #tpu.memory_space<vmem>> -> memref<1x40x128xf32, #tpu.memory_space<vmem>>
      %dma_wait3A_175 = tpu.memref_squeeze %dma_wait3A_174 : memref<1x40x128xf32, #tpu.memory_space<vmem>> -> memref<40x128xf32, #tpu.memory_space<vmem>>
      %dma_wait3A_176 = arith.constant 0 : i32
      %dma_wait3A_177 = tpu.memref_slice %arg7[%add3A_170, %dma_wait3A_176] : memref<250x40xi32, #tpu.memory_space<vmem>> -> memref<1x40xi32, #tpu.memory_space<vmem>>
      %dma_wait3A_178 = tpu.memref_squeeze %dma_wait3A_177 : memref<1x40xi32, #tpu.memory_space<vmem>> -> memref<40xi32, #tpu.memory_space<vmem>>
      %dma_wait3A_179 = arith.constant 0 : i32
      %dma_wait3A_180 = arith.constant 0 : i32
      %dma_wait3A_181 = tpu.memref_slice %arg2[%dma_wait3A_179, %dma_wait3A_180] : memref<10000x128xf32, #tpu.memory_space<hbm>> -> memref<10000x128xf32, #tpu.memory_space<hbm>>
      tpu.wait_indirect_dma semaphore(%arg12 : memref<!tpu.dma_semaphore, #tpu.memory_space<semaphore_mem>>) src(%dma_wait3A_181 : memref<10000x128xf32, #tpu.memory_space<hbm>>) dst(%dma_wait3A_175 : memref<40x128xf32, #tpu.memory_space<vmem>>)
      %run_scoped3A_182 = arith.constant 1 : i32
      "tpu.region"() ({
        %run_scoped3A_249 = tpu.sem_alloc : memref<!tpu.dma_semaphore, #tpu.memory_space<semaphore_mem>>
        %dma_start3A_250 = arith.constant 0 : i32
        %dma_start3A_251 = arith.constant 0 : i32
        %dma_start3A_252 = tpu.memref_slice %arg9[%run_scoped3A_182, %dma_start3A_250, %dma_start3A_251] : memref<5x40x128xf32, #tpu.memory_space<vmem>> -> memref<1x40x128xf32, #tpu.memory_space<vmem>>
        %dma_start3A_253 = tpu.memref_squeeze %dma_start3A_252 : memref<1x40x128xf32, #tpu.memory_space<vmem>> -> memref<40x128xf32, #tpu.memory_space<vmem>>
        %dma_start3A_254 = arith.constant 0 : i32
        %dma_start3A_255 = tpu.memref_slice %arg8[%add3A_170, %dma_start3A_254] : memref<250x40xi32, #tpu.memory_space<vmem>> -> memref<1x40xi32, #tpu.memory_space<vmem>>
        %dma_start3A_256 = tpu.memref_squeeze %dma_start3A_255 : memref<1x40xi32, #tpu.memory_space<vmem>> -> memref<40xi32, #tpu.memory_space<vmem>>
        %dma_start3A_257 = arith.constant 0 : i32
        %dma_start3A_258 = arith.constant 0 : i32
        %dma_start3A_259 = tpu.memref_slice %arg6[%dma_start3A_257, %dma_start3A_258] : memref<10000x128xf32, #tpu.memory_space<vmem_shared>> -> memref<10000x128xf32, #tpu.memory_space<vmem_shared>>
        tpu.enqueue_indirect_dma source(%dma_start3A_253 : memref<40x128xf32, #tpu.memory_space<vmem>>) target(%dma_start3A_259 : memref<10000x128xf32, #tpu.memory_space<vmem_shared>>) offsets(%dma_start3A_256 : memref<40xi32, #tpu.memory_space<vmem>>) semaphore(%run_scoped3A_249 : memref<!tpu.dma_semaphore, #tpu.memory_space<semaphore_mem>>) {add = true}
        %dma_wait3A_260 = arith.constant 0 : i32
        %dma_wait3A_261 = arith.constant 0 : i32
        %dma_wait3A_262 = tpu.memref_slice %arg9[%run_scoped3A_182, %dma_wait3A_260, %dma_wait3A_261] : memref<5x40x128xf32, #tpu.memory_space<vmem>> -> memref<1x40x128xf32, #tpu.memory_space<vmem>>
        %dma_wait3A_263 = tpu.memref_squeeze %dma_wait3A_262 : memref<1x40x128xf32, #tpu.memory_space<vmem>> -> memref<40x128xf32, #tpu.memory_space<vmem>>
        %dma_wait3A_264 = arith.constant 0 : i32
        %dma_wait3A_265 = tpu.memref_slice %arg8[%add3A_170, %dma_wait3A_264] : memref<250x40xi32, #tpu.memory_space<vmem>> -> memref<1x40xi32, #tpu.memory_space<vmem>>
        %dma_wait3A_266 = tpu.memref_squeeze %dma_wait3A_265 : memref<1x40xi32, #tpu.memory_space<vmem>> -> memref<40xi32, #tpu.memory_space<vmem>>
        %dma_wait3A_267 = arith.constant 0 : i32
        %dma_wait3A_268 = arith.constant 0 : i32
        %dma_wait3A_269 = tpu.memref_slice %arg6[%dma_wait3A_267, %dma_wait3A_268] : memref<10000x128xf32, #tpu.memory_space<vmem_shared>> -> memref<10000x128xf32, #tpu.memory_space<vmem_shared>>
        tpu.wait_indirect_dma semaphore(%run_scoped3A_249 : memref<!tpu.dma_semaphore, #tpu.memory_space<semaphore_mem>>) src(%dma_wait3A_263 : memref<40x128xf32, #tpu.memory_space<vmem>>) dst(%dma_wait3A_269 : memref<10000x128xf32, #tpu.memory_space<vmem_shared>>)
        tpu.yield
      }) : () -> ()
      %add3A_183 = arith.constant 5 : i32
      %add3A_184 = arith.addi %add3A_170, %add3A_183 : i32
      %lt3A_185 = arith.cmpi slt, %add3A_184, %while3A_128 : i32
      %convert_element_type3A_186 = arith.extui %lt3A_185 : i1 to i32
      %cond3A_187 = arith.constant 0 : i32
      %cond3A_188 = arith.cmpi ne, %convert_element_type3A_186, %cond3A_187 : i32
      scf.if %cond3A_188 {
        %dma_start3A_249 = arith.constant 1 : i32
        %dma_start3A_250 = arith.constant 0 : i32
        %dma_start3A_251 = arith.constant 0 : i32
        %dma_start3A_252 = tpu.memref_slice %arg9[%dma_start3A_249, %dma_start3A_250, %dma_start3A_251] : memref<5x40x128xf32, #tpu.memory_space<vmem>> -> memref<1x40x128xf32, #tpu.memory_space<vmem>>
        %dma_start3A_253 = tpu.memref_squeeze %dma_start3A_252 : memref<1x40x128xf32, #tpu.memory_space<vmem>> -> memref<40x128xf32, #tpu.memory_space<vmem>>
        %dma_start3A_254 = arith.constant 0 : i32
        %dma_start3A_255 = tpu.memref_slice %arg7[%add3A_184, %dma_start3A_254] : memref<250x40xi32, #tpu.memory_space<vmem>> -> memref<1x40xi32, #tpu.memory_space<vmem>>
        %dma_start3A_256 = tpu.memref_squeeze %dma_start3A_255 : memref<1x40xi32, #tpu.memory_space<vmem>> -> memref<40xi32, #tpu.memory_space<vmem>>
        %dma_start3A_257 = arith.constant 0 : i32
        %dma_start3A_258 = arith.constant 0 : i32
        %dma_start3A_259 = tpu.memref_slice %arg2[%dma_start3A_257, %dma_start3A_258] : memref<10000x128xf32, #tpu.memory_space<hbm>> -> memref<10000x128xf32, #tpu.memory_space<hbm>>
        tpu.enqueue_indirect_dma source(%dma_start3A_259 : memref<10000x128xf32, #tpu.memory_space<hbm>>) target(%dma_start3A_253 : memref<40x128xf32, #tpu.memory_space<vmem>>) offsets(%dma_start3A_256 : memref<40xi32, #tpu.memory_space<vmem>>) semaphore(%arg12 : memref<!tpu.dma_semaphore, #tpu.memory_space<semaphore_mem>>)
      } else {
      }
      %add3A_189 = arith.constant 2 : i32
      %add3A_190 = arith.addi %mul3A_149, %add3A_189 : i32
      %dma_wait3A_191 = arith.constant 2 : i32
      %dma_wait3A_192 = arith.constant 0 : i32
      %dma_wait3A_193 = arith.constant 0 : i32
      %dma_wait3A_194 = tpu.memref_slice %arg9[%dma_wait3A_191, %dma_wait3A_192, %dma_wait3A_193] : memref<5x40x128xf32, #tpu.memory_space<vmem>> -> memref<1x40x128xf32, #tpu.memory_space<vmem>>
      %dma_wait3A_195 = tpu.memref_squeeze %dma_wait3A_194 : memref<1x40x128xf32, #tpu.memory_space<vmem>> -> memref<40x128xf32, #tpu.memory_space<vmem>>
      %dma_wait3A_196 = arith.constant 0 : i32
      %dma_wait3A_197 = tpu.memref_slice %arg7[%add3A_190, %dma_wait3A_196] : memref<250x40xi32, #tpu.memory_space<vmem>> -> memref<1x40xi32, #tpu.memory_space<vmem>>
      %dma_wait3A_198 = tpu.memref_squeeze %dma_wait3A_197 : memref<1x40xi32, #tpu.memory_space<vmem>> -> memref<40xi32, #tpu.memory_space<vmem>>
      %dma_wait3A_199 = arith.constant 0 : i32
      %dma_wait3A_200 = arith.constant 0 : i32
      %dma_wait3A_201 = tpu.memref_slice %arg2[%dma_wait3A_199, %dma_wait3A_200] : memref<10000x128xf32, #tpu.memory_space<hbm>> -> memref<10000x128xf32, #tpu.memory_space<hbm>>
      tpu.wait_indirect_dma semaphore(%arg13 : memref<!tpu.dma_semaphore, #tpu.memory_space<semaphore_mem>>) src(%dma_wait3A_201 : memref<10000x128xf32, #tpu.memory_space<hbm>>) dst(%dma_wait3A_195 : memref<40x128xf32, #tpu.memory_space<vmem>>)
      %run_scoped3A_202 = arith.constant 2 : i32
      "tpu.region"() ({
        %run_scoped3A_249 = tpu.sem_alloc : memref<!tpu.dma_semaphore, #tpu.memory_space<semaphore_mem>>
        %dma_start3A_250 = arith.constant 0 : i32
        %dma_start3A_251 = arith.constant 0 : i32
        %dma_start3A_252 = tpu.memref_slice %arg9[%run_scoped3A_202, %dma_start3A_250, %dma_start3A_251] : memref<5x40x128xf32, #tpu.memory_space<vmem>> -> memref<1x40x128xf32, #tpu.memory_space<vmem>>
        %dma_start3A_253 = tpu.memref_squeeze %dma_start3A_252 : memref<1x40x128xf32, #tpu.memory_space<vmem>> -> memref<40x128xf32, #tpu.memory_space<vmem>>
        %dma_start3A_254 = arith.constant 0 : i32
        %dma_start3A_255 = tpu.memref_slice %arg8[%add3A_190, %dma_start3A_254] : memref<250x40xi32, #tpu.memory_space<vmem>> -> memref<1x40xi32, #tpu.memory_space<vmem>>
        %dma_start3A_256 = tpu.memref_squeeze %dma_start3A_255 : memref<1x40xi32, #tpu.memory_space<vmem>> -> memref<40xi32, #tpu.memory_space<vmem>>
        %dma_start3A_257 = arith.constant 0 : i32
        %dma_start3A_258 = arith.constant 0 : i32
        %dma_start3A_259 = tpu.memref_slice %arg6[%dma_start3A_257, %dma_start3A_258] : memref<10000x128xf32, #tpu.memory_space<vmem_shared>> -> memref<10000x128xf32, #tpu.memory_space<vmem_shared>>
        tpu.enqueue_indirect_dma source(%dma_start3A_253 : memref<40x128xf32, #tpu.memory_space<vmem>>) target(%dma_start3A_259 : memref<10000x128xf32, #tpu.memory_space<vmem_shared>>) offsets(%dma_start3A_256 : memref<40xi32, #tpu.memory_space<vmem>>) semaphore(%run_scoped3A_249 : memref<!tpu.dma_semaphore, #tpu.memory_space<semaphore_mem>>) {add = true}
        %dma_wait3A_260 = arith.constant 0 : i32
        %dma_wait3A_261 = arith.constant 0 : i32
        %dma_wait3A_262 = tpu.memref_slice %arg9[%run_scoped3A_202, %dma_wait3A_260, %dma_wait3A_261] : memref<5x40x128xf32, #tpu.memory_space<vmem>> -> memref<1x40x128xf32, #tpu.memory_space<vmem>>
        %dma_wait3A_263 = tpu.memref_squeeze %dma_wait3A_262 : memref<1x40x128xf32, #tpu.memory_space<vmem>> -> memref<40x128xf32, #tpu.memory_space<vmem>>
        %dma_wait3A_264 = arith.constant 0 : i32
        %dma_wait3A_265 = tpu.memref_slice %arg8[%add3A_190, %dma_wait3A_264] : memref<250x40xi32, #tpu.memory_space<vmem>> -> memref<1x40xi32, #tpu.memory_space<vmem>>
        %dma_wait3A_266 = tpu.memref_squeeze %dma_wait3A_265 : memref<1x40xi32, #tpu.memory_space<vmem>> -> memref<40xi32, #tpu.memory_space<vmem>>
        %dma_wait3A_267 = arith.constant 0 : i32
        %dma_wait3A_268 = arith.constant 0 : i32
        %dma_wait3A_269 = tpu.memref_slice %arg6[%dma_wait3A_267, %dma_wait3A_268] : memref<10000x128xf32, #tpu.memory_space<vmem_shared>> -> memref<10000x128xf32, #tpu.memory_space<vmem_shared>>
        tpu.wait_indirect_dma semaphore(%run_scoped3A_249 : memref<!tpu.dma_semaphore, #tpu.memory_space<semaphore_mem>>) src(%dma_wait3A_263 : memref<40x128xf32, #tpu.memory_space<vmem>>) dst(%dma_wait3A_269 : memref<10000x128xf32, #tpu.memory_space<vmem_shared>>)
        tpu.yield
      }) : () -> ()
      %add3A_203 = arith.constant 5 : i32
      %add3A_204 = arith.addi %add3A_190, %add3A_203 : i32
      %lt3A_205 = arith.cmpi slt, %add3A_204, %while3A_128 : i32
      %convert_element_type3A_206 = arith.extui %lt3A_205 : i1 to i32
      %cond3A_207 = arith.constant 0 : i32
      %cond3A_208 = arith.cmpi ne, %convert_element_type3A_206, %cond3A_207 : i32
      scf.if %cond3A_208 {
        %dma_start3A_249 = arith.constant 2 : i32
        %dma_start3A_250 = arith.constant 0 : i32
        %dma_start3A_251 = arith.constant 0 : i32
        %dma_start3A_252 = tpu.memref_slice %arg9[%dma_start3A_249, %dma_start3A_250, %dma_start3A_251] : memref<5x40x128xf32, #tpu.memory_space<vmem>> -> memref<1x40x128xf32, #tpu.memory_space<vmem>>
        %dma_start3A_253 = tpu.memref_squeeze %dma_start3A_252 : memref<1x40x128xf32, #tpu.memory_space<vmem>> -> memref<40x128xf32, #tpu.memory_space<vmem>>
        %dma_start3A_254 = arith.constant 0 : i32
        %dma_start3A_255 = tpu.memref_slice %arg7[%add3A_204, %dma_start3A_254] : memref<250x40xi32, #tpu.memory_space<vmem>> -> memref<1x40xi32, #tpu.memory_space<vmem>>
        %dma_start3A_256 = tpu.memref_squeeze %dma_start3A_255 : memref<1x40xi32, #tpu.memory_space<vmem>> -> memref<40xi32, #tpu.memory_space<vmem>>
        %dma_start3A_257 = arith.constant 0 : i32
        %dma_start3A_258 = arith.constant 0 : i32
        %dma_start3A_259 = tpu.memref_slice %arg2[%dma_start3A_257, %dma_start3A_258] : memref<10000x128xf32, #tpu.memory_space<hbm>> -> memref<10000x128xf32, #tpu.memory_space<hbm>>
        tpu.enqueue_indirect_dma source(%dma_start3A_259 : memref<10000x128xf32, #tpu.memory_space<hbm>>) target(%dma_start3A_253 : memref<40x128xf32, #tpu.memory_space<vmem>>) offsets(%dma_start3A_256 : memref<40xi32, #tpu.memory_space<vmem>>) semaphore(%arg13 : memref<!tpu.dma_semaphore, #tpu.memory_space<semaphore_mem>>)
      } else {
      }
      %add3A_209 = arith.constant 3 : i32
      %add3A_210 = arith.addi %mul3A_149, %add3A_209 : i32
      %dma_wait3A_211 = arith.constant 3 : i32
      %dma_wait3A_212 = arith.constant 0 : i32
      %dma_wait3A_213 = arith.constant 0 : i32
      %dma_wait3A_214 = tpu.memref_slice %arg9[%dma_wait3A_211, %dma_wait3A_212, %dma_wait3A_213] : memref<5x40x128xf32, #tpu.memory_space<vmem>> -> memref<1x40x128xf32, #tpu.memory_space<vmem>>
      %dma_wait3A_215 = tpu.memref_squeeze %dma_wait3A_214 : memref<1x40x128xf32, #tpu.memory_space<vmem>> -> memref<40x128xf32, #tpu.memory_space<vmem>>
      %dma_wait3A_216 = arith.constant 0 : i32
      %dma_wait3A_217 = tpu.memref_slice %arg7[%add3A_210, %dma_wait3A_216] : memref<250x40xi32, #tpu.memory_space<vmem>> -> memref<1x40xi32, #tpu.memory_space<vmem>>
      %dma_wait3A_218 = tpu.memref_squeeze %dma_wait3A_217 : memref<1x40xi32, #tpu.memory_space<vmem>> -> memref<40xi32, #tpu.memory_space<vmem>>
      %dma_wait3A_219 = arith.constant 0 : i32
      %dma_wait3A_220 = arith.constant 0 : i32
      %dma_wait3A_221 = tpu.memref_slice %arg2[%dma_wait3A_219, %dma_wait3A_220] : memref<10000x128xf32, #tpu.memory_space<hbm>> -> memref<10000x128xf32, #tpu.memory_space<hbm>>
      tpu.wait_indirect_dma semaphore(%arg14 : memref<!tpu.dma_semaphore, #tpu.memory_space<semaphore_mem>>) src(%dma_wait3A_221 : memref<10000x128xf32, #tpu.memory_space<hbm>>) dst(%dma_wait3A_215 : memref<40x128xf32, #tpu.memory_space<vmem>>)
      %run_scoped3A_222 = arith.constant 3 : i32
      "tpu.region"() ({
        %run_scoped3A_249 = tpu.sem_alloc : memref<!tpu.dma_semaphore, #tpu.memory_space<semaphore_mem>>
        %dma_start3A_250 = arith.constant 0 : i32
        %dma_start3A_251 = arith.constant 0 : i32
        %dma_start3A_252 = tpu.memref_slice %arg9[%run_scoped3A_222, %dma_start3A_250, %dma_start3A_251] : memref<5x40x128xf32, #tpu.memory_space<vmem>> -> memref<1x40x128xf32, #tpu.memory_space<vmem>>
        %dma_start3A_253 = tpu.memref_squeeze %dma_start3A_252 : memref<1x40x128xf32, #tpu.memory_space<vmem>> -> memref<40x128xf32, #tpu.memory_space<vmem>>
        %dma_start3A_254 = arith.constant 0 : i32
        %dma_start3A_255 = tpu.memref_slice %arg8[%add3A_210, %dma_start3A_254] : memref<250x40xi32, #tpu.memory_space<vmem>> -> memref<1x40xi32, #tpu.memory_space<vmem>>
        %dma_start3A_256 = tpu.memref_squeeze %dma_start3A_255 : memref<1x40xi32, #tpu.memory_space<vmem>> -> memref<40xi32, #tpu.memory_space<vmem>>
        %dma_start3A_257 = arith.constant 0 : i32
        %dma_start3A_258 = arith.constant 0 : i32
        %dma_start3A_259 = tpu.memref_slice %arg6[%dma_start3A_257, %dma_start3A_258] : memref<10000x128xf32, #tpu.memory_space<vmem_shared>> -> memref<10000x128xf32, #tpu.memory_space<vmem_shared>>
        tpu.enqueue_indirect_dma source(%dma_start3A_253 : memref<40x128xf32, #tpu.memory_space<vmem>>) target(%dma_start3A_259 : memref<10000x128xf32, #tpu.memory_space<vmem_shared>>) offsets(%dma_start3A_256 : memref<40xi32, #tpu.memory_space<vmem>>) semaphore(%run_scoped3A_249 : memref<!tpu.dma_semaphore, #tpu.memory_space<semaphore_mem>>) {add = true}
        %dma_wait3A_260 = arith.constant 0 : i32
        %dma_wait3A_261 = arith.constant 0 : i32
        %dma_wait3A_262 = tpu.memref_slice %arg9[%run_scoped3A_222, %dma_wait3A_260, %dma_wait3A_261] : memref<5x40x128xf32, #tpu.memory_space<vmem>> -> memref<1x40x128xf32, #tpu.memory_space<vmem>>
        %dma_wait3A_263 = tpu.memref_squeeze %dma_wait3A_262 : memref<1x40x128xf32, #tpu.memory_space<vmem>> -> memref<40x128xf32, #tpu.memory_space<vmem>>
        %dma_wait3A_264 = arith.constant 0 : i32
        %dma_wait3A_265 = tpu.memref_slice %arg8[%add3A_210, %dma_wait3A_264] : memref<250x40xi32, #tpu.memory_space<vmem>> -> memref<1x40xi32, #tpu.memory_space<vmem>>
        %dma_wait3A_266 = tpu.memref_squeeze %dma_wait3A_265 : memref<1x40xi32, #tpu.memory_space<vmem>> -> memref<40xi32, #tpu.memory_space<vmem>>
        %dma_wait3A_267 = arith.constant 0 : i32
        %dma_wait3A_268 = arith.constant 0 : i32
        %dma_wait3A_269 = tpu.memref_slice %arg6[%dma_wait3A_267, %dma_wait3A_268] : memref<10000x128xf32, #tpu.memory_space<vmem_shared>> -> memref<10000x128xf32, #tpu.memory_space<vmem_shared>>
        tpu.wait_indirect_dma semaphore(%run_scoped3A_249 : memref<!tpu.dma_semaphore, #tpu.memory_space<semaphore_mem>>) src(%dma_wait3A_263 : memref<40x128xf32, #tpu.memory_space<vmem>>) dst(%dma_wait3A_269 : memref<10000x128xf32, #tpu.memory_space<vmem_shared>>)
        tpu.yield
      }) : () -> ()
      %add3A_223 = arith.constant 5 : i32
      %add3A_224 = arith.addi %add3A_210, %add3A_223 : i32
      %lt3A_225 = arith.cmpi slt, %add3A_224, %while3A_128 : i32
      %convert_element_type3A_226 = arith.extui %lt3A_225 : i1 to i32
      %cond3A_227 = arith.constant 0 : i32
      %cond3A_228 = arith.cmpi ne, %convert_element_type3A_226, %cond3A_227 : i32
      scf.if %cond3A_228 {
        %dma_start3A_249 = arith.constant 3 : i32
        %dma_start3A_250 = arith.constant 0 : i32
        %dma_start3A_251 = arith.constant 0 : i32
        %dma_start3A_252 = tpu.memref_slice %arg9[%dma_start3A_249, %dma_start3A_250, %dma_start3A_251] : memref<5x40x128xf32, #tpu.memory_space<vmem>> -> memref<1x40x128xf32, #tpu.memory_space<vmem>>
        %dma_start3A_253 = tpu.memref_squeeze %dma_start3A_252 : memref<1x40x128xf32, #tpu.memory_space<vmem>> -> memref<40x128xf32, #tpu.memory_space<vmem>>
        %dma_start3A_254 = arith.constant 0 : i32
        %dma_start3A_255 = tpu.memref_slice %arg7[%add3A_224, %dma_start3A_254] : memref<250x40xi32, #tpu.memory_space<vmem>> -> memref<1x40xi32, #tpu.memory_space<vmem>>
        %dma_start3A_256 = tpu.memref_squeeze %dma_start3A_255 : memref<1x40xi32, #tpu.memory_space<vmem>> -> memref<40xi32, #tpu.memory_space<vmem>>
        %dma_start3A_257 = arith.constant 0 : i32
        %dma_start3A_258 = arith.constant 0 : i32
        %dma_start3A_259 = tpu.memref_slice %arg2[%dma_start3A_257, %dma_start3A_258] : memref<10000x128xf32, #tpu.memory_space<hbm>> -> memref<10000x128xf32, #tpu.memory_space<hbm>>
        tpu.enqueue_indirect_dma source(%dma_start3A_259 : memref<10000x128xf32, #tpu.memory_space<hbm>>) target(%dma_start3A_253 : memref<40x128xf32, #tpu.memory_space<vmem>>) offsets(%dma_start3A_256 : memref<40xi32, #tpu.memory_space<vmem>>) semaphore(%arg14 : memref<!tpu.dma_semaphore, #tpu.memory_space<semaphore_mem>>)
      } else {
      }
      %add3A_229 = arith.constant 4 : i32
      %add3A_230 = arith.addi %mul3A_149, %add3A_229 : i32
      %dma_wait3A_231 = arith.constant 4 : i32
      %dma_wait3A_232 = arith.constant 0 : i32
      %dma_wait3A_233 = arith.constant 0 : i32
      %dma_wait3A_234 = tpu.memref_slice %arg9[%dma_wait3A_231, %dma_wait3A_232, %dma_wait3A_233] : memref<5x40x128xf32, #tpu.memory_space<vmem>> -> memref<1x40x128xf32, #tpu.memory_space<vmem>>
      %dma_wait3A_235 = tpu.memref_squeeze %dma_wait3A_234 : memref<1x40x128xf32, #tpu.memory_space<vmem>> -> memref<40x128xf32, #tpu.memory_space<vmem>>
      %dma_wait3A_236 = arith.constant 0 : i32
      %dma_wait3A_237 = tpu.memref_slice %arg7[%add3A_230, %dma_wait3A_236] : memref<250x40xi32, #tpu.memory_space<vmem>> -> memref<1x40xi32, #tpu.memory_space<vmem>>
      %dma_wait3A_238 = tpu.memref_squeeze %dma_wait3A_237 : memref<1x40xi32, #tpu.memory_space<vmem>> -> memref<40xi32, #tpu.memory_space<vmem>>
      %dma_wait3A_239 = arith.constant 0 : i32
      %dma_wait3A_240 = arith.constant 0 : i32
      %dma_wait3A_241 = tpu.memref_slice %arg2[%dma_wait3A_239, %dma_wait3A_240] : memref<10000x128xf32, #tpu.memory_space<hbm>> -> memref<10000x128xf32, #tpu.memory_space<hbm>>
      tpu.wait_indirect_dma semaphore(%arg15 : memref<!tpu.dma_semaphore, #tpu.memory_space<semaphore_mem>>) src(%dma_wait3A_241 : memref<10000x128xf32, #tpu.memory_space<hbm>>) dst(%dma_wait3A_235 : memref<40x128xf32, #tpu.memory_space<vmem>>)
      %run_scoped3A_242 = arith.constant 4 : i32
      "tpu.region"() ({
        %run_scoped3A_249 = tpu.sem_alloc : memref<!tpu.dma_semaphore, #tpu.memory_space<semaphore_mem>>
        %dma_start3A_250 = arith.constant 0 : i32
        %dma_start3A_251 = arith.constant 0 : i32
        %dma_start3A_252 = tpu.memref_slice %arg9[%run_scoped3A_242, %dma_start3A_250, %dma_start3A_251] : memref<5x40x128xf32, #tpu.memory_space<vmem>> -> memref<1x40x128xf32, #tpu.memory_space<vmem>>
        %dma_start3A_253 = tpu.memref_squeeze %dma_start3A_252 : memref<1x40x128xf32, #tpu.memory_space<vmem>> -> memref<40x128xf32, #tpu.memory_space<vmem>>
        %dma_start3A_254 = arith.constant 0 : i32
        %dma_start3A_255 = tpu.memref_slice %arg8[%add3A_230, %dma_start3A_254] : memref<250x40xi32, #tpu.memory_space<vmem>> -> memref<1x40xi32, #tpu.memory_space<vmem>>
        %dma_start3A_256 = tpu.memref_squeeze %dma_start3A_255 : memref<1x40xi32, #tpu.memory_space<vmem>> -> memref<40xi32, #tpu.memory_space<vmem>>
        %dma_start3A_257 = arith.constant 0 : i32
        %dma_start3A_258 = arith.constant 0 : i32
        %dma_start3A_259 = tpu.memref_slice %arg6[%dma_start3A_257, %dma_start3A_258] : memref<10000x128xf32, #tpu.memory_space<vmem_shared>> -> memref<10000x128xf32, #tpu.memory_space<vmem_shared>>
        tpu.enqueue_indirect_dma source(%dma_start3A_253 : memref<40x128xf32, #tpu.memory_space<vmem>>) target(%dma_start3A_259 : memref<10000x128xf32, #tpu.memory_space<vmem_shared>>) offsets(%dma_start3A_256 : memref<40xi32, #tpu.memory_space<vmem>>) semaphore(%run_scoped3A_249 : memref<!tpu.dma_semaphore, #tpu.memory_space<semaphore_mem>>) {add = true}
        %dma_wait3A_260 = arith.constant 0 : i32
        %dma_wait3A_261 = arith.constant 0 : i32
        %dma_wait3A_262 = tpu.memref_slice %arg9[%run_scoped3A_242, %dma_wait3A_260, %dma_wait3A_261] : memref<5x40x128xf32, #tpu.memory_space<vmem>> -> memref<1x40x128xf32, #tpu.memory_space<vmem>>
        %dma_wait3A_263 = tpu.memref_squeeze %dma_wait3A_262 : memref<1x40x128xf32, #tpu.memory_space<vmem>> -> memref<40x128xf32, #tpu.memory_space<vmem>>
        %dma_wait3A_264 = arith.constant 0 : i32
        %dma_wait3A_265 = tpu.memref_slice %arg8[%add3A_230, %dma_wait3A_264] : memref<250x40xi32, #tpu.memory_space<vmem>> -> memref<1x40xi32, #tpu.memory_space<vmem>>
        %dma_wait3A_266 = tpu.memref_squeeze %dma_wait3A_265 : memref<1x40xi32, #tpu.memory_space<vmem>> -> memref<40xi32, #tpu.memory_space<vmem>>
        %dma_wait3A_267 = arith.constant 0 : i32
        %dma_wait3A_268 = arith.constant 0 : i32
        %dma_wait3A_269 = tpu.memref_slice %arg6[%dma_wait3A_267, %dma_wait3A_268] : memref<10000x128xf32, #tpu.memory_space<vmem_shared>> -> memref<10000x128xf32, #tpu.memory_space<vmem_shared>>
        tpu.wait_indirect_dma semaphore(%run_scoped3A_249 : memref<!tpu.dma_semaphore, #tpu.memory_space<semaphore_mem>>) src(%dma_wait3A_263 : memref<40x128xf32, #tpu.memory_space<vmem>>) dst(%dma_wait3A_269 : memref<10000x128xf32, #tpu.memory_space<vmem_shared>>)
        tpu.yield
      }) : () -> ()
      %add3A_243 = arith.constant 5 : i32
      %add3A_244 = arith.addi %add3A_230, %add3A_243 : i32
      %lt3A_245 = arith.cmpi slt, %add3A_244, %while3A_128 : i32
      %convert_element_type3A_246 = arith.extui %lt3A_245 : i1 to i32
      %cond3A_247 = arith.constant 0 : i32
      %cond3A_248 = arith.cmpi ne, %convert_element_type3A_246, %cond3A_247 : i32
      scf.if %cond3A_248 {
        %dma_start3A_249 = arith.constant 4 : i32
        %dma_start3A_250 = arith.constant 0 : i32
        %dma_start3A_251 = arith.constant 0 : i32
        %dma_start3A_252 = tpu.memref_slice %arg9[%dma_start3A_249, %dma_start3A_250, %dma_start3A_251] : memref<5x40x128xf32, #tpu.memory_space<vmem>> -> memref<1x40x128xf32, #tpu.memory_space<vmem>>
        %dma_start3A_253 = tpu.memref_squeeze %dma_start3A_252 : memref<1x40x128xf32, #tpu.memory_space<vmem>> -> memref<40x128xf32, #tpu.memory_space<vmem>>
        %dma_start3A_254 = arith.constant 0 : i32
        %dma_start3A_255 = tpu.memref_slice %arg7[%add3A_244, %dma_start3A_254] : memref<250x40xi32, #tpu.memory_space<vmem>> -> memref<1x40xi32, #tpu.memory_space<vmem>>
        %dma_start3A_256 = tpu.memref_squeeze %dma_start3A_255 : memref<1x40xi32, #tpu.memory_space<vmem>> -> memref<40xi32, #tpu.memory_space<vmem>>
        %dma_start3A_257 = arith.constant 0 : i32
        %dma_start3A_258 = arith.constant 0 : i32
        %dma_start3A_259 = tpu.memref_slice %arg2[%dma_start3A_257, %dma_start3A_258] : memref<10000x128xf32, #tpu.memory_space<hbm>> -> memref<10000x128xf32, #tpu.memory_space<hbm>>
        tpu.enqueue_indirect_dma source(%dma_start3A_259 : memref<10000x128xf32, #tpu.memory_space<hbm>>) target(%dma_start3A_253 : memref<40x128xf32, #tpu.memory_space<vmem>>) offsets(%dma_start3A_256 : memref<40xi32, #tpu.memory_space<vmem>>) semaphore(%arg15 : memref<!tpu.dma_semaphore, #tpu.memory_space<semaphore_mem>>)
      } else {
      }
    }
    %barrier3A_139 = arith.constant 0 : index
    tpu.barrier barrier_id(%barrier3A_139)
    %lt3A = arith.constant 15 : i32
    %lt3A_140 = arith.cmpi slt, %arg1, %lt3A : i32
    %convert_element_type3A = arith.extui %lt3A_140 : i1 to i32
    %cond3A = arith.constant 0 : i32
    %cond3A_141 = arith.cmpi ne, %convert_element_type3A, %cond3A : i32
    scf.if %cond3A_141 {
      "tpu.region"() ({
        %run_scoped3A = tpu.sem_alloc : memref<!tpu.dma_semaphore, #tpu.memory_space<semaphore_mem>>
        %dma_start3A_147 = arith.constant 0 : i32
        %dma_start3A_148 = tpu.memref_slice %arg5[%arg0, %multiple_of3A, %dma_start3A_147] : memref<2x10000x128xf32, #tpu.memory_space<hbm>> -> memref<1x624x128xf32, #tpu.memory_space<hbm>>
        %dma_start3A_149 = tpu.memref_squeeze %dma_start3A_148 : memref<1x624x128xf32, #tpu.memory_space<hbm>> -> memref<624x128xf32, #tpu.memory_space<hbm>>
        %dma_start3A_150 = arith.constant 0 : i32
        %dma_start3A_151 = tpu.memref_slice %arg6[%multiple_of3A, %dma_start3A_150] : memref<10000x128xf32, #tpu.memory_space<vmem_shared>> -> memref<624x128xf32, #tpu.memory_space<vmem_shared>>
        tpu.enqueue_dma source(%dma_start3A_151 : memref<624x128xf32, #tpu.memory_space<vmem_shared>>) target(%dma_start3A_149 : memref<624x128xf32, #tpu.memory_space<hbm>>) target_semaphore(%run_scoped3A : memref<!tpu.dma_semaphore, #tpu.memory_space<semaphore_mem>>)
        %dma_wait3A_152 = arith.constant 0 : i32
        %dma_wait3A_153 = tpu.memref_slice %arg5[%arg0, %multiple_of3A, %dma_wait3A_152] : memref<2x10000x128xf32, #tpu.memory_space<hbm>> -> memref<1x624x128xf32, #tpu.memory_space<hbm>>
        %dma_wait3A_154 = tpu.memref_squeeze %dma_wait3A_153 : memref<1x624x128xf32, #tpu.memory_space<hbm>> -> memref<624x128xf32, #tpu.memory_space<hbm>>
        %dma_wait3A_155 = arith.constant 0 : i32
        %dma_wait3A_156 = tpu.memref_slice %arg6[%multiple_of3A, %dma_wait3A_155] : memref<10000x128xf32, #tpu.memory_space<vmem_shared>> -> memref<624x128xf32, #tpu.memory_space<vmem_shared>>
        tpu.wait_dma2 semaphore(%run_scoped3A : memref<!tpu.dma_semaphore, #tpu.memory_space<semaphore_mem>>) src(%dma_wait3A_156 : memref<624x128xf32, #tpu.memory_space<vmem_shared>>) dst(%dma_wait3A_154 : memref<624x128xf32, #tpu.memory_space<hbm>>)
        tpu.yield
      }) : () -> ()
    } else {
    }
    %eq3A_142 = arith.constant 15 : i32
    %eq3A_143 = arith.cmpi eq, %arg1, %eq3A_142 : i32
    %convert_element_type3A_144 = arith.extui %eq3A_143 : i1 to i32
    %cond3A_145 = arith.constant 0 : i32
    %cond3A_146 = arith.cmpi ne, %convert_element_type3A_144, %cond3A_145 : i32
    scf.if %cond3A_146 {
      %multiple_of3A_147 = arith.constant 9360 : i32
      %multiple_of3A_148 = tpu.assume_multiple %multiple_of3A_147, 8 : i32
      "tpu.region"() ({
        %run_scoped3A = tpu.sem_alloc : memref<!tpu.dma_semaphore, #tpu.memory_space<semaphore_mem>>
        %dma_start3A_149 = arith.constant 0 : i32
        %dma_start3A_150 = tpu.memref_slice %arg5[%arg0, %multiple_of3A_148, %dma_start3A_149] : memref<2x10000x128xf32, #tpu.memory_space<hbm>> -> memref<1x640x128xf32, #tpu.memory_space<hbm>>
        %dma_start3A_151 = tpu.memref_squeeze %dma_start3A_150 : memref<1x640x128xf32, #tpu.memory_space<hbm>> -> memref<640x128xf32, #tpu.memory_space<hbm>>
        %dma_start3A_152 = arith.constant 0 : i32
        %dma_start3A_153 = tpu.memref_slice %arg6[%multiple_of3A_148, %dma_start3A_152] : memref<10000x128xf32, #tpu.memory_space<vmem_shared>> -> memref<640x128xf32, #tpu.memory_space<vmem_shared>>
        tpu.enqueue_dma source(%dma_start3A_153 : memref<640x128xf32, #tpu.memory_space<vmem_shared>>) target(%dma_start3A_151 : memref<640x128xf32, #tpu.memory_space<hbm>>) target_semaphore(%run_scoped3A : memref<!tpu.dma_semaphore, #tpu.memory_space<semaphore_mem>>)
        %dma_wait3A_154 = arith.constant 0 : i32
        %dma_wait3A_155 = tpu.memref_slice %arg5[%arg0, %multiple_of3A_148, %dma_wait3A_154] : memref<2x10000x128xf32, #tpu.memory_space<hbm>> -> memref<1x640x128xf32, #tpu.memory_space<hbm>>
        %dma_wait3A_156 = tpu.memref_squeeze %dma_wait3A_155 : memref<1x640x128xf32, #tpu.memory_space<hbm>> -> memref<640x128xf32, #tpu.memory_space<hbm>>
        %dma_wait3A_157 = arith.constant 0 : i32
        %dma_wait3A_158 = tpu.memref_slice %arg6[%multiple_of3A_148, %dma_wait3A_157] : memref<10000x128xf32, #tpu.memory_space<vmem_shared>> -> memref<640x128xf32, #tpu.memory_space<vmem_shared>>
        tpu.wait_dma2 semaphore(%run_scoped3A : memref<!tpu.dma_semaphore, #tpu.memory_space<semaphore_mem>>) src(%dma_wait3A_158 : memref<640x128xf32, #tpu.memory_space<vmem_shared>>) dst(%dma_wait3A_156 : memref<640x128xf32, #tpu.memory_space<hbm>>)
        tpu.yield
      }) : () -> ()
    } else {
    }
    return
  }
}

module attributes {stable_mosaic.version = 14 : i64} {
  func.func @body(%arg0: memref<32x20480xf32, #tpu.memory_space<vmem>>, %arg1: memref<10240x2xf32, #tpu.memory_space<vmem>>) attributes {dimension_semantics = [], scalar_prefetch = 0 : i64, scratch_operands = 0 : i64, tpu.core_type = #tpu.core_type<tc>} {
    %get3A = arith.constant 0 : index
    %get3A_0 = arith.constant 0 : index
    %get3A_1 = vector.load %arg0[%get3A, %get3A_0] : memref<32x20480xf32, #tpu.memory_space<vmem>>, vector<32x20480xf32>
    %slice3A = vector.extract_strided_slice %get3A_1 {offsets = [0, 0], sizes = [32, 10240], strides = [1, 1]} : vector<32x20480xf32> to vector<32x10240xf32>
    %reduce_sum3A = arith.constant dense<0.000000e+00> : vector<10240xf32>
    %reduce_sum3A_2 = vector.multi_reduction <add>, %slice3A, %reduce_sum3A [0] : vector<32x10240xf32> to vector<10240xf32>
    %add3A = arith.constant 1.000000e+00 : f32
    %add3A_3 = vector.broadcast %add3A : f32 to vector<10240xf32>
    %add3A_4 = arith.addf %reduce_sum3A_2, %add3A_3 : vector<10240xf32>
    %slice3A_5 = vector.extract_strided_slice %get3A_1 {offsets = [0, 10240], sizes = [32, 10240], strides = [1, 1]} : vector<32x20480xf32> to vector<32x10240xf32>
    %reduce_sum3A_6 = arith.constant dense<0.000000e+00> : vector<10240xf32>
    %reduce_sum3A_7 = vector.multi_reduction <add>, %slice3A_5, %reduce_sum3A_6 [0] : vector<32x10240xf32> to vector<10240xf32>
    %add3A_8 = arith.constant 1.000000e+00 : f32
    %add3A_9 = vector.broadcast %add3A_8 : f32 to vector<10240xf32>
    %add3A_10 = arith.addf %reduce_sum3A_7, %add3A_9 : vector<10240xf32>
    %stack3A = vector.shape_cast %add3A_4 : vector<10240xf32> to vector<1x10240xf32>
    %stack3A_11 = vector.shape_cast %add3A_10 : vector<10240xf32> to vector<1x10240xf32>
    %stack3A_12 = tpu.concatenate %stack3A, %stack3A_11 in 0 : vector<1x10240xf32>, vector<1x10240xf32> -> vector<2x10240xf32>
    %rsqrt3A = math.rsqrt %stack3A_12 : vector<2x10240xf32>
    %transpose3A = tpu.transpose %rsqrt3A, [1, 0] : vector<2x10240xf32> -> vector<10240x2xf32>
    %swap3A = arith.constant 0 : index
    %swap3A_13 = arith.constant 0 : index
    %swap3A_14 = vector.load %arg1[%swap3A, %swap3A_13] : memref<10240x2xf32, #tpu.memory_space<vmem>>, vector<10240x2xf32>
    tpu.vector_store %arg1[%swap3A, %swap3A_13], %transpose3A {strides = array<i32>} : memref<10240x2xf32, #tpu.memory_space<vmem>>, vector<10240x2xf32>,
    return
  }
}

module attributes {stable_mosaic.version = 14 : i64} {
  func.func @body(%arg0: i32, %arg1: memref<1000x128xf32, #tpu.memory_space<vmem>>, %arg2: memref<128x128xf32, #tpu.memory_space<vmem>>, %arg3: memref<1000x128xf32, #tpu.memory_space<vmem>>) attributes {dimension_semantics = [#tpu.dimension_semantics<arbitrary>], iteration_bounds = array<i64: 10>, scalar_prefetch = 0 : i64, scratch_operands = 0 : i64, tpu.core_type = #tpu.core_type<tc>, window_params = [{transform_indices = @transform_0, window_bounds = array<i64: 1000, 128>}, {pipeline_mode = #tpu.pipeline_mode<synchronous>, transform_indices = @transform_1, window_bounds = array<i64: 128, 128>}, {transform_indices = @transform_2, window_bounds = array<i64: 1000, 128>}]} {
    %get3A = arith.constant 0 : index
    %get3A_0 = arith.constant 0 : index
    %get3A_1 = vector.load %arg1[%get3A, %get3A_0] : memref<1000x128xf32, #tpu.memory_space<vmem>>, vector<1000x128xf32>
    %get3A_2 = arith.constant 0 : index
    %get3A_3 = arith.constant 0 : index
    %get3A_4 = vector.load %arg2[%get3A_2, %get3A_3] : memref<128x128xf32, #tpu.memory_space<vmem>>, vector<128x128xf32>
    %dot_general3A = arith.constant dense<0.000000e+00> : vector<1000x128xf32>
    %dot_general3A_5 = tpu.matmul %get3A_1, %get3A_4, %dot_general3A {dimension_numbers = #tpu.dot_dimension_numbers<[1], [0], [0], [1], [0, 0, 1, 1], [], []>, transpose_lhs_hint = false} : vector<1000x128xf32>, vector<128x128xf32>, vector<1000x128xf32> -> vector<1000x128xf32>
    %swap3A = arith.constant 0 : index
    %swap3A_6 = arith.constant 0 : index
    %swap3A_7 = vector.load %arg3[%swap3A, %swap3A_6] : memref<1000x128xf32, #tpu.memory_space<vmem>>, vector<1000x128xf32>
    tpu.vector_store %arg3[%swap3A, %swap3A_6], %dot_general3A_5 {strides = array<i32>} : memref<1000x128xf32, #tpu.memory_space<vmem>>, vector<1000x128xf32>,
    return
  }
  func.func @transform_0(%arg0: i32) -> (i32, i32) {
    %c0_i32 = arith.constant 0 : i32
    %c0_i32_0 = arith.constant 0 : i32
    return %arg0, %c0_i32 : i32, i32
  }
  func.func @transform_1(%arg0: i32) -> (i32, i32) {
    %c0_i32 = arith.constant 0 : i32
    %c0_i32_0 = arith.constant 0 : i32
    %c0_i32_1 = arith.constant 0 : i32
    return %c0_i32, %c0_i32_0 : i32, i32
  }
  func.func @transform_2(%arg0: i32) -> (i32, i32) {
    %c0_i32 = arith.constant 0 : i32
    %c0_i32_0 = arith.constant 0 : i32
    return %arg0, %c0_i32 : i32, i32
  }
}

module attributes {stable_mosaic.version = 14 : i64} {
  func.func @body(%arg0: i32, %arg1: memref<1000x128xf32, #tpu.memory_space<vmem>>, %arg2: memref<1000x2xf32, #tpu.memory_space<vmem>>, %arg3: memref<1000x128xf32, #tpu.memory_space<vmem>>) attributes {dimension_semantics = [#tpu.dimension_semantics<arbitrary>], iteration_bounds = array<i64: 10>, scalar_prefetch = 0 : i64, scratch_operands = 0 : i64, tpu.core_type = #tpu.core_type<tc>, window_params = [{transform_indices = @transform_0, window_bounds = array<i64: 1000, 128>}, {transform_indices = @transform_1, window_bounds = array<i64: 1000, 2>}, {transform_indices = @transform_2, window_bounds = array<i64: 1000, 128>}]} {
    %get3A = arith.constant 0 : index
    %get3A_0 = arith.constant 0 : index
    %get3A_1 = vector.load %arg1[%get3A, %get3A_0] : memref<1000x128xf32, #tpu.memory_space<vmem>>, vector<1000x128xf32>
    %get3A_2 = arith.constant 0 : index
    %get3A_3 = arith.constant 0 : index
    %get3A_4 = vector.load %arg2[%get3A_2, %get3A_3] : memref<1000x2xf32, #tpu.memory_space<vmem>>, vector<1000x2xf32>
    %slice3A = vector.extract_strided_slice %get3A_4 {offsets = [0, 0], sizes = [1000, 1], strides = [1, 1]} : vector<1000x2xf32> to vector<1000x1xf32>
    %mul3A = vector.broadcast %slice3A : vector<1000x1xf32> to vector<1000x128xf32>
    %mul3A_5 = arith.mulf %get3A_1, %mul3A : vector<1000x128xf32>
    %swap3A = arith.constant 0 : index
    %swap3A_6 = arith.constant 0 : index
    %swap3A_7 = vector.load %arg3[%swap3A, %swap3A_6] : memref<1000x128xf32, #tpu.memory_space<vmem>>, vector<1000x128xf32>
    tpu.vector_store %arg3[%swap3A, %swap3A_6], %mul3A_5 {strides = array<i32>} : memref<1000x128xf32, #tpu.memory_space<vmem>>, vector<1000x128xf32>,
    return
  }
  func.func @transform_0(%arg0: i32) -> (i32, i32) {
    %c0_i32 = arith.constant 0 : i32
    %c0_i32_0 = arith.constant 0 : i32
    return %arg0, %c0_i32 : i32, i32
  }
  func.func @transform_1(%arg0: i32) -> (i32, i32) {
    %c0_i32 = arith.constant 0 : i32
    %c0_i32_0 = arith.constant 0 : i32
    return %arg0, %c0_i32 : i32, i32
  }
  func.func @transform_2(%arg0: i32) -> (i32, i32) {
    %c0_i32 = arith.constant 0 : i32
    %c0_i32_0 = arith.constant 0 : i32
    return %arg0, %c0_i32 : i32, i32
  }
}

module attributes {stable_mosaic.version = 14 : i64} {
  func.func @body(%arg0: i32, %arg1: memref<2x1000x128xf32, #tpu.memory_space<vmem>>, %arg2: memref<1000x128xf32, #tpu.memory_space<vmem>>, %arg3: memref<1000x2xf32, #tpu.memory_space<vmem>>, %arg4: memref<128x128xf32, #tpu.memory_space<vmem>>, %arg5: memref<1x128xf32, #tpu.memory_space<vmem>>, %arg6: memref<1000x128xf32, #tpu.memory_space<vmem>>) attributes {dimension_semantics = [#tpu.dimension_semantics<arbitrary>], iteration_bounds = array<i64: 10>, scalar_prefetch = 0 : i64, scratch_operands = 0 : i64, tpu.core_type = #tpu.core_type<tc>, window_params = [{transform_indices = @transform_0, window_bounds = array<i64: 2, 1000, 128>}, {transform_indices = @transform_1, window_bounds = array<i64: 1000, 128>}, {transform_indices = @transform_2, window_bounds = array<i64: 1000, 2>}, {pipeline_mode = #tpu.pipeline_mode<synchronous>, transform_indices = @transform_3, window_bounds = array<i64: 128, 128>}, {pipeline_mode = #tpu.pipeline_mode<synchronous>, transform_indices = @transform_4, window_bounds = array<i64: 1, 128>}, {transform_indices = @transform_5, window_bounds = array<i64: 1000, 128>}]} {
    %get3A = arith.constant 0 : index
    %get3A_0 = arith.constant 0 : index
    %get3A_1 = vector.load %arg3[%get3A, %get3A_0] : memref<1000x2xf32, #tpu.memory_space<vmem>>, vector<1000x2xf32>
    %get3A_2 = arith.constant 0 : index
    %get3A_3 = arith.constant 0 : index
    %get3A_4 = arith.constant 0 : index
    %get3A_5 = vector.load %arg1[%get3A_2, %get3A_3, %get3A_4] : memref<2x1000x128xf32, #tpu.memory_space<vmem>>, vector<1x1000x128xf32>
    %get3A_6 = vector.shape_cast %get3A_5 : vector<1x1000x128xf32> to vector<1000x128xf32>
    %get3A_7 = arith.constant 1 : index
    %get3A_8 = arith.constant 0 : index
    %get3A_9 = arith.constant 0 : index
    %get3A_10 = vector.load %arg1[%get3A_7, %get3A_8, %get3A_9] : memref<2x1000x128xf32, #tpu.memory_space<vmem>>, vector<1x1000x128xf32>
    %get3A_11 = vector.shape_cast %get3A_10 : vector<1x1000x128xf32> to vector<1000x128xf32>
    %add3A = arith.addf %get3A_6, %get3A_11 : vector<1000x128xf32>
    %get3A_12 = arith.constant 0 : index
    %get3A_13 = arith.constant 0 : index
    %get3A_14 = vector.load %arg2[%get3A_12, %get3A_13] : memref<1000x128xf32, #tpu.memory_space<vmem>>, vector<1000x128xf32>
    %add3A_15 = arith.addf %add3A, %get3A_14 : vector<1000x128xf32>
    %slice3A = vector.extract_strided_slice %get3A_1 {offsets = [0, 1], sizes = [1000, 1], strides = [1, 1]} : vector<1000x2xf32> to vector<1000x1xf32>
    %mul3A = vector.broadcast %slice3A : vector<1000x1xf32> to vector<1000x128xf32>
    %mul3A_16 = arith.mulf %add3A_15, %mul3A : vector<1000x128xf32>
    %get3A_17 = arith.constant 0 : index
    %get3A_18 = arith.constant 0 : index
    %get3A_19 = vector.load %arg5[%get3A_17, %get3A_18] : memref<1x128xf32, #tpu.memory_space<vmem>>, vector<1x128xf32>
    %add3A_20 = vector.broadcast %get3A_19 : vector<1x128xf32> to vector<1000x128xf32>
    %add3A_21 = arith.addf %mul3A_16, %add3A_20 : vector<1000x128xf32>
    %max3A = arith.constant 0.000000e+00 : f32
    %max3A_22 = vector.broadcast %max3A : f32 to vector<1000x128xf32>
    %max3A_23 = arith.maximumf %add3A_21, %max3A_22 : vector<1000x128xf32>
    %get3A_24 = arith.constant 0 : index
    %get3A_25 = arith.constant 0 : index
    %get3A_26 = vector.load %arg4[%get3A_24, %get3A_25] : memref<128x128xf32, #tpu.memory_space<vmem>>, vector<128x128xf32>
    %dot_general3A = arith.constant dense<0.000000e+00> : vector<1000x128xf32>
    %dot_general3A_27 = tpu.matmul %max3A_23, %get3A_26, %dot_general3A {dimension_numbers = #tpu.dot_dimension_numbers<[1], [0], [0], [1], [0, 0, 1, 1], [], []>, transpose_lhs_hint = false} : vector<1000x128xf32>, vector<128x128xf32>, vector<1000x128xf32> -> vector<1000x128xf32>
    %slice3A_28 = vector.extract_strided_slice %get3A_1 {offsets = [0, 0], sizes = [1000, 1], strides = [1, 1]} : vector<1000x2xf32> to vector<1000x1xf32>
    %mul3A_29 = vector.broadcast %slice3A_28 : vector<1000x1xf32> to vector<1000x128xf32>
    %mul3A_30 = arith.mulf %dot_general3A_27, %mul3A_29 : vector<1000x128xf32>
    %swap3A = arith.constant 0 : index
    %swap3A_31 = arith.constant 0 : index
    %swap3A_32 = vector.load %arg6[%swap3A, %swap3A_31] : memref<1000x128xf32, #tpu.memory_space<vmem>>, vector<1000x128xf32>
    tpu.vector_store %arg6[%swap3A, %swap3A_31], %mul3A_30 {strides = array<i32>} : memref<1000x128xf32, #tpu.memory_space<vmem>>, vector<1000x128xf32>,
    return
  }
  func.func @transform_0(%arg0: i32) -> (i32, i32, i32) {
    %c0_i32 = arith.constant 0 : i32
    %c0_i32_0 = arith.constant 0 : i32
    %c0_i32_1 = arith.constant 0 : i32
    return %c0_i32, %arg0, %c0_i32_0 : i32, i32, i32
  }
  func.func @transform_1(%arg0: i32) -> (i32, i32) {
    %c0_i32 = arith.constant 0 : i32
    %c0_i32_0 = arith.constant 0 : i32
    return %arg0, %c0_i32 : i32, i32
  }
  func.func @transform_2(%arg0: i32) -> (i32, i32) {
    %c0_i32 = arith.constant 0 : i32
    %c0_i32_0 = arith.constant 0 : i32
    return %arg0, %c0_i32 : i32, i32
  }
  func.func @transform_3(%arg0: i32) -> (i32, i32) {
    %c0_i32 = arith.constant 0 : i32
    %c0_i32_0 = arith.constant 0 : i32
    %c0_i32_1 = arith.constant 0 : i32
    return %c0_i32, %c0_i32_0 : i32, i32
  }
  func.func @transform_4(%arg0: i32) -> (i32, i32) {
    %c0_i32 = arith.constant 0 : i32
    %c0_i32_0 = arith.constant 0 : i32
    %c0_i32_1 = arith.constant 0 : i32
    return %c0_i32, %c0_i32_0 : i32, i32
  }
  func.func @transform_5(%arg0: i32) -> (i32, i32) {
    %c0_i32 = arith.constant 0 : i32
    %c0_i32_0 = arith.constant 0 : i32
    return %arg0, %c0_i32 : i32, i32
  }
}

module attributes {stable_mosaic.version = 14 : i64} {
  func.func @body(%arg0: i32, %arg1: memref<2x1000x128xf32, #tpu.memory_space<vmem>>, %arg2: memref<1000x128xf32, #tpu.memory_space<vmem>>, %arg3: memref<1000x2xf32, #tpu.memory_space<vmem>>, %arg4: memref<128x40xf32, #tpu.memory_space<vmem>>, %arg5: memref<1x128xf32, #tpu.memory_space<vmem>>, %arg6: memref<1x40xf32, #tpu.memory_space<vmem>>, %arg7: memref<1000x40xi32, #tpu.memory_space<vmem>>, %arg8: memref<1000x40xi32, #tpu.memory_space<vmem>>) attributes {dimension_semantics = [#tpu.dimension_semantics<arbitrary>], iteration_bounds = array<i64: 10>, scalar_prefetch = 0 : i64, scratch_operands = 0 : i64, tpu.core_type = #tpu.core_type<tc>, window_params = [{transform_indices = @transform_0, window_bounds = array<i64: 2, 1000, 128>}, {transform_indices = @transform_1, window_bounds = array<i64: 1000, 128>}, {transform_indices = @transform_2, window_bounds = array<i64: 1000, 2>}, {pipeline_mode = #tpu.pipeline_mode<synchronous>, transform_indices = @transform_3, window_bounds = array<i64: 128, 40>}, {pipeline_mode = #tpu.pipeline_mode<synchronous>, transform_indices = @transform_4, window_bounds = array<i64: 1, 128>}, {pipeline_mode = #tpu.pipeline_mode<synchronous>, transform_indices = @transform_5, window_bounds = array<i64: 1, 40>}, {transform_indices = @transform_6, window_bounds = array<i64: 1000, 40>}, {transform_indices = @transform_7, window_bounds = array<i64: 1000, 40>}]} {
    %get3A = arith.constant 0 : index
    %get3A_0 = arith.constant 0 : index
    %get3A_1 = arith.constant 0 : index
    %get3A_2 = vector.load %arg1[%get3A, %get3A_0, %get3A_1] : memref<2x1000x128xf32, #tpu.memory_space<vmem>>, vector<1x1000x128xf32>
    %get3A_3 = vector.shape_cast %get3A_2 : vector<1x1000x128xf32> to vector<1000x128xf32>
    %get3A_4 = arith.constant 1 : index
    %get3A_5 = arith.constant 0 : index
    %get3A_6 = arith.constant 0 : index
    %get3A_7 = vector.load %arg1[%get3A_4, %get3A_5, %get3A_6] : memref<2x1000x128xf32, #tpu.memory_space<vmem>>, vector<1x1000x128xf32>
    %get3A_8 = vector.shape_cast %get3A_7 : vector<1x1000x128xf32> to vector<1000x128xf32>
    %add3A = arith.addf %get3A_3, %get3A_8 : vector<1000x128xf32>
    %get3A_9 = arith.constant 0 : index
    %get3A_10 = arith.constant 0 : index
    %get3A_11 = vector.load %arg2[%get3A_9, %get3A_10] : memref<1000x128xf32, #tpu.memory_space<vmem>>, vector<1000x128xf32>
    %add3A_12 = arith.addf %add3A, %get3A_11 : vector<1000x128xf32>
    %get3A_13 = arith.constant 0 : index
    %get3A_14 = arith.constant 0 : index
    %get3A_15 = vector.load %arg3[%get3A_13, %get3A_14] : memref<1000x2xf32, #tpu.memory_space<vmem>>, vector<1000x2xf32>
    %slice3A = vector.extract_strided_slice %get3A_15 {offsets = [0, 1], sizes = [1000, 1], strides = [1, 1]} : vector<1000x2xf32> to vector<1000x1xf32>
    %mul3A = vector.broadcast %slice3A : vector<1000x1xf32> to vector<1000x128xf32>
    %mul3A_16 = arith.mulf %add3A_12, %mul3A : vector<1000x128xf32>
    %get3A_17 = arith.constant 0 : index
    %get3A_18 = arith.constant 0 : index
    %get3A_19 = vector.load %arg5[%get3A_17, %get3A_18] : memref<1x128xf32, #tpu.memory_space<vmem>>, vector<1x128xf32>
    %add3A_20 = vector.broadcast %get3A_19 : vector<1x128xf32> to vector<1000x128xf32>
    %add3A_21 = arith.addf %mul3A_16, %add3A_20 : vector<1000x128xf32>
    %max3A = arith.constant 0.000000e+00 : f32
    %max3A_22 = vector.broadcast %max3A : f32 to vector<1000x128xf32>
    %max3A_23 = arith.maximumf %add3A_21, %max3A_22 : vector<1000x128xf32>
    %get3A_24 = arith.constant 0 : index
    %get3A_25 = arith.constant 0 : index
    %get3A_26 = vector.load %arg4[%get3A_24, %get3A_25] : memref<128x40xf32, #tpu.memory_space<vmem>>, vector<128x40xf32>
    %dot_general3A = arith.constant dense<0.000000e+00> : vector<1000x40xf32>
    %dot_general3A_27 = tpu.matmul %max3A_23, %get3A_26, %dot_general3A {dimension_numbers = #tpu.dot_dimension_numbers<[1], [0], [0], [1], [0, 0, 1, 1], [], []>, transpose_lhs_hint = false} : vector<1000x128xf32>, vector<128x40xf32>, vector<1000x40xf32> -> vector<1000x40xf32>
    %get3A_28 = arith.constant 0 : index
    %get3A_29 = arith.constant 0 : index
    %get3A_30 = vector.load %arg6[%get3A_28, %get3A_29] : memref<1x40xf32, #tpu.memory_space<vmem>>, vector<1x40xf32>
    %add3A_31 = vector.broadcast %get3A_30 : vector<1x40xf32> to vector<1000x40xf32>
    %add3A_32 = arith.addf %dot_general3A_27, %add3A_31 : vector<1000x40xf32>
    %reduce_max3A = arith.constant dense<0xFF800000> : vector<1000xf32>
    %reduce_max3A_33 = vector.multi_reduction <maximumf>, %add3A_32, %reduce_max3A [1] : vector<1000x40xf32> to vector<1000xf32>
    %broadcast_in_dim3A = vector.shape_cast %reduce_max3A_33 : vector<1000xf32> to vector<1000x1xf32>
    %sub3A = vector.broadcast %broadcast_in_dim3A : vector<1000x1xf32> to vector<1000x40xf32>
    %sub3A_34 = arith.subf %add3A_32, %sub3A : vector<1000x40xf32>
    %exp3A = math.exp %sub3A_34 : vector<1000x40xf32>
    %reduce_sum3A = arith.constant dense<0.000000e+00> : vector<1000xf32>
    %reduce_sum3A_35 = vector.multi_reduction <add>, %exp3A, %reduce_sum3A [1] : vector<1000x40xf32> to vector<1000xf32>
    %broadcast_in_dim3A_36 = vector.shape_cast %reduce_sum3A_35 : vector<1000xf32> to vector<1000x1xf32>
    %log3A = math.log %broadcast_in_dim3A_36 : vector<1000x1xf32>
    %add3A_37 = arith.addf %log3A, %broadcast_in_dim3A : vector<1000x1xf32>
    %sub3A_38 = vector.broadcast %add3A_37 : vector<1000x1xf32> to vector<1000x40xf32>
    %sub3A_39 = arith.subf %add3A_32, %sub3A_38 : vector<1000x40xf32>
    %bitcast_convert_type3A = tpu.bitcast %sub3A_39 : vector<1000x40xf32> -> vector<1000x40xi32>
    %and3A = arith.constant -2147483648 : i32
    %and3A_40 = vector.broadcast %and3A : i32 to vector<1000x40xi32>
    %and3A_41 = arith.andi %bitcast_convert_type3A, %and3A_40 : vector<1000x40xi32>
    %shift_right_logical3A = arith.constant 23 : i32
    %shift_right_logical3A_42 = vector.broadcast %shift_right_logical3A : i32 to vector<1000x40xi32>
    %shift_right_logical3A_43 = arith.shrui %bitcast_convert_type3A, %shift_right_logical3A_42 : vector<1000x40xi32>
    %and3A_44 = arith.constant 255 : i32
    %and3A_45 = vector.broadcast %and3A_44 : i32 to vector<1000x40xi32>
    %and3A_46 = arith.andi %shift_right_logical3A_43, %and3A_45 : vector<1000x40xi32>
    %and3A_47 = arith.constant 8388607 : i32
    %and3A_48 = vector.broadcast %and3A_47 : i32 to vector<1000x40xi32>
    %and3A_49 = arith.andi %bitcast_convert_type3A, %and3A_48 : vector<1000x40xi32>
    %add3A_50 = arith.constant 896 : i32
    %add3A_51 = vector.broadcast %add3A_50 : i32 to vector<1000x40xi32>
    %add3A_52 = arith.addi %and3A_46, %add3A_51 : vector<1000x40xi32>
    %shift_left3A = arith.constant 20 : i32
    %shift_left3A_53 = vector.broadcast %shift_left3A : i32 to vector<1000x40xi32>
    %shift_left3A_54 = arith.shli %add3A_52, %shift_left3A_53 : vector<1000x40xi32>
    %or3A = arith.ori %and3A_41, %shift_left3A_54 : vector<1000x40xi32>
    %shift_right_logical3A_55 = arith.constant 3 : i32
    %shift_right_logical3A_56 = vector.broadcast %shift_right_logical3A_55 : i32 to vector<1000x40xi32>
    %shift_right_logical3A_57 = arith.shrui %and3A_49, %shift_right_logical3A_56 : vector<1000x40xi32>
    %or3A_58 = arith.ori %or3A, %shift_right_logical3A_57 : vector<1000x40xi32>
    %shift_left3A_59 = arith.constant 29 : i32
    %shift_left3A_60 = vector.broadcast %shift_left3A_59 : i32 to vector<1000x40xi32>
    %shift_left3A_61 = arith.shli %and3A_49, %shift_left3A_60 : vector<1000x40xi32>
    %eq3A = arith.constant 0 : i32
    %eq3A_62 = vector.broadcast %eq3A : i32 to vector<1000x40xi32>
    %eq3A_63 = arith.cmpi eq, %and3A_46, %eq3A_62 : vector<1000x40xi32>
    %jit3A = arith.constant 0 : i32
    %broadcast_in_dim3A_64 = vector.broadcast %jit3A : i32 to vector<1000x40xi32>
    %select_n3A = arith.select %eq3A_63, %broadcast_in_dim3A_64, %shift_left3A_61 : vector<1000x40xi1>, vector<1000x40xi32>
    %swap3A = arith.constant 0 : index
    %swap3A_65 = arith.constant 0 : index
    %swap3A_66 = vector.load %arg7[%swap3A, %swap3A_65] : memref<1000x40xi32, #tpu.memory_space<vmem>>, vector<1000x40xi32>
    tpu.vector_store %arg7[%swap3A, %swap3A_65], %select_n3A {strides = array<i32>} : memref<1000x40xi32, #tpu.memory_space<vmem>>, vector<1000x40xi32>,
    %select_n3A_67 = arith.select %eq3A_63, %and3A_41, %or3A_58 : vector<1000x40xi1>, vector<1000x40xi32>
    %swap3A_68 = arith.constant 0 : index
    %swap3A_69 = arith.constant 0 : index
    %swap3A_70 = vector.load %arg8[%swap3A_68, %swap3A_69] : memref<1000x40xi32, #tpu.memory_space<vmem>>, vector<1000x40xi32>
    tpu.vector_store %arg8[%swap3A_68, %swap3A_69], %select_n3A_67 {strides = array<i32>} : memref<1000x40xi32, #tpu.memory_space<vmem>>, vector<1000x40xi32>,
    return
  }
  func.func @transform_0(%arg0: i32) -> (i32, i32, i32) {
    %c0_i32 = arith.constant 0 : i32
    %c0_i32_0 = arith.constant 0 : i32
    %c0_i32_1 = arith.constant 0 : i32
    return %c0_i32, %arg0, %c0_i32_0 : i32, i32, i32
  }
  func.func @transform_1(%arg0: i32) -> (i32, i32) {
    %c0_i32 = arith.constant 0 : i32
    %c0_i32_0 = arith.constant 0 : i32
    return %arg0, %c0_i32 : i32, i32
  }
  func.func @transform_2(%arg0: i32) -> (i32, i32) {
    %c0_i32 = arith.constant 0 : i32
    %c0_i32_0 = arith.constant 0 : i32
    return %arg0, %c0_i32 : i32, i32
  }
  func.func @transform_3(%arg0: i32) -> (i32, i32) {
    %c0_i32 = arith.constant 0 : i32
    %c0_i32_0 = arith.constant 0 : i32
    %c0_i32_1 = arith.constant 0 : i32
    return %c0_i32, %c0_i32_0 : i32, i32
  }
  func.func @transform_4(%arg0: i32) -> (i32, i32) {
    %c0_i32 = arith.constant 0 : i32
    %c0_i32_0 = arith.constant 0 : i32
    %c0_i32_1 = arith.constant 0 : i32
    return %c0_i32, %c0_i32_0 : i32, i32
  }
  func.func @transform_5(%arg0: i32) -> (i32, i32) {
    %c0_i32 = arith.constant 0 : i32
    %c0_i32_0 = arith.constant 0 : i32
    %c0_i32_1 = arith.constant 0 : i32
    return %c0_i32, %c0_i32_0 : i32, i32
  }
  func.func @transform_6(%arg0: i32) -> (i32, i32) {
    %c0_i32 = arith.constant 0 : i32
    %c0_i32_0 = arith.constant 0 : i32
    return %arg0, %c0_i32 : i32, i32
  }
  func.func @transform_7(%arg0: i32) -> (i32, i32) {
    %c0_i32 = arith.constant 0 : i32
    %c0_i32_0 = arith.constant 0 : i32
    return %arg0, %c0_i32 : i32, i32
  }
}

</mosaic_0001>

<sc_bundles>
// kernel: kernel.10.cloned.1.call-start
scs
__scs_entry_jumppad:
0x0: {  	(pc) =	sbr.rel $0x88, $3  }
0x1: {  	(tag) =	ssettag $0x0;
	lr =	simm.s32 $0x1  }
0x2: {  	[smem:$0x3F99] =	sst lr;
	_ =	strace $0xD0000000  }
0x3: {  	_ = 	snop  }
0x4: {  	_ = 	snop  }
0x5: {  	_ = 	snop  }
0x6: {  	_ = 	snop  }
0x7: {  	_ = 	snop  }
__scs_overlays_trampoline_lowered:
0x8: {  	[smem:$0x3FA8] =	sst s0  }
0x9: {  	[smem:$0x3FA9] =	sst s1  }
0xa: {  	[smem:$0x3FAA] =	sst s2  }
0xb: {  	[smem:$0x3FAB] =	sst s3  }
0xc: {  	[smem:$0x3FAC] =	sst s4  }
0xd: {  	[smem:$0x3FAD] =	sst s5  }
0xe: {  	[smem:$0x3FAE] =	sst s6  }
0xf: {  	[smem:$0x3FAF] =	sst s7  }
0x10: {  	[smem:$0x3FB0] =	sst s8  }
0x11: {  	[smem:$0x3FB1] =	sst s9;
	s0 =	simm.s32 @!p0 $0x0  }
0x12: {  	s1 =	sld [smem:$0x3F97];
	s0 =	simm.s32 @p0 $0x1  }
0x13: {  	[smem:$0x3FB2] =	sst s0;
	s0 =	simm.s32 @!p1 $0x0  }
0x14: {  	s2 =	sld [smem:$0x3F96];
	s0 =	simm.s32 @p1 $0x1  }
0x15: {  	[smem:$0x3FB3] =	sst s0;
	s0 =	simm.s32 @!p2 $0x0  }
0x16: {  	s3 =	sld [smem:$0x3FDB];
	s0 =	simm.s32 @p2 $0x1  }
0x17: {  	s4 =	simm.s32 $0x1BF5;
	[smem:$0x3FB5] =	sst s0  }
0x18: {  	s0 =	sld [smem:$0x3F98];
	_ =	swait.ge [sflag:s4], $0x0  }
0x19: {  	s7 =	sld [smem:$0x3F99]  }
0x1a: {  	s8 =	sadd.s32 $0xFFFFE003, lr  }
0x1b: {  	s9 =	sadd.s32 $0xFFFFFEF7, lr;
	s5 =	simm.s32 $0xFFFFFFFF;
	p2 =	slt.u32 s8, $0xFFFFF086  }
0x1c: {  	p1 =	slt.u32 s9, $0xF7A;
	s5 =	simm.s32 @!p2 $0x0  }
0x1d: {  	s5 =	simm.s32 @p1 $0x1;
	p0 =	seq.s32 s7, s2  }
0x1e: {  	s7 =	smul.u32 @!p0 $0xF7A, s2;
	p2 =	seq.s32 @!p0 s5, $0x0  }
0x1f: {  	s9 =	smul.u32 $0xF7A, s1;
	s8 =	simm.s32 @!p0 $0x1BF5;
	p2 =	por !p2, p0  }
0x20: {  	[sflag:s8] =	ssyncset.s32 @!p0 $0xFFFFF086;
	s6 =	sadd.s32 @!p0 s3, s7;
	s7 =	simm.s32 @!p0 $0x108  }
0x21: {  	s3 =	sadd.s32 s3, s9;
	s6 =	sadd.s32 @!p0 $0x88, s6;
	s7 =	simm.s32 @p2 $0x1082  }
0x22: {  	[simem:s7], [sflag:s8] =	dma.local @!p0 [hbm:s6], $0xF7A  }
0x23: {  	s9 =	sor.u32 $0xD0000000, s2;
	s6 =	simm.s32 $0x108;
	_ =	swait.ge @!p0 [sflag:s8], $0x0  }
0x24: {  	s3 =	sadd.s32 $0x88, s3;
	s6 =	simm.s32 @!p1 $0x1082;
	[sflag:s4] =	ssyncset.s32 $0xFFFFF086  }
0x25: {  	[simem:s6], [sflag:s4] =	dma.local [hbm:s3], $0xF7A  }
0x26: {  	[smem:$0x3F99] =	sst s1;
	(tag) =	ssettag s2;
	_ =	strace s9  }
0x27: {  	s1 =	sld [smem:$0x3FA9]  }
0x28: {  	s2 =	sld [smem:$0x3FAA]  }
0x29: {  	s4 =	sld [smem:$0x3FAC]  }
0x2a: {  	p0 =	seq.s32 s5, $0x0;
	s5 =	sld [smem:$0x3FAD]  }
0x2b: {  	s6 =	sld [smem:$0x3FAE]  }
0x2c: {  	s7 =	sld [smem:$0x3FAF]  }
0x2d: {  	s3 =	simm.s32 $0x108;
	s8 =	sld [smem:$0x3FB0]  }
0x2e: {  	s3 =	simm.s32 @!p0 $0x1082;
	s9 =	sld [smem:$0x3FB1]  }
0x2f: {  	lr =	sadd.s32 s0, s3;
	s0 =	sld [smem:$0x3FA8]  }
0x30: {  	s3 =	sld [smem:$0x3FAB]  }
0x31: {  	[smem:$0x3FB4] =	sst s10  }
0x32: {  	s10 =	sld [smem:$0x3FB2];
	_ =	sdelay $0x3  }
0x33: {  	p0 =	seq.s32 s10, $0x1;
	s10 =	sld [smem:$0x3FB4];
	_ =	sdelay $0x3  }
0x34: {  	[smem:$0x3FB4] =	sst s10  }
0x35: {  	s10 =	sld [smem:$0x3FB3];
	_ =	sdelay $0x3  }
0x36: {  	p1 =	seq.s32 s10, $0x1;
	s10 =	sld [smem:$0x3FB4];
	_ =	sdelay $0x3  }
0x37: {  	[smem:$0x3FB4] =	sst s10  }
0x38: {  	s10 =	sld [smem:$0x3FB5]  }
0x39: {  	_ = 	snop;
	(pc) =	sbr.ind lr, $3  }
0x3a: {  	_ = 	snop  }
0x3b: {  	_ = 	snop  }
0x3c: {  	p2 =	seq.s32 s10, $0x1;
	s10 =	sld [smem:$0x3FB4]  }
0x3d: {  	_ =	shalt  }
0x3e: {  	_ =	shalt  }
0x3f: {  	_ =	shalt  }
0x40: {  	_ =	shalt  }
0x41: {  	_ =	shalt  }
0x42: {  	_ =	shalt  }
0x43: {  	_ =	shalt  }
0x44: {  	_ =	shalt  }
0x45: {  	_ =	shalt  }
0x46: {  	_ =	shalt  }
0x47: {  	_ =	shalt  }
0x48: {  	_ =	shalt  }
0x49: {  	_ =	shalt  }
0x4a: {  	_ =	shalt  }
0x4b: {  	_ =	shalt  }
0x4c: {  	_ =	shalt  }
0x4d: {  	_ =	shalt  }
0x4e: {  	_ =	shalt  }
0x4f: {  	_ =	shalt  }
0x50: {  	_ =	shalt  }
0x51: {  	_ =	shalt  }
0x52: {  	_ =	shalt  }
0x53: {  	_ =	shalt  }
0x54: {  	_ =	shalt  }
0x55: {  	_ =	shalt  }
0x56: {  	_ =	shalt  }
0x57: {  	_ =	shalt  }
0x58: {  	_ =	shalt  }
0x59: {  	_ =	shalt  }
0x5a: {  	_ =	shalt  }
0x5b: {  	_ =	shalt  }
0x5c: {  	_ =	shalt  }
0x5d: {  	_ =	shalt  }
0x5e: {  	_ =	shalt  }
0x5f: {  	_ =	shalt  }
0x60: {  	_ =	shalt  }
0x61: {  	_ =	shalt  }
0x62: {  	_ =	shalt  }
0x63: {  	_ =	shalt  }
0x64: {  	_ =	shalt  }
0x65: {  	_ =	shalt  }
0x66: {  	_ =	shalt  }
0x67: {  	_ =	shalt  }
0x68: {  	_ =	shalt  }
0x69: {  	_ =	shalt  }
0x6a: {  	_ =	shalt  }
0x6b: {  	_ =	shalt  }
0x6c: {  	_ =	shalt  }
0x6d: {  	_ =	shalt  }
0x6e: {  	_ =	shalt  }
0x6f: {  	_ =	shalt  }
0x70: {  	_ =	shalt  }
0x71: {  	_ =	shalt  }
0x72: {  	_ =	shalt  }
0x73: {  	_ =	shalt  }
0x74: {  	_ =	shalt  }
0x75: {  	_ =	shalt  }
0x76: {  	_ =	shalt  }
0x77: {  	_ =	shalt  }
0x78: {  	_ =	shalt  }
0x79: {  	_ =	shalt  }
0x7a: {  	_ =	shalt  }
0x7b: {  	_ =	shalt  }
0x7c: {  	_ =	shalt  }
0x7d: {  	_ =	shalt  }
0x7e: {  	_ =	shalt  }
0x7f: {  	_ =	shalt  }
0x80: {  	_ =	shalt  }
0x81: {  	_ =	shalt  }
0x82: {  	_ =	shalt  }
0x83: {  	_ =	shalt  }
0x84: {  	_ =	shalt  }
0x85: {  	_ =	shalt  }
0x86: {  	_ =	shalt  }
0x87: {  	_ =	shalt  }
.Lfunc_end0:
.L_simem_size_0:
called_computation_lowered:
.L_overlay_start_0:
0x88: {  	s2 =	sld [smem:$0x3FD9]  }
0x89: {  	s3 =	sld [smem:$0x3FFE];
	_ =	sdelay $0x1  }
0x8a: {  	s1 =	srdreg.scid  }
0x8b: {  	s0 =	sand.u32 $0x1, s1  }
0x8c: {  	s17 =	sshll.u32 s0, $0xA;
	s2 =	sadd.s32 s3, s2  }
0x8d: {  	s2 =	sadd.s32 s2, s17  }
0x8e: {  	[smem:$0x3FC0] =	sst s2  }
0x8f: {  	_ = 	snop  }
0x90: {  	s2 =	sld [smem:$0x3FD0];
	(tm) =	ssettm $0x1  }
0x91: {  	s18 =	sld [smem:$0x3FFB];
	_ =	sdelay $0x3  }
0x92: {  	_ =	strace s18  }
0x93: {  	s3 =	sld [smem:$0x3FFC];
	_ =	sdelay $0x3  }
0x94: {  	_ =	strace s3  }
0x95: {  	s3 =	sld [smem:$0x3FFD];
	_ =	sdelay $0x3  }
0x96: {  	_ =	strace s3  }
0x97: {  	_ =	strace $0x8FFFFFFF  }
0x98: {  	s19 =	sld [smem:$0x3FDB];
	_ =	sdelay $0x1  }
0x99: {  	s4 =	simm.s32 $_scs_section_size  }
0x9a: {  	s5 =	simm.s32 $_size__tile_overlayer_lowered;
	s6 =	simm.s32 $_tile_overlayer_lowered  }
0x9b: {  	s22 =	simm.s32 $0x1BFF;
	s21 =	sshll.u32 s6, $0x1;
	s3 =	sadd.s32 s4, s19  }
0x9c: {  	s7 =	simm.s32 $0x0;
	s20 =	sshll.u32 s5, $0x1;
	s5 =	sadd.s32 s21, s3  }
0x9d: {  	[timem:s7], [sflag:s22] =	dma.local [hbm:s5], s20  }
0x9e: {  	_ =	swait.ge [sflag:s22], s20  }
0x9f: {  	s4 =	ssub.s32 $0x0, s20;
	[sflag:s22] =	ssyncset.done $0x0  }
0xa0: {  	[sflag:s22] =	ssyncadd.s32 s4;
	_ =	sdelay $0x1  }
0xa1: {  	s23 =	simm.s32 $0x1B8B  }
0xa2: {  	_ =	swait.ge [sflag:s23], $0x1  }
0xa3: {  	[sflag:s23] =	ssyncset.done $0x0  }
0xa4: {  	s25 =	simm.s32 $0x1B8E;
	s24 =	sld [smem:$0x3FFE];
	[sflag:s23] =	ssyncadd.s32 $0xFFFFFFFF  }
0xa5: {  	s26 =	simm.s32 $execute0_lowered;
	[smem:$0x3FD2] =	sst s25  }
0xa6: {  	s5 =	sshll.u32 s26, $0x1;
	_ =	strace $0x80000046;
	[dreg:$0x1] =	wrdreg $0xFFFFFFFF  }
0xa7: {  	s28 =	simm.s32 $_size_execute0_lowered;
	s3 =	sadd.s32 s3, s5;
	[dreg:$0x0] =	wrdreg $0x0  }
0xa8: {  	s5 =	sshll.u32 s28, $0x1;
	[dreg:$0x2] =	wrdreg s3  }
0xa9: {  	[dreg:$0x3] =	wrdreg s5  }
0xaa: {  	[dreg:$0x4] =	wrdreg $0xC0  }
0xab: {  	_ =	task [dreg:s7], $0x5FFFF  }
0xac: {  	[dreg:$0x1] =	wrdreg $0xFFFFFFFF  }
0xad: {  	[dreg:$0x0] =	wrdreg $0x60  }
0xae: {  	[dreg:$0x2] =	wrdreg s24  }
0xaf: {  	[dreg:$0x3] =	wrdreg s2  }
0xb0: {  	[dreg:$0x4] =	wrdreg $0x9  }
0xb1: {  	_ =	task.clear_ibuf [dreg:s7], $0x5FFFF;
	_ =	strace $0x90000046  }
0xb2: {  	s29 =	simm.s32 $0x9;
	_ =	strace $0x80000048  }
0xb3: {  	_ =	swait.ge [sflag:s29], $0x1  }
0xb4: {  	[sflag:s29] =	ssyncadd.s32 $0xFFFFFFFF  }
0xb5: {  	_ =	strace $0x90000048  }
0xb6: {  	_ =	sfence  }
0xb7: {  	s30 =	sld [smem:$0x0];
	_ =	sdelay $0x2  }
0xb8: {  	s31 =	sshll.u32 s1, $0xD;
	s1 =	sshrl.u32 s1, $0x2  }
0xb9: {  	s3 =	sand.u32 $0x4000, s31;
	s1 =	sadd.s32 s1, s30  }
0xba: {  	s0 =	sor.u32 s3, s0;
	s1 =	sshll.u32 s1, $0x11  }
0xbb: {  	s0 =	sor.u32 s1, s0  }
0xbc: {  	s0 =	sadd.s32 $0x8F2B, s0  }
0xbd: {  	[sflag:s0] =	ssyncadd.remote.s32 $0x1  }
0xbe: {  	_ =	sfence.sel $0xFFFF  }
0xbf: {  	[dreg:$0x0] =	wrdreg $0xFFFFFFFF;
	(pc) =	sbr.abs _section_cstart, $3  }
0xc0: {  	[dreg:$0x1] =	wrdreg $0xFFFFFFFF  }
0xc1: {  	_ =	task.clear_ibuf [dreg:s7], $0x2FFFF;
	_ =	strace $0x9FFFFFFF  }
0xc2: {  	(tm) =	ssettm $0x7FFFFFFF  }
0xc3: {  	_ =	shalt  }
tec
execute0_lowered:
.L_overlay_start_1:
0x0: {  	(tag) =	ssettag $0x1  }
0x1: {  	s0 =	srdreg.scid;
	s3 =	rddreg [dreg:$0x0]  }
0x2: {  	s5 =	rddreg [dreg:$0x1];
	s4 =	sand.u32 $0x1, s0  }
0x3: {  	s1 =	stileid.u32;
	s2 =	simm.s32 $0x0;
	s6 =	sshll.u32 s4, $0x4  }
0x4: {  	s9 =	simm.s32 $0x4E20;
	s10 =	simm.s32 $0x0;
	s6 =	sor.u32 s1, s6  }
0x5: {  	s0 =	rddreg [dreg:$0x2];
	s4 =	ssub.s32 $0x2, s4;
	s7 =	smul.u32 $0x4E2, s6  }
0x6: {  	[smem:$0x7FF] =	sst s2;
	s31 =	sshrl.u32 s4, $0x1;
	s6 =	smul.u32 $0xA00, s6  }
0x7: {  	_ =	strace $0x80000047;
	s8 =	ssub.s32 s4, s31;
	s7 =	sadd.s32 s7, s3  }
0x8: {  	s5 =	sadd.s32 s5, s6;
	s6 =	smax.u32 s8, $0x1;
	s8 =	simm.s32 $0x2710  }
0x9: {  	v0 =	vimm.f32 $0.0e+00;
	v1 =	vimm.f32 $1.000000000e+00;
	s3 =	sadd.s32 $0xBE00, s7;
	s4 =	sadd.s32 $0x2000, s7;
	s7 =	simm.s32 $0x1  }
.LBB2_1:
0xa: {  	[tilespmem:s2], [sflag:$0x1] =	stream.linear.gather [hbm4b:s3+s2], $0x2710, $0x38;
	[tilespmem:$0x9E20] =	vst v63  }
0xb: {  	_ =	swait.ge [sflag:s7], $0x2710  }
0xc: {  	[sflag:s7] =	ssyncset.done $0x0  }
0xd: {  	[sflag:s7] =	ssyncadd.s32 $0xFFFFD8F0  }
0xe: {  	[tilespmem:s8], [sflag:$0x1] =	stream.linear.gather [hbm4b:s4+s2], $0x2710, $0x38;
	[tilespmem:$0x9E20] =	vst v63  }
0xf: {  	_ =	swait.ge [sflag:s7], $0x2710  }
0x10: {  	[sflag:s7] =	ssyncset.done $0x0  }
0x11: {  	s11 =	simm.s32 $0x0;
	[sflag:s7] =	ssyncadd.s32 $0xFFFFD8F0  }
.LBB2_2:
0x12: {  	p0 =	sne.s32 s11, $0x13FC0  }
.Ltmp0:
0x13: {  	_ = 	snop;
	(pc) =	sbr.rel @p0 .LBB2_2-.Ltmp0, $3  }
0x14: {  	_ =	sdelay $0x1  }
0x15: {  	s12 =	sshra.s32 s11, $0x2  }
0x16: {  	s11 =	sadd.s32 $0x40, s11;
	[tilespmem:s12+$0x4E20] =	vst v0  }
0x17: {  	s12 =	simm.s32 $0x0;
	s11 =	simm.s32 $0x40  }
.LBB2_4:
0x18: {  	p0 =	sne.s32 s11, $0x9C00;
	v2 =	vld [tilespmem:s12+$0x2710]  }
0x19: {  	v3 =	vld [tilespmem:s12+$0x0];
	_ =	sdelay $0x3  }
0x1a: {  	v2 =	vadd.s32 $0x2800, v2  }
.Ltmp1:
0x1b: {  	(pc) =	sbr.rel @p0 .LBB2_4-.Ltmp1, $3  }
0x1c: {  	_ =	sdelay $0x1  }
0x1d: {  	[tilespmem:v3+s9+$0x0] =	vst.idx.add.f32.msk $0xffff, v1  }
0x1e: {  	s12 =	sshra.s32 s11, $0x2;
	s11 =	sadd.s32 $0x40, s11;
	[tilespmem:v2+s9+$0x0] =	vst.idx.add.f32.msk $0xffff, v1  }
0x1f: {  	v2 =	vld [tilespmem:s12+$0x2710]  }
0x20: {  	v3 =	vld [tilespmem:s12+$0x0];
	_ =	sdelay $0x3  }
0x21: {  	v2 =	vadd.s32 $0x2800, v2;
	_ =	sdelay $0x2  }
0x22: {  	s10 =	sadd.s32 $0x1, s10  }
0x23: {  	p0 =	sne.s32 s10, s6;
	[tilespmem:v3+s9+$0x0] =	vst.idx.add.f32.msk $0xffff, v1  }
.Ltmp2:
0x24: {  	[tilespmem:v2+s9+$0x0] =	vst.idx.add.f32.msk $0xffff, v1;
	(pc) =	sbr.rel @p0 .LBB2_1-.Ltmp2, $4  }
0x25: {  	[hbm4b:s5+s2] =	stream.linear.scatter [tilespmem:s9], [sflag:$0x1], $0x5000, $0x38;
	[tilespmem:$0x9E20] =	vst v63  }
0x26: {  	_ =	swait.ge [sflag:s7], $0x5000  }
0x27: {  	[sflag:s7] =	ssyncset.done $0x0  }
0x28: {  	[sflag:s7] =	ssyncadd.s32 $0xFFFFB000  }
0x29: {  	_ =	sfence.sel $0x180000  }
0x2a: {  	[bflag:$0x0] =	sbarrier.arrive $0xFFFF  }
0x2b: {  	p0 =	sne.s32 s1, $0x0;
	_ =	strace $0x90000047  }
0x2c: {  	s0 =	sadd.s32 @!p0 $0x100000, s0;
	[bflag:$0x2] =	sbarrier.arrive $0xFFFF  }
0x2d: {  	[sflag:s0] =	ssyncadd.tile.s32 @!p0 $0x1;
	_ =	shalt  }
.Lfunc_end2:
_tile_overlayer_lowered:
.L_overlay_start_2:
0x2e: {  	(tag) =	ssettag $0x2  }
0x2f: {  	s0 =	rddreg [dreg:$0x0];
	s2 =	stileid.u32  }
0x30: {  	s1 =	rddreg [dreg:$0x1];
	p0 =	sne.s32 s2, $0x0  }
0x31: {  	s3 =	rddreg [dreg:$0x2];
	[bflag:$0x3] =	sbarrier.arrive $0xFFFF;
	s2 =	simm.s32 @!p0 $0x1C01  }
0x32: {  	[timem:s3], [sflag:s2] =	dma.local @!p0 [hbm:s0], s1  }
0x33: {  	s0 =	simm.s32 @!p0 $0x1  }
0x34: {  	_ =	swait.ge @!p0 [sflag:s0], s1  }
0x35: {  	s1 =	ssub.s32 @!p0 $0x0, s1;
	[sflag:s0] =	ssyncset.done @!p0 $0x0  }
0x36: {  	[sflag:s0] =	ssyncadd.s32 @!p0 s1  }
0x37: {  	[bflag:$0x3] =	sbarrier.arrive $0xFFFF  }
0x38: {  	_ =	shalt  }

// kernel: kernel.13.cloned.1.call-start
scs
__scs_entry_jumppad:
0x0: {  	(pc) =	sbr.rel $0x88, $3  }
0x1: {  	(tag) =	ssettag $0x0;
	lr =	simm.s32 $0x1  }
0x2: {  	[smem:$0x3F99] =	sst lr;
	_ =	strace $0xD0000000  }
0x3: {  	_ = 	snop  }
0x4: {  	_ = 	snop  }
0x5: {  	_ = 	snop  }
0x6: {  	_ = 	snop  }
0x7: {  	_ = 	snop  }
__scs_overlays_trampoline_lowered:
0x8: {  	[smem:$0x3FA8] =	sst s0  }
0x9: {  	[smem:$0x3FA9] =	sst s1  }
0xa: {  	[smem:$0x3FAA] =	sst s2  }
0xb: {  	[smem:$0x3FAB] =	sst s3  }
0xc: {  	[smem:$0x3FAC] =	sst s4  }
0xd: {  	[smem:$0x3FAD] =	sst s5  }
0xe: {  	[smem:$0x3FAE] =	sst s6  }
0xf: {  	[smem:$0x3FAF] =	sst s7  }
0x10: {  	[smem:$0x3FB0] =	sst s8  }
0x11: {  	[smem:$0x3FB1] =	sst s9;
	s0 =	simm.s32 @!p0 $0x0  }
0x12: {  	s1 =	sld [smem:$0x3F97];
	s0 =	simm.s32 @p0 $0x1  }
0x13: {  	[smem:$0x3FB2] =	sst s0;
	s0 =	simm.s32 @!p1 $0x0  }
0x14: {  	s2 =	sld [smem:$0x3F96];
	s0 =	simm.s32 @p1 $0x1  }
0x15: {  	[smem:$0x3FB3] =	sst s0;
	s0 =	simm.s32 @!p2 $0x0  }
0x16: {  	s3 =	sld [smem:$0x3FDB];
	s0 =	simm.s32 @p2 $0x1  }
0x17: {  	s4 =	simm.s32 $0x1BF5;
	[smem:$0x3FB5] =	sst s0  }
0x18: {  	s0 =	sld [smem:$0x3F98];
	_ =	swait.ge [sflag:s4], $0x0  }
0x19: {  	s7 =	sld [smem:$0x3F99]  }
0x1a: {  	s8 =	sadd.s32 $0xFFFFE003, lr  }
0x1b: {  	s9 =	sadd.s32 $0xFFFFFEF7, lr;
	s5 =	simm.s32 $0xFFFFFFFF;
	p2 =	slt.u32 s8, $0xFFFFF086  }
0x1c: {  	p1 =	slt.u32 s9, $0xF7A;
	s5 =	simm.s32 @!p2 $0x0  }
0x1d: {  	s5 =	simm.s32 @p1 $0x1;
	p0 =	seq.s32 s7, s2  }
0x1e: {  	s7 =	smul.u32 @!p0 $0xF7A, s2;
	p2 =	seq.s32 @!p0 s5, $0x0  }
0x1f: {  	s9 =	smul.u32 $0xF7A, s1;
	s8 =	simm.s32 @!p0 $0x1BF5;
	p2 =	por !p2, p0  }
0x20: {  	[sflag:s8] =	ssyncset.s32 @!p0 $0xFFFFF086;
	s6 =	sadd.s32 @!p0 s3, s7;
	s7 =	simm.s32 @!p0 $0x108  }
0x21: {  	s3 =	sadd.s32 s3, s9;
	s6 =	sadd.s32 @!p0 $0x88, s6;
	s7 =	simm.s32 @p2 $0x1082  }
0x22: {  	[simem:s7], [sflag:s8] =	dma.local @!p0 [hbm:s6], $0xF7A  }
0x23: {  	s9 =	sor.u32 $0xD0000000, s2;
	s6 =	simm.s32 $0x108;
	_ =	swait.ge @!p0 [sflag:s8], $0x0  }
0x24: {  	s3 =	sadd.s32 $0x88, s3;
	s6 =	simm.s32 @!p1 $0x1082;
	[sflag:s4] =	ssyncset.s32 $0xFFFFF086  }
0x25: {  	[simem:s6], [sflag:s4] =	dma.local [hbm:s3], $0xF7A  }
0x26: {  	[smem:$0x3F99] =	sst s1;
	(tag) =	ssettag s2;
	_ =	strace s9  }
0x27: {  	s1 =	sld [smem:$0x3FA9]  }
0x28: {  	s2 =	sld [smem:$0x3FAA]  }
0x29: {  	s4 =	sld [smem:$0x3FAC]  }
0x2a: {  	p0 =	seq.s32 s5, $0x0;
	s5 =	sld [smem:$0x3FAD]  }
0x2b: {  	s6 =	sld [smem:$0x3FAE]  }
0x2c: {  	s7 =	sld [smem:$0x3FAF]  }
0x2d: {  	s3 =	simm.s32 $0x108;
	s8 =	sld [smem:$0x3FB0]  }
0x2e: {  	s3 =	simm.s32 @!p0 $0x1082;
	s9 =	sld [smem:$0x3FB1]  }
0x2f: {  	lr =	sadd.s32 s0, s3;
	s0 =	sld [smem:$0x3FA8]  }
0x30: {  	s3 =	sld [smem:$0x3FAB]  }
0x31: {  	[smem:$0x3FB4] =	sst s10  }
0x32: {  	s10 =	sld [smem:$0x3FB2];
	_ =	sdelay $0x3  }
0x33: {  	p0 =	seq.s32 s10, $0x1;
	s10 =	sld [smem:$0x3FB4];
	_ =	sdelay $0x3  }
0x34: {  	[smem:$0x3FB4] =	sst s10  }
0x35: {  	s10 =	sld [smem:$0x3FB3];
	_ =	sdelay $0x3  }
0x36: {  	p1 =	seq.s32 s10, $0x1;
	s10 =	sld [smem:$0x3FB4];
	_ =	sdelay $0x3  }
0x37: {  	[smem:$0x3FB4] =	sst s10  }
0x38: {  	s10 =	sld [smem:$0x3FB5]  }
0x39: {  	_ = 	snop;
	(pc) =	sbr.ind lr, $3  }
0x3a: {  	_ = 	snop  }
0x3b: {  	_ = 	snop  }
0x3c: {  	p2 =	seq.s32 s10, $0x1;
	s10 =	sld [smem:$0x3FB4]  }
0x3d: {  	_ =	shalt  }
0x3e: {  	_ =	shalt  }
0x3f: {  	_ =	shalt  }
0x40: {  	_ =	shalt  }
0x41: {  	_ =	shalt  }
0x42: {  	_ =	shalt  }
0x43: {  	_ =	shalt  }
0x44: {  	_ =	shalt  }
0x45: {  	_ =	shalt  }
0x46: {  	_ =	shalt  }
0x47: {  	_ =	shalt  }
0x48: {  	_ =	shalt  }
0x49: {  	_ =	shalt  }
0x4a: {  	_ =	shalt  }
0x4b: {  	_ =	shalt  }
0x4c: {  	_ =	shalt  }
0x4d: {  	_ =	shalt  }
0x4e: {  	_ =	shalt  }
0x4f: {  	_ =	shalt  }
0x50: {  	_ =	shalt  }
0x51: {  	_ =	shalt  }
0x52: {  	_ =	shalt  }
0x53: {  	_ =	shalt  }
0x54: {  	_ =	shalt  }
0x55: {  	_ =	shalt  }
0x56: {  	_ =	shalt  }
0x57: {  	_ =	shalt  }
0x58: {  	_ =	shalt  }
0x59: {  	_ =	shalt  }
0x5a: {  	_ =	shalt  }
0x5b: {  	_ =	shalt  }
0x5c: {  	_ =	shalt  }
0x5d: {  	_ =	shalt  }
0x5e: {  	_ =	shalt  }
0x5f: {  	_ =	shalt  }
0x60: {  	_ =	shalt  }
0x61: {  	_ =	shalt  }
0x62: {  	_ =	shalt  }
0x63: {  	_ =	shalt  }
0x64: {  	_ =	shalt  }
0x65: {  	_ =	shalt  }
0x66: {  	_ =	shalt  }
0x67: {  	_ =	shalt  }
0x68: {  	_ =	shalt  }
0x69: {  	_ =	shalt  }
0x6a: {  	_ =	shalt  }
0x6b: {  	_ =	shalt  }
0x6c: {  	_ =	shalt  }
0x6d: {  	_ =	shalt  }
0x6e: {  	_ =	shalt  }
0x6f: {  	_ =	shalt  }
0x70: {  	_ =	shalt  }
0x71: {  	_ =	shalt  }
0x72: {  	_ =	shalt  }
0x73: {  	_ =	shalt  }
0x74: {  	_ =	shalt  }
0x75: {  	_ =	shalt  }
0x76: {  	_ =	shalt  }
0x77: {  	_ =	shalt  }
0x78: {  	_ =	shalt  }
0x79: {  	_ =	shalt  }
0x7a: {  	_ =	shalt  }
0x7b: {  	_ =	shalt  }
0x7c: {  	_ =	shalt  }
0x7d: {  	_ =	shalt  }
0x7e: {  	_ =	shalt  }
0x7f: {  	_ =	shalt  }
0x80: {  	_ =	shalt  }
0x81: {  	_ =	shalt  }
0x82: {  	_ =	shalt  }
0x83: {  	_ =	shalt  }
0x84: {  	_ =	shalt  }
0x85: {  	_ =	shalt  }
0x86: {  	_ =	shalt  }
0x87: {  	_ =	shalt  }
.Lfunc_end0:
.L_simem_size_0:
called_computation.1_lowered:
.L_overlay_start_0:
0x88: {  	s2 =	sld [smem:$0x3FD9]  }
0x89: {  	s3 =	sld [smem:$0x3FFE];
	_ =	sdelay $0x1  }
0x8a: {  	s1 =	srdreg.scid  }
0x8b: {  	s0 =	sand.u32 $0x1, s1  }
0x8c: {  	s16 =	sshll.u32 s0, $0xA;
	s2 =	sadd.s32 s3, s2  }
0x8d: {  	s2 =	sadd.s32 s2, s16  }
0x8e: {  	[smem:$0x3FC0] =	sst s2  }
0x8f: {  	_ = 	snop  }
0x90: {  	(tm) =	ssettm $0x1  }
0x91: {  	s17 =	sld [smem:$0x3FFB];
	_ =	sdelay $0x3  }
0x92: {  	_ =	strace s17  }
0x93: {  	s2 =	sld [smem:$0x3FFC];
	_ =	sdelay $0x3  }
0x94: {  	_ =	strace s2  }
0x95: {  	s2 =	sld [smem:$0x3FFD];
	_ =	sdelay $0x3  }
0x96: {  	_ =	strace s2  }
0x97: {  	_ =	strace $0x8FFFFFFF  }
0x98: {  	s18 =	sld [smem:$0x3FDB];
	_ =	sdelay $0x1  }
0x99: {  	s19 =	simm.s32 $_scs_section_size  }
0x9a: {  	s4 =	simm.s32 $_size__tile_overlayer_lowered;
	s5 =	simm.s32 $_tile_overlayer_lowered  }
0x9b: {  	s22 =	simm.s32 $0x1BFF;
	s21 =	sshll.u32 s5, $0x1;
	s2 =	sadd.s32 s19, s18  }
0x9c: {  	s6 =	simm.s32 $0x0;
	s20 =	sshll.u32 s4, $0x1;
	s4 =	sadd.s32 s21, s2  }
0x9d: {  	[timem:s6], [sflag:s22] =	dma.local [hbm:s4], s20  }
0x9e: {  	_ =	swait.ge [sflag:s22], s20  }
0x9f: {  	s3 =	ssub.s32 $0x0, s20;
	[sflag:s22] =	ssyncset.done $0x0  }
0xa0: {  	[sflag:s22] =	ssyncadd.s32 s3;
	_ =	sdelay $0x1  }
0xa1: {  	s23 =	simm.s32 $0x1B8B  }
0xa2: {  	_ =	swait.ge [sflag:s23], $0x1  }
0xa3: {  	[sflag:s23] =	ssyncset.done $0x0  }
0xa4: {  	s25 =	simm.s32 $0x1B8E;
	s24 =	sld [smem:$0x3FFE];
	[sflag:s23] =	ssyncadd.s32 $0xFFFFFFFF  }
0xa5: {  	s26 =	simm.s32 $execute0_lowered;
	[smem:$0x3FD2] =	sst s25  }
0xa6: {  	s4 =	sshll.u32 s26, $0x1;
	_ =	strace $0x80000049;
	[dreg:$0x1] =	wrdreg $0xFFFFFFFF  }
0xa7: {  	s28 =	simm.s32 $_size_execute0_lowered;
	s2 =	sadd.s32 s2, s4;
	[dreg:$0x0] =	wrdreg $0x0  }
0xa8: {  	s4 =	sshll.u32 s28, $0x1;
	[dreg:$0x2] =	wrdreg s2  }
0xa9: {  	[dreg:$0x3] =	wrdreg s4  }
0xaa: {  	[dreg:$0x4] =	wrdreg $0xC0  }
0xab: {  	_ =	task [dreg:s6], $0x5FFFF  }
0xac: {  	[dreg:$0x1] =	wrdreg $0xFFFFFFFF  }
0xad: {  	[dreg:$0x0] =	wrdreg $0x60  }
0xae: {  	[dreg:$0x2] =	wrdreg s24  }
0xaf: {  	[dreg:$0x3] =	wrdreg $0x0  }
0xb0: {  	[dreg:$0x4] =	wrdreg $0x9  }
0xb1: {  	_ =	task.clear_ibuf [dreg:s6], $0x5FFFF;
	_ =	strace $0x90000049  }
0xb2: {  	s29 =	simm.s32 $0x9;
	_ =	strace $0x8000004B  }
0xb3: {  	_ =	swait.ge [sflag:s29], $0x1  }
0xb4: {  	[sflag:s29] =	ssyncadd.s32 $0xFFFFFFFF  }
0xb5: {  	_ =	strace $0x9000004B  }
0xb6: {  	_ =	sfence  }
0xb7: {  	s30 =	sld [smem:$0x0];
	_ =	sdelay $0x2  }
0xb8: {  	s31 =	sshll.u32 s1, $0xD;
	s1 =	sshrl.u32 s1, $0x2  }
0xb9: {  	s3 =	sand.u32 $0x4000, s31;
	s1 =	sadd.s32 s1, s30  }
0xba: {  	s0 =	sor.u32 s3, s0;
	s1 =	sshll.u32 s1, $0x11  }
0xbb: {  	s0 =	sor.u32 s1, s0  }
0xbc: {  	s0 =	sadd.s32 $0x8F2B, s0  }
0xbd: {  	[sflag:s0] =	ssyncadd.remote.s32 $0x1  }
0xbe: {  	_ =	sfence.sel $0xFFFF  }
0xbf: {  	[dreg:$0x0] =	wrdreg $0xFFFFFFFF;
	(pc) =	sbr.abs _section_cstart, $3  }
0xc0: {  	[dreg:$0x1] =	wrdreg $0xFFFFFFFF  }
0xc1: {  	_ =	task.clear_ibuf [dreg:s6], $0x2FFFF;
	_ =	strace $0x9FFFFFFF  }
0xc2: {  	(tm) =	ssettm $0x7FFFFFFF  }
0xc3: {  	_ =	shalt  }
tec
execute0_lowered:
.L_overlay_start_1:
0x0: {  	(tag) =	ssettag $0x1  }
0x1: {  	s1 =	rddreg [dreg:$0x0]  }
0x2: {  	s0 =	srdreg.scid;
	s2 =	rddreg [dreg:$0x1]  }
0x3: {  	s8 =	stileid.u32;
	s3 =	simm.s32 $0x0;
	s13 =	simm.s32 $0x13880  }
0x4: {  	s15 =	simm.s32 $0x1EAA0;
	s16 =	simm.s32 $0x7;
	s17 =	simm.s32 $0x6  }
0x5: {  	s18 =	simm.s32 $0x186A0;
	s20 =	simm.s32 $0x19AA0;
	s22 =	simm.s32 $0x1AEA0  }
0x6: {  	s29 =	simm.s32 $0x1D6A0;
	s30 =	simm.s32 $0x1;
	s31 =	simm.s32 $0x8  }
0x7: {  	s14 =	simm.s32 $0x3;
	s19 =	simm.s32 $0x4;
	s21 =	simm.s32 $0x5  }
0x8: {  	s28 =	simm.s32 $0x0;
	s0 =	sand.u32 $0x1, s0;
	s9 =	smul.u32 $0x4E000, s8  }
0x9: {  	[smem:$0x7FF] =	sst s3;
	p0 =	seq.s32 s8, $0xF;
	s11 =	smul.u32 $0x13800, s8  }
0xa: {  	s4 =	sshll.u32 s0, $0x4;
	_ =	strace $0x8000004A;
	s6 =	ssub.s32 $0x2, s0  }
0xb: {  	s0 =	smul.u32 $0x138800, s0;
	s4 =	sor.u32 s8, s4;
	s7 =	sshrl.u32 s6, $0x1  }
0xc: {  	s8 =	simm.s32 $0x28;
	s25 =	sshrl.u32 s9, $0x2;
	s5 =	smul.u32 $0x4E2, s4  }
0xd: {  	s4 =	sadd.s32 $0x15C00, s1;
	s12 =	ssub.s32 s6, s7;
	s6 =	simm.s32 $0x28  }
0xe: {  	s10 =	sadd.s32 s11, s0;
	s0 =	sshrl.u32 s0, $0x3;
	s9 =	sadd.s32 s25, s2  }
0xf: {  	s6 =	simm.s32 @!p0 $0x27;
	s26 =	sshrl.u32 s10, $0x3;
	s5 =	sadd.s32 s5, s1  }
0x10: {  	s12 =	smax.u32 s12, $0x1;
	s1 =	sadd.s32 $0x3CE00, s1;
	s24 =	sadd.s32 $0xBE00, s5  }
0x11: {  	s5 =	sadd.s32 $0x2000, s5;
	s0 =	sadd.s32 s1, s0;
	s10 =	sadd.s32 s1, s26  }
0x12: {  	s1 =	sadd.s32 s11, s2;
	s26 =	simm.s32 $0x1C2A0;
	[dreg:$0x3] =	wrdreg s24  }
0x13: {  	[dreg:$0x4] =	wrdreg s5;
	s11 =	sadd.s32 $0x24900, s0;
	s0 =	sadd.s32 $0x124800, s2  }
0x14: {  	v0 =	vimm.f32 $0.0e+00;
	s25 =	sshrl.u32 @!p0 s1, $0x3;
	s24 =	sshrl.u32 @p0 s0, $0x3;
	s0 =	simm.s32 $0x2  }
.LBB2_1:
0x15: {  	s1 =	rddreg [dreg:$0x3]  }
0x16: {  	[tilespmem:s13], [sflag:$0x6] =	stream.linear.gather [hbm4b:s1+s3], $0x2710, $0x38;
	[tilespmem:$0x1F2A0] =	vst v63  }
0x17: {  	s23 =	rddreg [dreg:$0x4];
	s5 =	simm.s32 $0x15F90  }
0x18: {  	[tilespmem:s5], [sflag:$0x6] =	stream.linear.gather [hbm4b:s23+s3], $0x2710, $0x38;
	[tilespmem:$0x1F2A0] =	vst v63  }
0x19: {  	s5 =	sand.u32 $0x1E00, s3  }
0x1a: {  	s7 =	sand.u32 $0x70, s3;
	s23 =	sshrl.u32 s5, $0x2  }
0x1b: {  	s1 =	simm.s32 $0x40;
	s5 =	sor.u32 s7, s23;
	s23 =	simm.s32 $0x0  }
.LBB2_2:
0x1c: {  	p1 =	sne.s32 s1, $0x1FC0  }
0x1d: {  	[tilespmem:s5+$0x1EAA0] =	vst v0;
	s23 =	sadd.s32 $0x10, s23;
	s5 =	smov.u32 s1;
	s1 =	sadd.s32 $0x40, s1  }
.Ltmp0:
0x1e: {  	(pc) =	sbr.rel @p1 .LBB2_2-.Ltmp0, $4  }
0x1f: {  	_ = 	snop  }
0x20: {  	s5 =	sand.u32 $0x1E00, s5  }
0x21: {  	s7 =	sand.u32 $0x70, s23;
	s5 =	sshrl.u32 s5, $0x2  }
0x22: {  	s5 =	sor.u32 s7, s5  }
0x23: {  	p1 =	sne.s32 s6, $0x1  }
.Ltmp1:
0x24: {  	_ = 	snop;
	(pc) =	sbr.rel @!p1 .LBB2_5-.Ltmp1, $3  }
0x25: {  	_ =	sdelay $0x1  }
0x26: {  	[tilespmem:s5+$0x1EAA0] =	vst v0;
	s1 =	sadd.s32 $0xFFFFFFFF, s6;
	s23 =	smov.u32 s9  }
0x27: {  	[spmem:s9] =	stream.linear.scatter [tilespmem:s15], [sflag:$0x7], $0x800, $0x38;
	[tilespmem:$0x1F2A0] =	vst v63  }
.LBB2_4:
0x28: {  	p2 =	sne.s32 s1, $0x1  }
.Ltmp2:
0x29: {  	_ = 	snop;
	(pc) =	sbr.rel @p2 .LBB2_4-.Ltmp2, $3  }
0x2a: {  	_ = 	snop  }
0x2b: {  	s1 =	sadd.s32 $0xFFFFFFFF, s1;
	s23 =	sadd.s32 $0x800, s23;
	_ =	sdelay $0x1  }
0x2c: {  	[spmem:s23] =	stream.linear.scatter [tilespmem:s15], [sflag:$0x7], $0x800, $0x38;
	[tilespmem:$0x1F2A0] =	vst v63  }
.LBB2_5:
.Ltmp3:
0x2d: {  	(pc) =	sbr.rel @!p1 .LBB2_7-.Ltmp3, $3  }
0x2e: {  	_ =	sdelay $0x1  }
0x2f: {  	_ =	swait.ge [sflag:s16], $0x800  }
0x30: {  	s1 =	sadd.s32 $0xFFFFFFFF, s6;
	[sflag:s16] =	ssyncset.done $0x0  }
.LBB2_6:
0x31: {  	p1 =	sne.s32 s1, $0x1;
	s1 =	sadd.s32 $0xFFFFFFFF, s1;
	[sflag:s16] =	ssyncadd.s32 $0xFFFFF800  }
.Ltmp4:
0x32: {  	(pc) =	sbr.rel @p1 .LBB2_6-.Ltmp4, $3  }
0x33: {  	_ =	sdelay $0x1  }
0x34: {  	_ =	swait.ge [sflag:s16], $0x800  }
0x35: {  	[sflag:s16] =	ssyncset.done $0x0  }
.LBB2_7:
0x36: {  	[sflag:s16] =	ssyncadd.s32 $0xFFFFF800  }
0x37: {  	[bflag:$0x0] =	sbarrier.arrive $0xFFFF  }
0x38: {  	_ =	swait.ge [sflag:s17], $0x2710  }
0x39: {  	[sflag:s17] =	ssyncset.done $0x0  }
0x3a: {  	[sflag:s17] =	ssyncadd.s32 $0xFFFFD8F0  }
0x3b: {  	_ =	swait.ge [sflag:s17], $0x2710  }
0x3c: {  	[sflag:s17] =	ssyncset.done $0x0  }
0x3d: {  	[sflag:s17] =	ssyncadd.s32 $0xFFFFD8F0  }
0x3e: {  	[tilespmem:s18], [sflag:$0x1] =	stream.indirect.gather [hbm4b:s4+s8], $0x80, s13, s8, $0xb8;
	[tilespmem:$0x1F2A0] =	vst v63  }
0x3f: {  	s1 =	simm.s32 $0x138A8  }
0x40: {  	[tilespmem:s20], [sflag:$0x2] =	stream.indirect.gather [hbm4b:s4+s8], $0x80, s1, s8, $0xb8;
	[tilespmem:$0x1F2A0] =	vst v63  }
0x41: {  	s5 =	simm.s32 $0x138D0  }
0x42: {  	[tilespmem:s22], [sflag:$0x3] =	stream.indirect.gather [hbm4b:s4+s8], $0x80, s5, s8, $0xb8;
	[tilespmem:$0x1F2A0] =	vst v63  }
0x43: {  	s7 =	simm.s32 $0x138F8  }
0x44: {  	[tilespmem:s26], [sflag:$0x4] =	stream.indirect.gather [hbm4b:s4+s8], $0x80, s7, s8, $0xb8;
	[tilespmem:$0x1F2A0] =	vst v63  }
0x45: {  	s23 =	simm.s32 $0x13920  }
0x46: {  	[tilespmem:s29], [sflag:$0x5] =	stream.indirect.gather [hbm4b:s4+s8], $0x80, s23, s8, $0xb8;
	[tilespmem:$0x1F2A0] =	vst v63  }
0x47: {  	_ =	swait.ge [sflag:s30], $0x1400  }
0x48: {  	[sflag:s30] =	ssyncset.done $0x0  }
0x49: {  	s5 =	simm.s32 $0x15F90;
	[sflag:s30] =	ssyncadd.s32 $0xFFFFEC00  }
0x4a: {  	[spmem:s2] =	stream.indirect.scatter.add.f32 [tilespmem:s18], [sflag:$0x8], $0x80, s5, s8, $0xb8;
	[tilespmem:$0x1F2A0] =	vst v63  }
0x4b: {  	_ =	swait.ge [sflag:s31], $0x1400  }
0x4c: {  	[sflag:s31] =	ssyncset.done $0x0  }
0x4d: {  	s7 =	simm.s32 $0x13948;
	[sflag:s31] =	ssyncadd.s32 $0xFFFFEC00  }
0x4e: {  	[tilespmem:s18], [sflag:$0x1] =	stream.indirect.gather [hbm4b:s4+s8], $0x80, s7, s8, $0xb8;
	[tilespmem:$0x1F2A0] =	vst v63  }
0x4f: {  	_ =	swait.ge [sflag:s0], $0x1400  }
0x50: {  	[sflag:s0] =	ssyncset.done $0x0  }
0x51: {  	s23 =	simm.s32 $0x15FB8;
	[sflag:s0] =	ssyncadd.s32 $0xFFFFEC00  }
0x52: {  	[spmem:s2] =	stream.indirect.scatter.add.f32 [tilespmem:s20], [sflag:$0x8], $0x80, s23, s8, $0xb8;
	[tilespmem:$0x1F2A0] =	vst v63  }
0x53: {  	_ =	swait.ge [sflag:s31], $0x1400  }
0x54: {  	[sflag:s31] =	ssyncset.done $0x0  }
0x55: {  	s5 =	simm.s32 $0x13970;
	[sflag:s31] =	ssyncadd.s32 $0xFFFFEC00  }
0x56: {  	[tilespmem:s20], [sflag:$0x2] =	stream.indirect.gather [hbm4b:s4+s8], $0x80, s5, s8, $0xb8;
	[tilespmem:$0x1F2A0] =	vst v63  }
0x57: {  	_ =	swait.ge [sflag:s14], $0x1400  }
0x58: {  	[sflag:s14] =	ssyncset.done $0x0  }
0x59: {  	s7 =	simm.s32 $0x15FE0;
	[sflag:s14] =	ssyncadd.s32 $0xFFFFEC00  }
0x5a: {  	[spmem:s2] =	stream.indirect.scatter.add.f32 [tilespmem:s22], [sflag:$0x8], $0x80, s7, s8, $0xb8;
	[tilespmem:$0x1F2A0] =	vst v63  }
0x5b: {  	_ =	swait.ge [sflag:s31], $0x1400  }
0x5c: {  	[sflag:s31] =	ssyncset.done $0x0  }
0x5d: {  	s23 =	simm.s32 $0x13998;
	[sflag:s31] =	ssyncadd.s32 $0xFFFFEC00  }
0x5e: {  	[tilespmem:s22], [sflag:$0x3] =	stream.indirect.gather [hbm4b:s4+s8], $0x80, s23, s8, $0xb8;
	[tilespmem:$0x1F2A0] =	vst v63  }
0x5f: {  	_ =	swait.ge [sflag:s19], $0x1400  }
0x60: {  	[sflag:s19] =	ssyncset.done $0x0  }
0x61: {  	s5 =	simm.s32 $0x16008;
	[sflag:s19] =	ssyncadd.s32 $0xFFFFEC00  }
0x62: {  	[spmem:s2] =	stream.indirect.scatter.add.f32 [tilespmem:s26], [sflag:$0x8], $0x80, s5, s8, $0xb8;
	[tilespmem:$0x1F2A0] =	vst v63  }
0x63: {  	_ =	swait.ge [sflag:s31], $0x1400  }
0x64: {  	[sflag:s31] =	ssyncset.done $0x0  }
0x65: {  	s7 =	simm.s32 $0x139C0;
	[sflag:s31] =	ssyncadd.s32 $0xFFFFEC00  }
0x66: {  	[tilespmem:s26], [sflag:$0x4] =	stream.indirect.gather [hbm4b:s4+s8], $0x80, s7, s8, $0xb8;
	[tilespmem:$0x1F2A0] =	vst v63  }
0x67: {  	_ =	swait.ge [sflag:s21], $0x1400  }
0x68: {  	[sflag:s21] =	ssyncset.done $0x0  }
0x69: {  	s23 =	simm.s32 $0x16030;
	[sflag:s21] =	ssyncadd.s32 $0xFFFFEC00  }
0x6a: {  	[spmem:s2] =	stream.indirect.scatter.add.f32 [tilespmem:s29], [sflag:$0x8], $0x80, s23, s8, $0xb8;
	[tilespmem:$0x1F2A0] =	vst v63  }
0x6b: {  	_ =	swait.ge [sflag:s31], $0x1400  }
0x6c: {  	[sflag:s31] =	ssyncset.done $0x0  }
0x6d: {  	s1 =	simm.s32 $0x139E8;
	s23 =	simm.s32 $0x320;
	[sflag:s31] =	ssyncadd.s32 $0xFFFFEC00  }
.LBB2_8:
0x6e: {  	[tilespmem:s29], [sflag:$0x5] =	stream.indirect.gather [hbm4b:s4+s8], $0x80, s1, s8, $0xb8;
	[tilespmem:$0x1F2A0] =	vst v63  }
0x6f: {  	s1 =	smov.u32 s23  }
0x70: {  	p1 =	sne.s32 s23, $0x9600;
	s23 =	sadd.s32 $0x320, s23;
	_ =	swait.ge [sflag:s30], $0x1400  }
0x71: {  	s1 =	sshra.s32 s1, $0x2;
	[sflag:s30] =	ssyncset.done $0x0  }
0x72: {  	s5 =	sadd.s32 $0x15F90, s1;
	[sflag:s30] =	ssyncadd.s32 $0xFFFFEC00  }
0x73: {  	[spmem:s2] =	stream.indirect.scatter.add.f32 [tilespmem:s18], [sflag:$0x8], $0x80, s5, s8, $0xb8;
	[tilespmem:$0x1F2A0] =	vst v63  }
0x74: {  	_ =	swait.ge [sflag:s31], $0x1400  }
0x75: {  	[sflag:s31] =	ssyncset.done $0x0  }
0x76: {  	s5 =	sadd.s32 $0x13948, s1;
	[sflag:s31] =	ssyncadd.s32 $0xFFFFEC00  }
0x77: {  	[tilespmem:s18], [sflag:$0x1] =	stream.indirect.gather [hbm4b:s4+s8], $0x80, s5, s8, $0xb8;
	[tilespmem:$0x1F2A0] =	vst v63  }
0x78: {  	_ =	swait.ge [sflag:s0], $0x1400  }
0x79: {  	[sflag:s0] =	ssyncset.done $0x0  }
0x7a: {  	s5 =	sadd.s32 $0x15FB8, s1;
	[sflag:s0] =	ssyncadd.s32 $0xFFFFEC00  }
0x7b: {  	[spmem:s2] =	stream.indirect.scatter.add.f32 [tilespmem:s20], [sflag:$0x8], $0x80, s5, s8, $0xb8;
	[tilespmem:$0x1F2A0] =	vst v63  }
0x7c: {  	_ =	swait.ge [sflag:s31], $0x1400  }
0x7d: {  	[sflag:s31] =	ssyncset.done $0x0  }
0x7e: {  	s5 =	sadd.s32 $0x13970, s1;
	[sflag:s31] =	ssyncadd.s32 $0xFFFFEC00  }
0x7f: {  	[tilespmem:s20], [sflag:$0x2] =	stream.indirect.gather [hbm4b:s4+s8], $0x80, s5, s8, $0xb8;
	[tilespmem:$0x1F2A0] =	vst v63  }
0x80: {  	_ =	swait.ge [sflag:s14], $0x1400  }
0x81: {  	[sflag:s14] =	ssyncset.done $0x0  }
0x82: {  	s5 =	sadd.s32 $0x15FE0, s1;
	[sflag:s14] =	ssyncadd.s32 $0xFFFFEC00  }
0x83: {  	[spmem:s2] =	stream.indirect.scatter.add.f32 [tilespmem:s22], [sflag:$0x8], $0x80, s5, s8, $0xb8;
	[tilespmem:$0x1F2A0] =	vst v63  }
0x84: {  	_ =	swait.ge [sflag:s31], $0x1400  }
0x85: {  	[sflag:s31] =	ssyncset.done $0x0  }
0x86: {  	s5 =	sadd.s32 $0x13998, s1;
	[sflag:s31] =	ssyncadd.s32 $0xFFFFEC00  }
0x87: {  	[tilespmem:s22], [sflag:$0x3] =	stream.indirect.gather [hbm4b:s4+s8], $0x80, s5, s8, $0xb8;
	[tilespmem:$0x1F2A0] =	vst v63  }
0x88: {  	_ =	swait.ge [sflag:s19], $0x1400  }
0x89: {  	[sflag:s19] =	ssyncset.done $0x0  }
0x8a: {  	s5 =	sadd.s32 $0x16008, s1;
	[sflag:s19] =	ssyncadd.s32 $0xFFFFEC00  }
0x8b: {  	[spmem:s2] =	stream.indirect.scatter.add.f32 [tilespmem:s26], [sflag:$0x8], $0x80, s5, s8, $0xb8;
	[tilespmem:$0x1F2A0] =	vst v63  }
0x8c: {  	_ =	swait.ge [sflag:s31], $0x1400  }
0x8d: {  	[sflag:s31] =	ssyncset.done $0x0  }
0x8e: {  	s5 =	sadd.s32 $0x139C0, s1;
	[sflag:s31] =	ssyncadd.s32 $0xFFFFEC00  }
0x8f: {  	[tilespmem:s26], [sflag:$0x4] =	stream.indirect.gather [hbm4b:s4+s8], $0x80, s5, s8, $0xb8;
	[tilespmem:$0x1F2A0] =	vst v63  }
0x90: {  	_ =	swait.ge [sflag:s21], $0x1400  }
0x91: {  	[sflag:s21] =	ssyncset.done $0x0  }
.Ltmp5:
0x92: {  	s5 =	sadd.s32 $0x16030, s1;
	[sflag:s21] =	ssyncadd.s32 $0xFFFFEC00;
	(pc) =	sbr.rel @p1 .LBB2_8-.Ltmp5, $4  }
0x93: {  	[spmem:s2] =	stream.indirect.scatter.add.f32 [tilespmem:s29], [sflag:$0x8], $0x80, s5, s8, $0xb8;
	[tilespmem:$0x1F2A0] =	vst v63  }
0x94: {  	_ =	swait.ge [sflag:s31], $0x1400  }
0x95: {  	[sflag:s31] =	ssyncset.done $0x0  }
0x96: {  	s1 =	sadd.s32 $0x139E8, s1;
	[sflag:s31] =	ssyncadd.s32 $0xFFFFEC00  }
0x97: {  	[tilespmem:s29], [sflag:$0x5] =	stream.indirect.gather [hbm4b:s4+s8], $0x80, s1, s8, $0xb8;
	[tilespmem:$0x1F2A0] =	vst v63  }
0x98: {  	_ =	swait.ge [sflag:s30], $0x1400  }
0x99: {  	[sflag:s30] =	ssyncset.done $0x0  }
0x9a: {  	s7 =	simm.s32 $0x185D8;
	[sflag:s30] =	ssyncadd.s32 $0xFFFFEC00  }
0x9b: {  	[spmem:s2] =	stream.indirect.scatter.add.f32 [tilespmem:s18], [sflag:$0x8], $0x80, s7, s8, $0xb8;
	[tilespmem:$0x1F2A0] =	vst v63  }
0x9c: {  	_ =	swait.ge [sflag:s31], $0x1400  }
0x9d: {  	[sflag:s31] =	ssyncset.done $0x0  }
0x9e: {  	[sflag:s31] =	ssyncadd.s32 $0xFFFFEC00  }
0x9f: {  	_ =	swait.ge [sflag:s0], $0x1400  }
0xa0: {  	[sflag:s0] =	ssyncset.done $0x0  }
0xa1: {  	s23 =	simm.s32 $0x18600;
	[sflag:s0] =	ssyncadd.s32 $0xFFFFEC00  }
0xa2: {  	[spmem:s2] =	stream.indirect.scatter.add.f32 [tilespmem:s20], [sflag:$0x8], $0x80, s23, s8, $0xb8;
	[tilespmem:$0x1F2A0] =	vst v63  }
0xa3: {  	_ =	swait.ge [sflag:s31], $0x1400  }
0xa4: {  	[sflag:s31] =	ssyncset.done $0x0  }
0xa5: {  	[sflag:s31] =	ssyncadd.s32 $0xFFFFEC00  }
0xa6: {  	_ =	swait.ge [sflag:s14], $0x1400  }
0xa7: {  	[sflag:s14] =	ssyncset.done $0x0  }
0xa8: {  	s5 =	simm.s32 $0x18628;
	[sflag:s14] =	ssyncadd.s32 $0xFFFFEC00  }
0xa9: {  	[spmem:s2] =	stream.indirect.scatter.add.f32 [tilespmem:s22], [sflag:$0x8], $0x80, s5, s8, $0xb8;
	[tilespmem:$0x1F2A0] =	vst v63  }
0xaa: {  	_ =	swait.ge [sflag:s31], $0x1400  }
0xab: {  	[sflag:s31] =	ssyncset.done $0x0  }
0xac: {  	[sflag:s31] =	ssyncadd.s32 $0xFFFFEC00  }
0xad: {  	_ =	swait.ge [sflag:s19], $0x1400  }
0xae: {  	[sflag:s19] =	ssyncset.done $0x0  }
0xaf: {  	s7 =	simm.s32 $0x18650;
	[sflag:s19] =	ssyncadd.s32 $0xFFFFEC00  }
0xb0: {  	[spmem:s2] =	stream.indirect.scatter.add.f32 [tilespmem:s26], [sflag:$0x8], $0x80, s7, s8, $0xb8;
	[tilespmem:$0x1F2A0] =	vst v63  }
0xb1: {  	_ =	swait.ge [sflag:s31], $0x1400  }
0xb2: {  	[sflag:s31] =	ssyncset.done $0x0  }
0xb3: {  	[sflag:s31] =	ssyncadd.s32 $0xFFFFEC00  }
0xb4: {  	_ =	swait.ge [sflag:s21], $0x1400  }
0xb5: {  	[sflag:s21] =	ssyncset.done $0x0  }
0xb6: {  	s23 =	simm.s32 $0x18678;
	[sflag:s21] =	ssyncadd.s32 $0xFFFFEC00  }
0xb7: {  	[spmem:s2] =	stream.indirect.scatter.add.f32 [tilespmem:s29], [sflag:$0x8], $0x80, s23, s8, $0xb8;
	[tilespmem:$0x1F2A0] =	vst v63  }
0xb8: {  	_ =	swait.ge [sflag:s31], $0x1400  }
0xb9: {  	[sflag:s31] =	ssyncset.done $0x0  }
0xba: {  	[sflag:s31] =	ssyncadd.s32 $0xFFFFEC00  }
0xbb: {  	s1 =	simm.s32 @p0 $0x1FC8;
	[bflag:$0x0] =	sbarrier.arrive $0xFFFF  }
0xbc: {  	[hbm:s11], [sflag:s1] =	dma.local @p0 [spmem:s24], $0x2800  }
0xbd: {  	s1 =	simm.s32 @p0 $0x8  }
0xbe: {  	s5 =	stileid.u32;
	_ =	swait.ge @p0 [sflag:s1], $0x2800  }
0xbf: {  	s28 =	sadd.s32 $0x1, s28;
	s5 =	sshll.u32 @!p0 s5, $0x6;
	[sflag:s1] =	ssyncset.done @p0 $0x0  }
0xc0: {  	p1 =	sne.s32 s28, s12;
	[sflag:s1] =	ssyncadd.s32 @p0 $0xFFFFD800;
	s1 =	sor.u32 @!p0 $0x1C08, s5  }
0xc1: {  	[hbm:s10], [sflag:s1] =	dma.local @!p0 [spmem:s25], $0x2700  }
.Ltmp6:
0xc2: {  	_ = 	snop;
	(pc) =	sbr.rel @p1 .LBB2_1-.Ltmp6, $4  }
0xc3: {  	s1 =	simm.s32 @!p0 $0x8  }
0xc4: {  	_ =	swait.ge @!p0 [sflag:s1], $0x2700  }
0xc5: {  	[sflag:s1] =	ssyncset.done @!p0 $0x0  }
0xc6: {  	[sflag:s1] =	ssyncadd.s32 @!p0 $0xFFFFD900  }
0xc7: {  	_ =	sfence.sel $0x180000  }
0xc8: {  	[bflag:$0x0] =	sbarrier.arrive $0xFFFF  }
0xc9: {  	_ =	strace $0x9000004A  }
0xca: {  	s0 =	stileid.u32;
	[bflag:$0x2] =	sbarrier.arrive $0xFFFF  }
0xcb: {  	p0 =	sne.s32 s0, $0x0;
	s0 =	rddreg [dreg:$0x2]  }
0xcc: {  	s0 =	sadd.s32 @!p0 $0x100000, s0  }
0xcd: {  	[sflag:s0] =	ssyncadd.tile.s32 @!p0 $0x1;
	_ =	shalt  }
.Lfunc_end2:
_tile_overlayer_lowered:
.L_overlay_start_2:
0xce: {  	(tag) =	ssettag $0x2  }
0xcf: {  	s0 =	rddreg [dreg:$0x0];
	s2 =	stileid.u32  }
0xd0: {  	s1 =	rddreg [dreg:$0x1];
	p0 =	sne.s32 s2, $0x0  }
0xd1: {  	s3 =	rddreg [dreg:$0x2];
	[bflag:$0x3] =	sbarrier.arrive $0xFFFF;
	s2 =	simm.s32 @!p0 $0x1C08  }
0xd2: {  	[timem:s3], [sflag:s2] =	dma.local @!p0 [hbm:s0], s1  }
0xd3: {  	s0 =	simm.s32 @!p0 $0x8  }
0xd4: {  	_ =	swait.ge @!p0 [sflag:s0], s1  }
0xd5: {  	s1 =	ssub.s32 @!p0 $0x0, s1;
	[sflag:s0] =	ssyncset.done @!p0 $0x0  }
0xd6: {  	[sflag:s0] =	ssyncadd.s32 @!p0 s1  }
0xd7: {  	[bflag:$0x3] =	sbarrier.arrive $0xFFFF  }
0xd8: {  	_ =	shalt  }

// kernel: kernel.16.cloned.1.call-start
scs
__scs_entry_jumppad:
0x0: {  	(pc) =	sbr.rel $0x88, $3  }
0x1: {  	(tag) =	ssettag $0x0;
	lr =	simm.s32 $0x1  }
0x2: {  	[smem:$0x3F99] =	sst lr;
	_ =	strace $0xD0000000  }
0x3: {  	_ = 	snop  }
0x4: {  	_ = 	snop  }
0x5: {  	_ = 	snop  }
0x6: {  	_ = 	snop  }
0x7: {  	_ = 	snop  }
__scs_overlays_trampoline_lowered:
0x8: {  	[smem:$0x3FA8] =	sst s0  }
0x9: {  	[smem:$0x3FA9] =	sst s1  }
0xa: {  	[smem:$0x3FAA] =	sst s2  }
0xb: {  	[smem:$0x3FAB] =	sst s3  }
0xc: {  	[smem:$0x3FAC] =	sst s4  }
0xd: {  	[smem:$0x3FAD] =	sst s5  }
0xe: {  	[smem:$0x3FAE] =	sst s6  }
0xf: {  	[smem:$0x3FAF] =	sst s7  }
0x10: {  	[smem:$0x3FB0] =	sst s8  }
0x11: {  	[smem:$0x3FB1] =	sst s9;
	s0 =	simm.s32 @!p0 $0x0  }
0x12: {  	s1 =	sld [smem:$0x3F97];
	s0 =	simm.s32 @p0 $0x1  }
0x13: {  	[smem:$0x3FB2] =	sst s0;
	s0 =	simm.s32 @!p1 $0x0  }
0x14: {  	s2 =	sld [smem:$0x3F96];
	s0 =	simm.s32 @p1 $0x1  }
0x15: {  	[smem:$0x3FB3] =	sst s0;
	s0 =	simm.s32 @!p2 $0x0  }
0x16: {  	s3 =	sld [smem:$0x3FDB];
	s0 =	simm.s32 @p2 $0x1  }
0x17: {  	s4 =	simm.s32 $0x1BF5;
	[smem:$0x3FB5] =	sst s0  }
0x18: {  	s0 =	sld [smem:$0x3F98];
	_ =	swait.ge [sflag:s4], $0x0  }
0x19: {  	s7 =	sld [smem:$0x3F99]  }
0x1a: {  	s8 =	sadd.s32 $0xFFFFE003, lr  }
0x1b: {  	s9 =	sadd.s32 $0xFFFFFEF7, lr;
	s5 =	simm.s32 $0xFFFFFFFF;
	p2 =	slt.u32 s8, $0xFFFFF086  }
0x1c: {  	p1 =	slt.u32 s9, $0xF7A;
	s5 =	simm.s32 @!p2 $0x0  }
0x1d: {  	s5 =	simm.s32 @p1 $0x1;
	p0 =	seq.s32 s7, s2  }
0x1e: {  	s7 =	smul.u32 @!p0 $0xF7A, s2;
	p2 =	seq.s32 @!p0 s5, $0x0  }
0x1f: {  	s9 =	smul.u32 $0xF7A, s1;
	s8 =	simm.s32 @!p0 $0x1BF5;
	p2 =	por !p2, p0  }
0x20: {  	[sflag:s8] =	ssyncset.s32 @!p0 $0xFFFFF086;
	s6 =	sadd.s32 @!p0 s3, s7;
	s7 =	simm.s32 @!p0 $0x108  }
0x21: {  	s3 =	sadd.s32 s3, s9;
	s6 =	sadd.s32 @!p0 $0x88, s6;
	s7 =	simm.s32 @p2 $0x1082  }
0x22: {  	[simem:s7], [sflag:s8] =	dma.local @!p0 [hbm:s6], $0xF7A  }
0x23: {  	s9 =	sor.u32 $0xD0000000, s2;
	s6 =	simm.s32 $0x108;
	_ =	swait.ge @!p0 [sflag:s8], $0x0  }
0x24: {  	s3 =	sadd.s32 $0x88, s3;
	s6 =	simm.s32 @!p1 $0x1082;
	[sflag:s4] =	ssyncset.s32 $0xFFFFF086  }
0x25: {  	[simem:s6], [sflag:s4] =	dma.local [hbm:s3], $0xF7A  }
0x26: {  	[smem:$0x3F99] =	sst s1;
	(tag) =	ssettag s2;
	_ =	strace s9  }
0x27: {  	s1 =	sld [smem:$0x3FA9]  }
0x28: {  	s2 =	sld [smem:$0x3FAA]  }
0x29: {  	s4 =	sld [smem:$0x3FAC]  }
0x2a: {  	p0 =	seq.s32 s5, $0x0;
	s5 =	sld [smem:$0x3FAD]  }
0x2b: {  	s6 =	sld [smem:$0x3FAE]  }
0x2c: {  	s7 =	sld [smem:$0x3FAF]  }
0x2d: {  	s3 =	simm.s32 $0x108;
	s8 =	sld [smem:$0x3FB0]  }
0x2e: {  	s3 =	simm.s32 @!p0 $0x1082;
	s9 =	sld [smem:$0x3FB1]  }
0x2f: {  	lr =	sadd.s32 s0, s3;
	s0 =	sld [smem:$0x3FA8]  }
0x30: {  	s3 =	sld [smem:$0x3FAB]  }
0x31: {  	[smem:$0x3FB4] =	sst s10  }
0x32: {  	s10 =	sld [smem:$0x3FB2];
	_ =	sdelay $0x3  }
0x33: {  	p0 =	seq.s32 s10, $0x1;
	s10 =	sld [smem:$0x3FB4];
	_ =	sdelay $0x3  }
0x34: {  	[smem:$0x3FB4] =	sst s10  }
0x35: {  	s10 =	sld [smem:$0x3FB3];
	_ =	sdelay $0x3  }
0x36: {  	p1 =	seq.s32 s10, $0x1;
	s10 =	sld [smem:$0x3FB4];
	_ =	sdelay $0x3  }
0x37: {  	[smem:$0x3FB4] =	sst s10  }
0x38: {  	s10 =	sld [smem:$0x3FB5]  }
0x39: {  	_ = 	snop;
	(pc) =	sbr.ind lr, $3  }
0x3a: {  	_ = 	snop  }
0x3b: {  	_ = 	snop  }
0x3c: {  	p2 =	seq.s32 s10, $0x1;
	s10 =	sld [smem:$0x3FB4]  }
0x3d: {  	_ =	shalt  }
0x3e: {  	_ =	shalt  }
0x3f: {  	_ =	shalt  }
0x40: {  	_ =	shalt  }
0x41: {  	_ =	shalt  }
0x42: {  	_ =	shalt  }
0x43: {  	_ =	shalt  }
0x44: {  	_ =	shalt  }
0x45: {  	_ =	shalt  }
0x46: {  	_ =	shalt  }
0x47: {  	_ =	shalt  }
0x48: {  	_ =	shalt  }
0x49: {  	_ =	shalt  }
0x4a: {  	_ =	shalt  }
0x4b: {  	_ =	shalt  }
0x4c: {  	_ =	shalt  }
0x4d: {  	_ =	shalt  }
0x4e: {  	_ =	shalt  }
0x4f: {  	_ =	shalt  }
0x50: {  	_ =	shalt  }
0x51: {  	_ =	shalt  }
0x52: {  	_ =	shalt  }
0x53: {  	_ =	shalt  }
0x54: {  	_ =	shalt  }
0x55: {  	_ =	shalt  }
0x56: {  	_ =	shalt  }
0x57: {  	_ =	shalt  }
0x58: {  	_ =	shalt  }
0x59: {  	_ =	shalt  }
0x5a: {  	_ =	shalt  }
0x5b: {  	_ =	shalt  }
0x5c: {  	_ =	shalt  }
0x5d: {  	_ =	shalt  }
0x5e: {  	_ =	shalt  }
0x5f: {  	_ =	shalt  }
0x60: {  	_ =	shalt  }
0x61: {  	_ =	shalt  }
0x62: {  	_ =	shalt  }
0x63: {  	_ =	shalt  }
0x64: {  	_ =	shalt  }
0x65: {  	_ =	shalt  }
0x66: {  	_ =	shalt  }
0x67: {  	_ =	shalt  }
0x68: {  	_ =	shalt  }
0x69: {  	_ =	shalt  }
0x6a: {  	_ =	shalt  }
0x6b: {  	_ =	shalt  }
0x6c: {  	_ =	shalt  }
0x6d: {  	_ =	shalt  }
0x6e: {  	_ =	shalt  }
0x6f: {  	_ =	shalt  }
0x70: {  	_ =	shalt  }
0x71: {  	_ =	shalt  }
0x72: {  	_ =	shalt  }
0x73: {  	_ =	shalt  }
0x74: {  	_ =	shalt  }
0x75: {  	_ =	shalt  }
0x76: {  	_ =	shalt  }
0x77: {  	_ =	shalt  }
0x78: {  	_ =	shalt  }
0x79: {  	_ =	shalt  }
0x7a: {  	_ =	shalt  }
0x7b: {  	_ =	shalt  }
0x7c: {  	_ =	shalt  }
0x7d: {  	_ =	shalt  }
0x7e: {  	_ =	shalt  }
0x7f: {  	_ =	shalt  }
0x80: {  	_ =	shalt  }
0x81: {  	_ =	shalt  }
0x82: {  	_ =	shalt  }
0x83: {  	_ =	shalt  }
0x84: {  	_ =	shalt  }
0x85: {  	_ =	shalt  }
0x86: {  	_ =	shalt  }
0x87: {  	_ =	shalt  }
.Lfunc_end0:
.L_simem_size_0:
called_computation.2_lowered:
.L_overlay_start_0:
0x88: {  	s2 =	sld [smem:$0x3FD9]  }
0x89: {  	s3 =	sld [smem:$0x3FFE];
	_ =	sdelay $0x1  }
0x8a: {  	s1 =	srdreg.scid  }
0x8b: {  	s0 =	sand.u32 $0x1, s1  }
0x8c: {  	s16 =	sshll.u32 s0, $0xA;
	s2 =	sadd.s32 s3, s2  }
0x8d: {  	s2 =	sadd.s32 s2, s16  }
0x8e: {  	[smem:$0x3FC0] =	sst s2  }
0x8f: {  	_ = 	snop  }
0x90: {  	(tm) =	ssettm $0x1  }
0x91: {  	s17 =	sld [smem:$0x3FFB];
	_ =	sdelay $0x3  }
0x92: {  	_ =	strace s17  }
0x93: {  	s2 =	sld [smem:$0x3FFC];
	_ =	sdelay $0x3  }
0x94: {  	_ =	strace s2  }
0x95: {  	s2 =	sld [smem:$0x3FFD];
	_ =	sdelay $0x3  }
0x96: {  	_ =	strace s2  }
0x97: {  	_ =	strace $0x8FFFFFFF  }
0x98: {  	s18 =	sld [smem:$0x3FDB];
	_ =	sdelay $0x1  }
0x99: {  	s19 =	simm.s32 $_scs_section_size  }
0x9a: {  	s4 =	simm.s32 $_size__tile_overlayer_lowered;
	s5 =	simm.s32 $_tile_overlayer_lowered  }
0x9b: {  	s22 =	simm.s32 $0x1BFF;
	s21 =	sshll.u32 s5, $0x1;
	s2 =	sadd.s32 s19, s18  }
0x9c: {  	s6 =	simm.s32 $0x0;
	s20 =	sshll.u32 s4, $0x1;
	s4 =	sadd.s32 s21, s2  }
0x9d: {  	[timem:s6], [sflag:s22] =	dma.local [hbm:s4], s20  }
0x9e: {  	_ =	swait.ge [sflag:s22], s20  }
0x9f: {  	s3 =	ssub.s32 $0x0, s20;
	[sflag:s22] =	ssyncset.done $0x0  }
0xa0: {  	[sflag:s22] =	ssyncadd.s32 s3;
	_ =	sdelay $0x1  }
0xa1: {  	s23 =	simm.s32 $0x1B8B  }
0xa2: {  	_ =	swait.ge [sflag:s23], $0x1  }
0xa3: {  	[sflag:s23] =	ssyncset.done $0x0  }
0xa4: {  	s25 =	simm.s32 $0x1B8E;
	s24 =	sld [smem:$0x3FFE];
	[sflag:s23] =	ssyncadd.s32 $0xFFFFFFFF  }
0xa5: {  	s26 =	simm.s32 $execute0_lowered;
	[smem:$0x3FD2] =	sst s25  }
0xa6: {  	s4 =	sshll.u32 s26, $0x1;
	_ =	strace $0x8000004C;
	[dreg:$0x1] =	wrdreg $0xFFFFFFFF  }
0xa7: {  	s28 =	simm.s32 $_size_execute0_lowered;
	s2 =	sadd.s32 s2, s4;
	[dreg:$0x0] =	wrdreg $0x0  }
0xa8: {  	s4 =	sshll.u32 s28, $0x1;
	[dreg:$0x2] =	wrdreg s2  }
0xa9: {  	[dreg:$0x3] =	wrdreg s4  }
0xaa: {  	[dreg:$0x4] =	wrdreg $0xC0  }
0xab: {  	_ =	task [dreg:s6], $0x5FFFF  }
0xac: {  	[dreg:$0x1] =	wrdreg $0xFFFFFFFF  }
0xad: {  	[dreg:$0x0] =	wrdreg $0x60  }
0xae: {  	[dreg:$0x2] =	wrdreg s24  }
0xaf: {  	[dreg:$0x3] =	wrdreg $0x0  }
0xb0: {  	[dreg:$0x4] =	wrdreg $0x9  }
0xb1: {  	_ =	task.clear_ibuf [dreg:s6], $0x5FFFF;
	_ =	strace $0x9000004C  }
0xb2: {  	s29 =	simm.s32 $0x9;
	_ =	strace $0x8000004E  }
0xb3: {  	_ =	swait.ge [sflag:s29], $0x1  }
0xb4: {  	[sflag:s29] =	ssyncadd.s32 $0xFFFFFFFF  }
0xb5: {  	_ =	strace $0x9000004E  }
0xb6: {  	_ =	sfence  }
0xb7: {  	s30 =	sld [smem:$0x0];
	_ =	sdelay $0x2  }
0xb8: {  	s31 =	sshll.u32 s1, $0xD;
	s1 =	sshrl.u32 s1, $0x2  }
0xb9: {  	s3 =	sand.u32 $0x4000, s31;
	s1 =	sadd.s32 s1, s30  }
0xba: {  	s0 =	sor.u32 s3, s0;
	s1 =	sshll.u32 s1, $0x11  }
0xbb: {  	s0 =	sor.u32 s1, s0  }
0xbc: {  	s0 =	sadd.s32 $0x8F2B, s0  }
0xbd: {  	[sflag:s0] =	ssyncadd.remote.s32 $0x1  }
0xbe: {  	_ =	sfence.sel $0xFFFF  }
0xbf: {  	[dreg:$0x0] =	wrdreg $0xFFFFFFFF;
	(pc) =	sbr.abs _section_cstart, $3  }
0xc0: {  	[dreg:$0x1] =	wrdreg $0xFFFFFFFF  }
0xc1: {  	_ =	task.clear_ibuf [dreg:s6], $0x2FFFF;
	_ =	strace $0x9FFFFFFF  }
0xc2: {  	(tm) =	ssettm $0x7FFFFFFF  }
0xc3: {  	_ =	shalt  }
tec
execute0_lowered:
.L_overlay_start_1:
0x0: {  	(tag) =	ssettag $0x1  }
0x1: {  	s1 =	rddreg [dreg:$0x0]  }
0x2: {  	s0 =	srdreg.scid;
	s2 =	rddreg [dreg:$0x1]  }
0x3: {  	s8 =	stileid.u32;
	s3 =	simm.s32 $0x0;
	s13 =	simm.s32 $0x13880  }
0x4: {  	s15 =	simm.s32 $0x1EAA0;
	s16 =	simm.s32 $0x7;
	s17 =	simm.s32 $0x6  }
0x5: {  	s18 =	simm.s32 $0x186A0;
	s20 =	simm.s32 $0x19AA0;
	s22 =	simm.s32 $0x1AEA0  }
0x6: {  	s29 =	simm.s32 $0x1D6A0;
	s30 =	simm.s32 $0x1;
	s31 =	simm.s32 $0x8  }
0x7: {  	s14 =	simm.s32 $0x3;
	s19 =	simm.s32 $0x4;
	s21 =	simm.s32 $0x5  }
0x8: {  	s28 =	simm.s32 $0x0;
	s0 =	sand.u32 $0x1, s0;
	s9 =	smul.u32 $0x4E000, s8  }
0x9: {  	[smem:$0x7FF] =	sst s3;
	p0 =	seq.s32 s8, $0xF;
	s11 =	smul.u32 $0x13800, s8  }
0xa: {  	s4 =	sshll.u32 s0, $0x4;
	_ =	strace $0x8000004D;
	s6 =	ssub.s32 $0x2, s0  }
0xb: {  	s0 =	smul.u32 $0x138800, s0;
	s4 =	sor.u32 s8, s4;
	s7 =	sshrl.u32 s6, $0x1  }
0xc: {  	s8 =	simm.s32 $0x28;
	s25 =	sshrl.u32 s9, $0x2;
	s5 =	smul.u32 $0x4E2, s4  }
0xd: {  	s4 =	sadd.s32 $0x15C00, s1;
	s12 =	ssub.s32 s6, s7;
	s6 =	simm.s32 $0x28  }
0xe: {  	s10 =	sadd.s32 s11, s0;
	s0 =	sshrl.u32 s0, $0x3;
	s9 =	sadd.s32 s25, s2  }
0xf: {  	s6 =	simm.s32 @!p0 $0x27;
	s26 =	sshrl.u32 s10, $0x3;
	s5 =	sadd.s32 s5, s1  }
0x10: {  	s12 =	smax.u32 s12, $0x1;
	s1 =	sadd.s32 $0x3CE00, s1;
	s24 =	sadd.s32 $0xBE00, s5  }
0x11: {  	s5 =	sadd.s32 $0x2000, s5;
	s0 =	sadd.s32 s1, s0;
	s10 =	sadd.s32 s1, s26  }
0x12: {  	s1 =	sadd.s32 s11, s2;
	s26 =	simm.s32 $0x1C2A0;
	[dreg:$0x3] =	wrdreg s24  }
0x13: {  	[dreg:$0x4] =	wrdreg s5;
	s11 =	sadd.s32 $0x24900, s0;
	s0 =	sadd.s32 $0x124800, s2  }
0x14: {  	v0 =	vimm.f32 $0.0e+00;
	s25 =	sshrl.u32 @!p0 s1, $0x3;
	s24 =	sshrl.u32 @p0 s0, $0x3;
	s0 =	simm.s32 $0x2  }
.LBB2_1:
0x15: {  	s1 =	rddreg [dreg:$0x3]  }
0x16: {  	[tilespmem:s13], [sflag:$0x6] =	stream.linear.gather [hbm4b:s1+s3], $0x2710, $0x38;
	[tilespmem:$0x1F2A0] =	vst v63  }
0x17: {  	s23 =	rddreg [dreg:$0x4];
	s5 =	simm.s32 $0x15F90  }
0x18: {  	[tilespmem:s5], [sflag:$0x6] =	stream.linear.gather [hbm4b:s23+s3], $0x2710, $0x38;
	[tilespmem:$0x1F2A0] =	vst v63  }
0x19: {  	s5 =	sand.u32 $0x1E00, s3  }
0x1a: {  	s7 =	sand.u32 $0x70, s3;
	s23 =	sshrl.u32 s5, $0x2  }
0x1b: {  	s1 =	simm.s32 $0x40;
	s5 =	sor.u32 s7, s23;
	s23 =	simm.s32 $0x0  }
.LBB2_2:
0x1c: {  	p1 =	sne.s32 s1, $0x1FC0  }
0x1d: {  	[tilespmem:s5+$0x1EAA0] =	vst v0;
	s23 =	sadd.s32 $0x10, s23;
	s5 =	smov.u32 s1;
	s1 =	sadd.s32 $0x40, s1  }
.Ltmp0:
0x1e: {  	(pc) =	sbr.rel @p1 .LBB2_2-.Ltmp0, $4  }
0x1f: {  	_ = 	snop  }
0x20: {  	s5 =	sand.u32 $0x1E00, s5  }
0x21: {  	s7 =	sand.u32 $0x70, s23;
	s5 =	sshrl.u32 s5, $0x2  }
0x22: {  	s5 =	sor.u32 s7, s5  }
0x23: {  	p1 =	sne.s32 s6, $0x1  }
.Ltmp1:
0x24: {  	_ = 	snop;
	(pc) =	sbr.rel @!p1 .LBB2_5-.Ltmp1, $3  }
0x25: {  	_ =	sdelay $0x1  }
0x26: {  	[tilespmem:s5+$0x1EAA0] =	vst v0;
	s1 =	sadd.s32 $0xFFFFFFFF, s6;
	s23 =	smov.u32 s9  }
0x27: {  	[spmem:s9] =	stream.linear.scatter [tilespmem:s15], [sflag:$0x7], $0x800, $0x38;
	[tilespmem:$0x1F2A0] =	vst v63  }
.LBB2_4:
0x28: {  	p2 =	sne.s32 s1, $0x1  }
.Ltmp2:
0x29: {  	_ = 	snop;
	(pc) =	sbr.rel @p2 .LBB2_4-.Ltmp2, $3  }
0x2a: {  	_ = 	snop  }
0x2b: {  	s1 =	sadd.s32 $0xFFFFFFFF, s1;
	s23 =	sadd.s32 $0x800, s23;
	_ =	sdelay $0x1  }
0x2c: {  	[spmem:s23] =	stream.linear.scatter [tilespmem:s15], [sflag:$0x7], $0x800, $0x38;
	[tilespmem:$0x1F2A0] =	vst v63  }
.LBB2_5:
.Ltmp3:
0x2d: {  	(pc) =	sbr.rel @!p1 .LBB2_7-.Ltmp3, $3  }
0x2e: {  	_ =	sdelay $0x1  }
0x2f: {  	_ =	swait.ge [sflag:s16], $0x800  }
0x30: {  	s1 =	sadd.s32 $0xFFFFFFFF, s6;
	[sflag:s16] =	ssyncset.done $0x0  }
.LBB2_6:
0x31: {  	p1 =	sne.s32 s1, $0x1;
	s1 =	sadd.s32 $0xFFFFFFFF, s1;
	[sflag:s16] =	ssyncadd.s32 $0xFFFFF800  }
.Ltmp4:
0x32: {  	(pc) =	sbr.rel @p1 .LBB2_6-.Ltmp4, $3  }
0x33: {  	_ =	sdelay $0x1  }
0x34: {  	_ =	swait.ge [sflag:s16], $0x800  }
0x35: {  	[sflag:s16] =	ssyncset.done $0x0  }
.LBB2_7:
0x36: {  	[sflag:s16] =	ssyncadd.s32 $0xFFFFF800  }
0x37: {  	[bflag:$0x0] =	sbarrier.arrive $0xFFFF  }
0x38: {  	_ =	swait.ge [sflag:s17], $0x2710  }
0x39: {  	[sflag:s17] =	ssyncset.done $0x0  }
0x3a: {  	[sflag:s17] =	ssyncadd.s32 $0xFFFFD8F0  }
0x3b: {  	_ =	swait.ge [sflag:s17], $0x2710  }
0x3c: {  	[sflag:s17] =	ssyncset.done $0x0  }
0x3d: {  	[sflag:s17] =	ssyncadd.s32 $0xFFFFD8F0  }
0x3e: {  	[tilespmem:s18], [sflag:$0x1] =	stream.indirect.gather [hbm4b:s4+s8], $0x80, s13, s8, $0xb8;
	[tilespmem:$0x1F2A0] =	vst v63  }
0x3f: {  	s1 =	simm.s32 $0x138A8  }
0x40: {  	[tilespmem:s20], [sflag:$0x2] =	stream.indirect.gather [hbm4b:s4+s8], $0x80, s1, s8, $0xb8;
	[tilespmem:$0x1F2A0] =	vst v63  }
0x41: {  	s5 =	simm.s32 $0x138D0  }
0x42: {  	[tilespmem:s22], [sflag:$0x3] =	stream.indirect.gather [hbm4b:s4+s8], $0x80, s5, s8, $0xb8;
	[tilespmem:$0x1F2A0] =	vst v63  }
0x43: {  	s7 =	simm.s32 $0x138F8  }
0x44: {  	[tilespmem:s26], [sflag:$0x4] =	stream.indirect.gather [hbm4b:s4+s8], $0x80, s7, s8, $0xb8;
	[tilespmem:$0x1F2A0] =	vst v63  }
0x45: {  	s23 =	simm.s32 $0x13920  }
0x46: {  	[tilespmem:s29], [sflag:$0x5] =	stream.indirect.gather [hbm4b:s4+s8], $0x80, s23, s8, $0xb8;
	[tilespmem:$0x1F2A0] =	vst v63  }
0x47: {  	_ =	swait.ge [sflag:s30], $0x1400  }
0x48: {  	[sflag:s30] =	ssyncset.done $0x0  }
0x49: {  	s5 =	simm.s32 $0x15F90;
	[sflag:s30] =	ssyncadd.s32 $0xFFFFEC00  }
0x4a: {  	[spmem:s2] =	stream.indirect.scatter.add.f32 [tilespmem:s18], [sflag:$0x8], $0x80, s5, s8, $0xb8;
	[tilespmem:$0x1F2A0] =	vst v63  }
0x4b: {  	_ =	swait.ge [sflag:s31], $0x1400  }
0x4c: {  	[sflag:s31] =	ssyncset.done $0x0  }
0x4d: {  	s7 =	simm.s32 $0x13948;
	[sflag:s31] =	ssyncadd.s32 $0xFFFFEC00  }
0x4e: {  	[tilespmem:s18], [sflag:$0x1] =	stream.indirect.gather [hbm4b:s4+s8], $0x80, s7, s8, $0xb8;
	[tilespmem:$0x1F2A0] =	vst v63  }
0x4f: {  	_ =	swait.ge [sflag:s0], $0x1400  }
0x50: {  	[sflag:s0] =	ssyncset.done $0x0  }
0x51: {  	s23 =	simm.s32 $0x15FB8;
	[sflag:s0] =	ssyncadd.s32 $0xFFFFEC00  }
0x52: {  	[spmem:s2] =	stream.indirect.scatter.add.f32 [tilespmem:s20], [sflag:$0x8], $0x80, s23, s8, $0xb8;
	[tilespmem:$0x1F2A0] =	vst v63  }
0x53: {  	_ =	swait.ge [sflag:s31], $0x1400  }
0x54: {  	[sflag:s31] =	ssyncset.done $0x0  }
0x55: {  	s5 =	simm.s32 $0x13970;
	[sflag:s31] =	ssyncadd.s32 $0xFFFFEC00  }
0x56: {  	[tilespmem:s20], [sflag:$0x2] =	stream.indirect.gather [hbm4b:s4+s8], $0x80, s5, s8, $0xb8;
	[tilespmem:$0x1F2A0] =	vst v63  }
0x57: {  	_ =	swait.ge [sflag:s14], $0x1400  }
0x58: {  	[sflag:s14] =	ssyncset.done $0x0  }
0x59: {  	s7 =	simm.s32 $0x15FE0;
	[sflag:s14] =	ssyncadd.s32 $0xFFFFEC00  }
0x5a: {  	[spmem:s2] =	stream.indirect.scatter.add.f32 [tilespmem:s22], [sflag:$0x8], $0x80, s7, s8, $0xb8;
	[tilespmem:$0x1F2A0] =	vst v63  }
0x5b: {  	_ =	swait.ge [sflag:s31], $0x1400  }
0x5c: {  	[sflag:s31] =	ssyncset.done $0x0  }
0x5d: {  	s23 =	simm.s32 $0x13998;
	[sflag:s31] =	ssyncadd.s32 $0xFFFFEC00  }
0x5e: {  	[tilespmem:s22], [sflag:$0x3] =	stream.indirect.gather [hbm4b:s4+s8], $0x80, s23, s8, $0xb8;
	[tilespmem:$0x1F2A0] =	vst v63  }
0x5f: {  	_ =	swait.ge [sflag:s19], $0x1400  }
0x60: {  	[sflag:s19] =	ssyncset.done $0x0  }
0x61: {  	s5 =	simm.s32 $0x16008;
	[sflag:s19] =	ssyncadd.s32 $0xFFFFEC00  }
0x62: {  	[spmem:s2] =	stream.indirect.scatter.add.f32 [tilespmem:s26], [sflag:$0x8], $0x80, s5, s8, $0xb8;
	[tilespmem:$0x1F2A0] =	vst v63  }
0x63: {  	_ =	swait.ge [sflag:s31], $0x1400  }
0x64: {  	[sflag:s31] =	ssyncset.done $0x0  }
0x65: {  	s7 =	simm.s32 $0x139C0;
	[sflag:s31] =	ssyncadd.s32 $0xFFFFEC00  }
0x66: {  	[tilespmem:s26], [sflag:$0x4] =	stream.indirect.gather [hbm4b:s4+s8], $0x80, s7, s8, $0xb8;
	[tilespmem:$0x1F2A0] =	vst v63  }
0x67: {  	_ =	swait.ge [sflag:s21], $0x1400  }
0x68: {  	[sflag:s21] =	ssyncset.done $0x0  }
0x69: {  	s23 =	simm.s32 $0x16030;
	[sflag:s21] =	ssyncadd.s32 $0xFFFFEC00  }
0x6a: {  	[spmem:s2] =	stream.indirect.scatter.add.f32 [tilespmem:s29], [sflag:$0x8], $0x80, s23, s8, $0xb8;
	[tilespmem:$0x1F2A0] =	vst v63  }
0x6b: {  	_ =	swait.ge [sflag:s31], $0x1400  }
0x6c: {  	[sflag:s31] =	ssyncset.done $0x0  }
0x6d: {  	s1 =	simm.s32 $0x139E8;
	s23 =	simm.s32 $0x320;
	[sflag:s31] =	ssyncadd.s32 $0xFFFFEC00  }
.LBB2_8:
0x6e: {  	[tilespmem:s29], [sflag:$0x5] =	stream.indirect.gather [hbm4b:s4+s8], $0x80, s1, s8, $0xb8;
	[tilespmem:$0x1F2A0] =	vst v63  }
0x6f: {  	s1 =	smov.u32 s23  }
0x70: {  	p1 =	sne.s32 s23, $0x9600;
	s23 =	sadd.s32 $0x320, s23;
	_ =	swait.ge [sflag:s30], $0x1400  }
0x71: {  	s1 =	sshra.s32 s1, $0x2;
	[sflag:s30] =	ssyncset.done $0x0  }
0x72: {  	s5 =	sadd.s32 $0x15F90, s1;
	[sflag:s30] =	ssyncadd.s32 $0xFFFFEC00  }
0x73: {  	[spmem:s2] =	stream.indirect.scatter.add.f32 [tilespmem:s18], [sflag:$0x8], $0x80, s5, s8, $0xb8;
	[tilespmem:$0x1F2A0] =	vst v63  }
0x74: {  	_ =	swait.ge [sflag:s31], $0x1400  }
0x75: {  	[sflag:s31] =	ssyncset.done $0x0  }
0x76: {  	s5 =	sadd.s32 $0x13948, s1;
	[sflag:s31] =	ssyncadd.s32 $0xFFFFEC00  }
0x77: {  	[tilespmem:s18], [sflag:$0x1] =	stream.indirect.gather [hbm4b:s4+s8], $0x80, s5, s8, $0xb8;
	[tilespmem:$0x1F2A0] =	vst v63  }
0x78: {  	_ =	swait.ge [sflag:s0], $0x1400  }
0x79: {  	[sflag:s0] =	ssyncset.done $0x0  }
0x7a: {  	s5 =	sadd.s32 $0x15FB8, s1;
	[sflag:s0] =	ssyncadd.s32 $0xFFFFEC00  }
0x7b: {  	[spmem:s2] =	stream.indirect.scatter.add.f32 [tilespmem:s20], [sflag:$0x8], $0x80, s5, s8, $0xb8;
	[tilespmem:$0x1F2A0] =	vst v63  }
0x7c: {  	_ =	swait.ge [sflag:s31], $0x1400  }
0x7d: {  	[sflag:s31] =	ssyncset.done $0x0  }
0x7e: {  	s5 =	sadd.s32 $0x13970, s1;
	[sflag:s31] =	ssyncadd.s32 $0xFFFFEC00  }
0x7f: {  	[tilespmem:s20], [sflag:$0x2] =	stream.indirect.gather [hbm4b:s4+s8], $0x80, s5, s8, $0xb8;
	[tilespmem:$0x1F2A0] =	vst v63  }
0x80: {  	_ =	swait.ge [sflag:s14], $0x1400  }
0x81: {  	[sflag:s14] =	ssyncset.done $0x0  }
0x82: {  	s5 =	sadd.s32 $0x15FE0, s1;
	[sflag:s14] =	ssyncadd.s32 $0xFFFFEC00  }
0x83: {  	[spmem:s2] =	stream.indirect.scatter.add.f32 [tilespmem:s22], [sflag:$0x8], $0x80, s5, s8, $0xb8;
	[tilespmem:$0x1F2A0] =	vst v63  }
0x84: {  	_ =	swait.ge [sflag:s31], $0x1400  }
0x85: {  	[sflag:s31] =	ssyncset.done $0x0  }
0x86: {  	s5 =	sadd.s32 $0x13998, s1;
	[sflag:s31] =	ssyncadd.s32 $0xFFFFEC00  }
0x87: {  	[tilespmem:s22], [sflag:$0x3] =	stream.indirect.gather [hbm4b:s4+s8], $0x80, s5, s8, $0xb8;
	[tilespmem:$0x1F2A0] =	vst v63  }
0x88: {  	_ =	swait.ge [sflag:s19], $0x1400  }
0x89: {  	[sflag:s19] =	ssyncset.done $0x0  }
0x8a: {  	s5 =	sadd.s32 $0x16008, s1;
	[sflag:s19] =	ssyncadd.s32 $0xFFFFEC00  }
0x8b: {  	[spmem:s2] =	stream.indirect.scatter.add.f32 [tilespmem:s26], [sflag:$0x8], $0x80, s5, s8, $0xb8;
	[tilespmem:$0x1F2A0] =	vst v63  }
0x8c: {  	_ =	swait.ge [sflag:s31], $0x1400  }
0x8d: {  	[sflag:s31] =	ssyncset.done $0x0  }
0x8e: {  	s5 =	sadd.s32 $0x139C0, s1;
	[sflag:s31] =	ssyncadd.s32 $0xFFFFEC00  }
0x8f: {  	[tilespmem:s26], [sflag:$0x4] =	stream.indirect.gather [hbm4b:s4+s8], $0x80, s5, s8, $0xb8;
	[tilespmem:$0x1F2A0] =	vst v63  }
0x90: {  	_ =	swait.ge [sflag:s21], $0x1400  }
0x91: {  	[sflag:s21] =	ssyncset.done $0x0  }
.Ltmp5:
0x92: {  	s5 =	sadd.s32 $0x16030, s1;
	[sflag:s21] =	ssyncadd.s32 $0xFFFFEC00;
	(pc) =	sbr.rel @p1 .LBB2_8-.Ltmp5, $4  }
0x93: {  	[spmem:s2] =	stream.indirect.scatter.add.f32 [tilespmem:s29], [sflag:$0x8], $0x80, s5, s8, $0xb8;
	[tilespmem:$0x1F2A0] =	vst v63  }
0x94: {  	_ =	swait.ge [sflag:s31], $0x1400  }
0x95: {  	[sflag:s31] =	ssyncset.done $0x0  }
0x96: {  	s1 =	sadd.s32 $0x139E8, s1;
	[sflag:s31] =	ssyncadd.s32 $0xFFFFEC00  }
0x97: {  	[tilespmem:s29], [sflag:$0x5] =	stream.indirect.gather [hbm4b:s4+s8], $0x80, s1, s8, $0xb8;
	[tilespmem:$0x1F2A0] =	vst v63  }
0x98: {  	_ =	swait.ge [sflag:s30], $0x1400  }
0x99: {  	[sflag:s30] =	ssyncset.done $0x0  }
0x9a: {  	s7 =	simm.s32 $0x185D8;
	[sflag:s30] =	ssyncadd.s32 $0xFFFFEC00  }
0x9b: {  	[spmem:s2] =	stream.indirect.scatter.add.f32 [tilespmem:s18], [sflag:$0x8], $0x80, s7, s8, $0xb8;
	[tilespmem:$0x1F2A0] =	vst v63  }
0x9c: {  	_ =	swait.ge [sflag:s31], $0x1400  }
0x9d: {  	[sflag:s31] =	ssyncset.done $0x0  }
0x9e: {  	[sflag:s31] =	ssyncadd.s32 $0xFFFFEC00  }
0x9f: {  	_ =	swait.ge [sflag:s0], $0x1400  }
0xa0: {  	[sflag:s0] =	ssyncset.done $0x0  }
0xa1: {  	s23 =	simm.s32 $0x18600;
	[sflag:s0] =	ssyncadd.s32 $0xFFFFEC00  }
0xa2: {  	[spmem:s2] =	stream.indirect.scatter.add.f32 [tilespmem:s20], [sflag:$0x8], $0x80, s23, s8, $0xb8;
	[tilespmem:$0x1F2A0] =	vst v63  }
0xa3: {  	_ =	swait.ge [sflag:s31], $0x1400  }
0xa4: {  	[sflag:s31] =	ssyncset.done $0x0  }
0xa5: {  	[sflag:s31] =	ssyncadd.s32 $0xFFFFEC00  }
0xa6: {  	_ =	swait.ge [sflag:s14], $0x1400  }
0xa7: {  	[sflag:s14] =	ssyncset.done $0x0  }
0xa8: {  	s5 =	simm.s32 $0x18628;
	[sflag:s14] =	ssyncadd.s32 $0xFFFFEC00  }
0xa9: {  	[spmem:s2] =	stream.indirect.scatter.add.f32 [tilespmem:s22], [sflag:$0x8], $0x80, s5, s8, $0xb8;
	[tilespmem:$0x1F2A0] =	vst v63  }
0xaa: {  	_ =	swait.ge [sflag:s31], $0x1400  }
0xab: {  	[sflag:s31] =	ssyncset.done $0x0  }
0xac: {  	[sflag:s31] =	ssyncadd.s32 $0xFFFFEC00  }
0xad: {  	_ =	swait.ge [sflag:s19], $0x1400  }
0xae: {  	[sflag:s19] =	ssyncset.done $0x0  }
0xaf: {  	s7 =	simm.s32 $0x18650;
	[sflag:s19] =	ssyncadd.s32 $0xFFFFEC00  }
0xb0: {  	[spmem:s2] =	stream.indirect.scatter.add.f32 [tilespmem:s26], [sflag:$0x8], $0x80, s7, s8, $0xb8;
	[tilespmem:$0x1F2A0] =	vst v63  }
0xb1: {  	_ =	swait.ge [sflag:s31], $0x1400  }
0xb2: {  	[sflag:s31] =	ssyncset.done $0x0  }
0xb3: {  	[sflag:s31] =	ssyncadd.s32 $0xFFFFEC00  }
0xb4: {  	_ =	swait.ge [sflag:s21], $0x1400  }
0xb5: {  	[sflag:s21] =	ssyncset.done $0x0  }
0xb6: {  	s23 =	simm.s32 $0x18678;
	[sflag:s21] =	ssyncadd.s32 $0xFFFFEC00  }
0xb7: {  	[spmem:s2] =	stream.indirect.scatter.add.f32 [tilespmem:s29], [sflag:$0x8], $0x80, s23, s8, $0xb8;
	[tilespmem:$0x1F2A0] =	vst v63  }
0xb8: {  	_ =	swait.ge [sflag:s31], $0x1400  }
0xb9: {  	[sflag:s31] =	ssyncset.done $0x0  }
0xba: {  	[sflag:s31] =	ssyncadd.s32 $0xFFFFEC00  }
0xbb: {  	s1 =	simm.s32 @p0 $0x1FC8;
	[bflag:$0x0] =	sbarrier.arrive $0xFFFF  }
0xbc: {  	[hbm:s11], [sflag:s1] =	dma.local @p0 [spmem:s24], $0x2800  }
0xbd: {  	s1 =	simm.s32 @p0 $0x8  }
0xbe: {  	s5 =	stileid.u32;
	_ =	swait.ge @p0 [sflag:s1], $0x2800  }
0xbf: {  	s28 =	sadd.s32 $0x1, s28;
	s5 =	sshll.u32 @!p0 s5, $0x6;
	[sflag:s1] =	ssyncset.done @p0 $0x0  }
0xc0: {  	p1 =	sne.s32 s28, s12;
	[sflag:s1] =	ssyncadd.s32 @p0 $0xFFFFD800;
	s1 =	sor.u32 @!p0 $0x1C08, s5  }
0xc1: {  	[hbm:s10], [sflag:s1] =	dma.local @!p0 [spmem:s25], $0x2700  }
.Ltmp6:
0xc2: {  	_ = 	snop;
	(pc) =	sbr.rel @p1 .LBB2_1-.Ltmp6, $4  }
0xc3: {  	s1 =	simm.s32 @!p0 $0x8  }
0xc4: {  	_ =	swait.ge @!p0 [sflag:s1], $0x2700  }
0xc5: {  	[sflag:s1] =	ssyncset.done @!p0 $0x0  }
0xc6: {  	[sflag:s1] =	ssyncadd.s32 @!p0 $0xFFFFD900  }
0xc7: {  	_ =	sfence.sel $0x180000  }
0xc8: {  	[bflag:$0x0] =	sbarrier.arrive $0xFFFF  }
0xc9: {  	_ =	strace $0x9000004D  }
0xca: {  	s0 =	stileid.u32;
	[bflag:$0x2] =	sbarrier.arrive $0xFFFF  }
0xcb: {  	p0 =	sne.s32 s0, $0x0;
	s0 =	rddreg [dreg:$0x2]  }
0xcc: {  	s0 =	sadd.s32 @!p0 $0x100000, s0  }
0xcd: {  	[sflag:s0] =	ssyncadd.tile.s32 @!p0 $0x1;
	_ =	shalt  }
.Lfunc_end2:
_tile_overlayer_lowered:
.L_overlay_start_2:
0xce: {  	(tag) =	ssettag $0x2  }
0xcf: {  	s0 =	rddreg [dreg:$0x0];
	s2 =	stileid.u32  }
0xd0: {  	s1 =	rddreg [dreg:$0x1];
	p0 =	sne.s32 s2, $0x0  }
0xd1: {  	s3 =	rddreg [dreg:$0x2];
	[bflag:$0x3] =	sbarrier.arrive $0xFFFF;
	s2 =	simm.s32 @!p0 $0x1C08  }
0xd2: {  	[timem:s3], [sflag:s2] =	dma.local @!p0 [hbm:s0], s1  }
0xd3: {  	s0 =	simm.s32 @!p0 $0x8  }
0xd4: {  	_ =	swait.ge @!p0 [sflag:s0], s1  }
0xd5: {  	s1 =	ssub.s32 @!p0 $0x0, s1;
	[sflag:s0] =	ssyncset.done @!p0 $0x0  }
0xd6: {  	[sflag:s0] =	ssyncadd.s32 @!p0 s1  }
0xd7: {  	[bflag:$0x3] =	sbarrier.arrive $0xFFFF  }
0xd8: {  	_ =	shalt  }

</sc_bundles>
